<compile_context>
chip_gen: v7x
topology: tpu7x:2x2x1
jax: 0.10.2.dev20260603
libtpu: 0.0.44.dev20260713+nightly
codegen_flags: <defaults>
</compile_context>

<pallas_src>
import functools

import numpy as np
import jax
import jax.numpy as jnp
from jax import lax
from jax.experimental import pallas as pl
from jax.experimental.pallas import tpu as pltpu
from jax.experimental.pallas import tpu_sc as plsc

SEQ_LEN = 2048
VOCAB = 100000
D_MODEL = 1024
BATCH = 4

NCORES = 2
NW = 16 * NCORES
S_PER_W = SEQ_LEN // NW
CHUNK = 16
NCH = S_PER_W // CHUNK
NUNITS = NCH * BATCH
NBUF = 3
PFD = 1
LANES = 16
VPR = D_MODEL // LANES


def _pos_encoding() -> np.ndarray:
    pos = np.arange(SEQ_LEN)[:, None].astype(np.float32)
    i = np.arange(D_MODEL)[None, :]
    angle_rates = 1.0 / np.power(10000.0, (2.0 * (i // 2)) / np.float32(D_MODEL))
    angles = pos * angle_rates
    return np.where(i % 2 == 0, np.sin(angles), np.cos(angles)).astype(np.float32)


_PE = _pos_encoding()


_MESH = plsc.VectorSubcoreMesh(core_axis_name="c", subcore_axis_name="s")


@functools.partial(
    pl.kernel,
    mesh=_MESH,
    out_type=[
        jax.ShapeDtypeStruct((BATCH, SEQ_LEN, D_MODEL), jnp.float32),
        jax.ShapeDtypeStruct((BATCH, SEQ_LEN, D_MODEL), jnp.float32),
    ],
    scratch_types=[
        pltpu.VMEM((BATCH * S_PER_W,), jnp.int32),
        pltpu.VMEM((BATCH * S_PER_W,), jnp.int32),
        pltpu.VMEM((NBUF, CHUNK, D_MODEL), jnp.float32),
        pltpu.VMEM((NBUF, CHUNK, D_MODEL), jnp.float32),
        pltpu.VMEM((CHUNK, D_MODEL), jnp.float32),
        pltpu.SemaphoreType.DMA((NBUF,)),
        pltpu.SemaphoreType.DMA((NBUF,)),
        pltpu.SemaphoreType.DMA((NBUF,)),
        pltpu.SemaphoreType.DMA((NBUF,)),
    ],
)
def _emb_kernel(x_hbm, xo_hbm, pe_hbm, tab_hbm, enc_hbm, dec_hbm,
                idx_e, idx_d, emb_e, emb_d, pe_v,
                sem_ge, sem_gd, sem_we, sem_wd):
    wid = lax.axis_index("s") * NCORES + lax.axis_index("c")
    s0 = wid * S_PER_W

    for b in range(BATCH):
        pltpu.sync_copy(x_hbm.at[pl.ds(b * SEQ_LEN + s0, S_PER_W)],
                        idx_e.at[pl.ds(b * S_PER_W, S_PER_W)])
        pltpu.sync_copy(xo_hbm.at[pl.ds(b * SEQ_LEN + s0, S_PER_W)],
                        idx_d.at[pl.ds(b * S_PER_W, S_PER_W)])

    for k in range(PFD):
        offk = (k % BATCH) * S_PER_W + (k // BATCH) * CHUNK
        pltpu.async_copy(tab_hbm.at[idx_e.at[pl.ds(offk, CHUNK)]],
                         emb_e.at[k], sem_ge.at[k])
        pltpu.async_copy(tab_hbm.at[idx_d.at[pl.ds(offk, CHUNK)]],
                         emb_d.at[k], sem_gd.at[k])

    def unit_body(u, carry):
        b = lax.rem(u, BATCH)
        c = lax.div(u, BATCH)
        cur = lax.rem(u, NBUF)
        nx = lax.rem(u + PFD, NBUF)
        sb = s0 + c * CHUNK

        @pl.when(b == 0)
        def _():
            pltpu.sync_copy(pe_hbm.at[pl.ds(sb, CHUNK)], pe_v)

        u2 = u + PFD
        off2 = lax.rem(u2, BATCH) * S_PER_W + lax.div(u2, BATCH) * CHUNK

        @pl.when(u >= NBUF - PFD)
        def _():
            pltpu.make_async_copy(emb_e.at[nx],
                                  enc_hbm.at[0, pl.ds(0, CHUNK)],
                                  sem_we.at[nx]).wait()

        @pl.when(u2 < NUNITS)
        def _():
            pltpu.async_copy(tab_hbm.at[idx_e.at[pl.ds(off2, CHUNK)]],
                             emb_e.at[nx], sem_ge.at[nx])

        @pl.when(u >= NBUF - PFD)
        def _():
            pltpu.make_async_copy(emb_d.at[nx],
                                  dec_hbm.at[0, pl.ds(0, CHUNK)],
                                  sem_wd.at[nx]).wait()

        @pl.when(u2 < NUNITS)
        def _():
            pltpu.async_copy(tab_hbm.at[idx_d.at[pl.ds(off2, CHUNK)]],
                             emb_d.at[nx], sem_gd.at[nx])

        off = b * S_PER_W + c * CHUNK
        pltpu.make_async_copy(tab_hbm.at[idx_e.at[pl.ds(off, CHUNK)]],
                              emb_e.at[cur], sem_ge.at[cur]).wait()
        pltpu.make_async_copy(tab_hbm.at[idx_d.at[pl.ds(off, CHUNK)]],
                              emb_d.at[cur], sem_gd.at[cur]).wait()

        @plsc.parallel_loop(0, CHUNK, unroll=2)
        def row_body(r):
            for j in range(VPR):
                sl = pl.ds(j * LANES, LANES)
                pv = pe_v[r, sl]
                plsc.addupdate(emb_e.at[cur, r, sl], pv)
                plsc.addupdate(emb_d.at[cur, r, sl], pv)

        pltpu.async_copy(emb_e.at[cur], enc_hbm.at[b, pl.ds(sb, CHUNK)],
                         sem_we.at[cur])
        pltpu.async_copy(emb_d.at[cur], dec_hbm.at[b, pl.ds(sb, CHUNK)],
                         sem_wd.at[cur])
        return carry

    lax.fori_loop(0, NUNITS, unit_body, 0)

    for u in range(max(0, NUNITS - (NBUF - PFD)), NUNITS):
        s = u % NBUF
        pltpu.make_async_copy(emb_e.at[s], enc_hbm.at[0, pl.ds(0, CHUNK)],
                              sem_we.at[s]).wait()
        pltpu.make_async_copy(emb_d.at[s], dec_hbm.at[0, pl.ds(0, CHUNK)],
                              sem_wd.at[s]).wait()


def kernel(x, x_output, emb_table):
    enc, dec = _emb_kernel(x.reshape(-1), x_output.reshape(-1),
                           jnp.asarray(_PE), emb_table)
    return (enc, dec)

# --- scband reference (transcript-rebuilt; emitter-appended) ---
"""Pipeline reference for scband-embedder-20091857010910 (READ-ONLY COPY).

The authoritative reference and input builder live on the scoring server;
editing this copy changes nothing except your own understanding.
"""

import jax, jax.numpy as jnp
import numpy as np

SEQ_LEN = 2048
VOCAB = 100000
D_MODEL = 1024
BATCH = 4

def positional_encoding(seq_len, d_model):
    pos = np.arange(seq_len)[:, None].astype(np.float32)
    i = np.arange(d_model)[None, :]
    angle_rates = 1.0 / np.power(10000.0, (2.0 * (i // 2)) / np.float32(d_model))
    angles = pos * angle_rates
    pe = np.where(i % 2 == 0, np.sin(angles), np.cos(angles)).astype(np.float32)
    return jnp.asarray(pe)

def setup_inputs(seed: int = 0) -> dict:
    key = jax.random.key(seed)
    k1, k2, k3 = jax.random.split(key, 3)
    x = jax.random.randint(k1, (BATCH, SEQ_LEN), 0, VOCAB, dtype=jnp.int32)
    x_output = jax.random.randint(k2, (BATCH, SEQ_LEN), 0, VOCAB, dtype=jnp.int32)
    # keras Embedding with embeddings_initializer='uniform' -> RandomUniform(-0.05, 0.05)
    emb_table = jax.random.uniform(k3, (VOCAB, D_MODEL), minval=-0.05, maxval=0.05, dtype=jnp.float32)
    return {"x": x, "x_output": x_output, "emb_table": emb_table}

def reference(x, x_output, emb_table):
    # shared word embedding for encoder and decoder streams
    enc_emb = jnp.take(emb_table, x, axis=0)          # [B, S, D]
    dec_emb = jnp.take(emb_table, x_output, axis=0)   # [B, S, D]
    pe = positional_encoding(SEQ_LEN, D_MODEL)        # [S, D]
    enc_total = enc_emb + pe[None, :, :]              # Add([embedding, positional])
    dec_total = dec_emb + pe[None, :, :]
    # Dropout is identity at inference
    h_L0 = enc_total
    h_output = dec_total
    return (h_L0, h_output)

if __name__ == "__main__":
    import jax
    _d = setup_inputs()
    print(jax.jit(kernel)(*tuple(_d.values())))

</pallas_src>

<mosaic_0001>
#map = affine_map<(d0, d1) -> (0)>
#map1 = affine_map<(d0, d1) -> (0, 0)>
#map2 = affine_map<(d0, d1) -> (0, 0, 0)>
module attributes {stable_mosaic.version = 14 : i64} {
  func.func @_emb_kernel(%arg0: i32, %arg1: i32, %arg2: memref<8192xi32, #tpu.memory_space<hbm>>, %arg3: memref<8192xi32, #tpu.memory_space<hbm>>, %arg4: memref<2048x1024xf32, #tpu.memory_space<hbm>>, %arg5: memref<100000x1024xf32, #tpu.memory_space<hbm>>, %arg6: memref<4x2048x1024xf32, #tpu.memory_space<hbm>>, %arg7: memref<4x2048x1024xf32, #tpu.memory_space<hbm>>, %arg8: memref<256xi32, #tpu.memory_space<vmem>>, %arg9: memref<256xi32, #tpu.memory_space<vmem>>, %arg10: memref<3x16x1024xf32, #tpu.memory_space<vmem>>, %arg11: memref<3x16x1024xf32, #tpu.memory_space<vmem>>, %arg12: memref<16x1024xf32, #tpu.memory_space<vmem>>, %arg13: memref<3x!tpu.dma_semaphore, #tpu.memory_space<semaphore_mem>>, %arg14: memref<3x!tpu.dma_semaphore, #tpu.memory_space<semaphore_mem>>, %arg15: memref<3x!tpu.dma_semaphore, #tpu.memory_space<semaphore_mem>>, %arg16: memref<3x!tpu.dma_semaphore, #tpu.memory_space<semaphore_mem>>) attributes {dimension_semantics = [#tpu.dimension_semantics<core_parallel>, #tpu.dimension_semantics<subcore_parallel>], iteration_bounds = array<i64: 2, 16>, scalar_prefetch = 0 : i64, scratch_operands = 9 : i64, tpu.core_type = #tpu.core_type<sc_vector_subcore>, window_params = [{transform_indices = #map}, {transform_indices = #map}, {transform_indices = #map1}, {transform_indices = #map1}, {transform_indices = #map2}, {transform_indices = #map2}]} {
    %mul3A = arith.constant 2 : i32
    %mul3A_0 = arith.muli %arg1, %mul3A : i32
    %add3A = arith.addi %mul3A_0, %arg0 : i32
    %mul3A_1 = arith.constant 64 : i32
    %mul3A_2 = arith.muli %add3A, %mul3A_1 : i32
    %add3A_3 = arith.constant 0 : i32
    %add3A_4 = arith.addi %add3A_3, %mul3A_2 : i32
    "tpu.region"() ({
      %run_scoped3A = tpu.sem_alloc : memref<!tpu.dma_semaphore, #tpu.memory_space<semaphore_mem>>
      %dma_start3A_132 = arith.constant 0 : i32
      %dma_start3A_133 = tpu.memref_slice %arg8[%dma_start3A_132] : memref<256xi32, #tpu.memory_space<vmem>> -> memref<64xi32, #tpu.memory_space<vmem>>
      %dma_start3A_134 = tpu.memref_slice %arg2[%add3A_4] : memref<8192xi32, #tpu.memory_space<hbm>> -> memref<64xi32, #tpu.memory_space<hbm>>
      %dma_start3A_135 = arith.constant 0 : i32
      %dma_start3A_136 = tpu.memref_slice %arg8[%dma_start3A_135] : memref<256xi32, #tpu.memory_space<vmem>> -> memref<64xi32, #tpu.memory_space<vmem>>
      %dma_start3A_137 = tpu.memref_slice %arg2[%add3A_4] : memref<8192xi32, #tpu.memory_space<hbm>> -> memref<64xi32, #tpu.memory_space<hbm>>
      tpu.enqueue_dma source(%dma_start3A_137 : memref<64xi32, #tpu.memory_space<hbm>>) target(%dma_start3A_136 : memref<64xi32, #tpu.memory_space<vmem>>) target_semaphore(%run_scoped3A : memref<!tpu.dma_semaphore, #tpu.memory_space<semaphore_mem>>)
      %dma_wait3A_138 = arith.constant 0 : i32
      %dma_wait3A_139 = tpu.memref_slice %arg8[%dma_wait3A_138] : memref<256xi32, #tpu.memory_space<vmem>> -> memref<64xi32, #tpu.memory_space<vmem>>
      %dma_wait3A_140 = tpu.memref_slice %arg2[%add3A_4] : memref<8192xi32, #tpu.memory_space<hbm>> -> memref<64xi32, #tpu.memory_space<hbm>>
      %dma_wait3A_141 = arith.constant 0 : i32
      %dma_wait3A_142 = tpu.memref_slice %arg8[%dma_wait3A_141] : memref<256xi32, #tpu.memory_space<vmem>> -> memref<64xi32, #tpu.memory_space<vmem>>
      %dma_wait3A_143 = tpu.memref_slice %arg2[%add3A_4] : memref<8192xi32, #tpu.memory_space<hbm>> -> memref<64xi32, #tpu.memory_space<hbm>>
      tpu.wait_dma2 semaphore(%run_scoped3A : memref<!tpu.dma_semaphore, #tpu.memory_space<semaphore_mem>>) src(%dma_wait3A_143 : memref<64xi32, #tpu.memory_space<hbm>>) dst(%dma_wait3A_142 : memref<64xi32, #tpu.memory_space<vmem>>)
      tpu.yield
    }) : () -> ()
    %add3A_5 = arith.constant 0 : i32
    %add3A_6 = arith.addi %add3A_5, %mul3A_2 : i32
    "tpu.region"() ({
      %run_scoped3A = tpu.sem_alloc : memref<!tpu.dma_semaphore, #tpu.memory_space<semaphore_mem>>
      %dma_start3A_132 = arith.constant 0 : i32
      %dma_start3A_133 = tpu.memref_slice %arg9[%dma_start3A_132] : memref<256xi32, #tpu.memory_space<vmem>> -> memref<64xi32, #tpu.memory_space<vmem>>
      %dma_start3A_134 = tpu.memref_slice %arg3[%add3A_6] : memref<8192xi32, #tpu.memory_space<hbm>> -> memref<64xi32, #tpu.memory_space<hbm>>
      %dma_start3A_135 = arith.constant 0 : i32
      %dma_start3A_136 = tpu.memref_slice %arg9[%dma_start3A_135] : memref<256xi32, #tpu.memory_space<vmem>> -> memref<64xi32, #tpu.memory_space<vmem>>
      %dma_start3A_137 = tpu.memref_slice %arg3[%add3A_6] : memref<8192xi32, #tpu.memory_space<hbm>> -> memref<64xi32, #tpu.memory_space<hbm>>
      tpu.enqueue_dma source(%dma_start3A_137 : memref<64xi32, #tpu.memory_space<hbm>>) target(%dma_start3A_136 : memref<64xi32, #tpu.memory_space<vmem>>) target_semaphore(%run_scoped3A : memref<!tpu.dma_semaphore, #tpu.memory_space<semaphore_mem>>)
      %dma_wait3A_138 = arith.constant 0 : i32
      %dma_wait3A_139 = tpu.memref_slice %arg9[%dma_wait3A_138] : memref<256xi32, #tpu.memory_space<vmem>> -> memref<64xi32, #tpu.memory_space<vmem>>
      %dma_wait3A_140 = tpu.memref_slice %arg3[%add3A_6] : memref<8192xi32, #tpu.memory_space<hbm>> -> memref<64xi32, #tpu.memory_space<hbm>>
      %dma_wait3A_141 = arith.constant 0 : i32
      %dma_wait3A_142 = tpu.memref_slice %arg9[%dma_wait3A_141] : memref<256xi32, #tpu.memory_space<vmem>> -> memref<64xi32, #tpu.memory_space<vmem>>
      %dma_wait3A_143 = tpu.memref_slice %arg3[%add3A_6] : memref<8192xi32, #tpu.memory_space<hbm>> -> memref<64xi32, #tpu.memory_space<hbm>>
      tpu.wait_dma2 semaphore(%run_scoped3A : memref<!tpu.dma_semaphore, #tpu.memory_space<semaphore_mem>>) src(%dma_wait3A_143 : memref<64xi32, #tpu.memory_space<hbm>>) dst(%dma_wait3A_142 : memref<64xi32, #tpu.memory_space<vmem>>)
      tpu.yield
    }) : () -> ()
    %add3A_7 = arith.constant 2048 : i32
    %add3A_8 = arith.addi %add3A_7, %mul3A_2 : i32
    "tpu.region"() ({
      %run_scoped3A = tpu.sem_alloc : memref<!tpu.dma_semaphore, #tpu.memory_space<semaphore_mem>>
      %dma_start3A_132 = arith.constant 64 : i32
      %dma_start3A_133 = tpu.memref_slice %arg8[%dma_start3A_132] : memref<256xi32, #tpu.memory_space<vmem>> -> memref<64xi32, #tpu.memory_space<vmem>>
      %dma_start3A_134 = tpu.memref_slice %arg2[%add3A_8] : memref<8192xi32, #tpu.memory_space<hbm>> -> memref<64xi32, #tpu.memory_space<hbm>>
      %dma_start3A_135 = arith.constant 64 : i32
      %dma_start3A_136 = tpu.memref_slice %arg8[%dma_start3A_135] : memref<256xi32, #tpu.memory_space<vmem>> -> memref<64xi32, #tpu.memory_space<vmem>>
      %dma_start3A_137 = tpu.memref_slice %arg2[%add3A_8] : memref<8192xi32, #tpu.memory_space<hbm>> -> memref<64xi32, #tpu.memory_space<hbm>>
      tpu.enqueue_dma source(%dma_start3A_137 : memref<64xi32, #tpu.memory_space<hbm>>) target(%dma_start3A_136 : memref<64xi32, #tpu.memory_space<vmem>>) target_semaphore(%run_scoped3A : memref<!tpu.dma_semaphore, #tpu.memory_space<semaphore_mem>>)
      %dma_wait3A_138 = arith.constant 64 : i32
      %dma_wait3A_139 = tpu.memref_slice %arg8[%dma_wait3A_138] : memref<256xi32, #tpu.memory_space<vmem>> -> memref<64xi32, #tpu.memory_space<vmem>>
      %dma_wait3A_140 = tpu.memref_slice %arg2[%add3A_8] : memref<8192xi32, #tpu.memory_space<hbm>> -> memref<64xi32, #tpu.memory_space<hbm>>
      %dma_wait3A_141 = arith.constant 64 : i32
      %dma_wait3A_142 = tpu.memref_slice %arg8[%dma_wait3A_141] : memref<256xi32, #tpu.memory_space<vmem>> -> memref<64xi32, #tpu.memory_space<vmem>>
      %dma_wait3A_143 = tpu.memref_slice %arg2[%add3A_8] : memref<8192xi32, #tpu.memory_space<hbm>> -> memref<64xi32, #tpu.memory_space<hbm>>
      tpu.wait_dma2 semaphore(%run_scoped3A : memref<!tpu.dma_semaphore, #tpu.memory_space<semaphore_mem>>) src(%dma_wait3A_143 : memref<64xi32, #tpu.memory_space<hbm>>) dst(%dma_wait3A_142 : memref<64xi32, #tpu.memory_space<vmem>>)
      tpu.yield
    }) : () -> ()
    %add3A_9 = arith.constant 2048 : i32
    %add3A_10 = arith.addi %add3A_9, %mul3A_2 : i32
    "tpu.region"() ({
      %run_scoped3A = tpu.sem_alloc : memref<!tpu.dma_semaphore, #tpu.memory_space<semaphore_mem>>
      %dma_start3A_132 = arith.constant 64 : i32
      %dma_start3A_133 = tpu.memref_slice %arg9[%dma_start3A_132] : memref<256xi32, #tpu.memory_space<vmem>> -> memref<64xi32, #tpu.memory_space<vmem>>
      %dma_start3A_134 = tpu.memref_slice %arg3[%add3A_10] : memref<8192xi32, #tpu.memory_space<hbm>> -> memref<64xi32, #tpu.memory_space<hbm>>
      %dma_start3A_135 = arith.constant 64 : i32
      %dma_start3A_136 = tpu.memref_slice %arg9[%dma_start3A_135] : memref<256xi32, #tpu.memory_space<vmem>> -> memref<64xi32, #tpu.memory_space<vmem>>
      %dma_start3A_137 = tpu.memref_slice %arg3[%add3A_10] : memref<8192xi32, #tpu.memory_space<hbm>> -> memref<64xi32, #tpu.memory_space<hbm>>
      tpu.enqueue_dma source(%dma_start3A_137 : memref<64xi32, #tpu.memory_space<hbm>>) target(%dma_start3A_136 : memref<64xi32, #tpu.memory_space<vmem>>) target_semaphore(%run_scoped3A : memref<!tpu.dma_semaphore, #tpu.memory_space<semaphore_mem>>)
      %dma_wait3A_138 = arith.constant 64 : i32
      %dma_wait3A_139 = tpu.memref_slice %arg9[%dma_wait3A_138] : memref<256xi32, #tpu.memory_space<vmem>> -> memref<64xi32, #tpu.memory_space<vmem>>
      %dma_wait3A_140 = tpu.memref_slice %arg3[%add3A_10] : memref<8192xi32, #tpu.memory_space<hbm>> -> memref<64xi32, #tpu.memory_space<hbm>>
      %dma_wait3A_141 = arith.constant 64 : i32
      %dma_wait3A_142 = tpu.memref_slice %arg9[%dma_wait3A_141] : memref<256xi32, #tpu.memory_space<vmem>> -> memref<64xi32, #tpu.memory_space<vmem>>
      %dma_wait3A_143 = tpu.memref_slice %arg3[%add3A_10] : memref<8192xi32, #tpu.memory_space<hbm>> -> memref<64xi32, #tpu.memory_space<hbm>>
      tpu.wait_dma2 semaphore(%run_scoped3A : memref<!tpu.dma_semaphore, #tpu.memory_space<semaphore_mem>>) src(%dma_wait3A_143 : memref<64xi32, #tpu.memory_space<hbm>>) dst(%dma_wait3A_142 : memref<64xi32, #tpu.memory_space<vmem>>)
      tpu.yield
    }) : () -> ()
    %add3A_11 = arith.constant 4096 : i32
    %add3A_12 = arith.addi %add3A_11, %mul3A_2 : i32
    "tpu.region"() ({
      %run_scoped3A = tpu.sem_alloc : memref<!tpu.dma_semaphore, #tpu.memory_space<semaphore_mem>>
      %dma_start3A_132 = arith.constant 128 : i32
      %dma_start3A_133 = tpu.memref_slice %arg8[%dma_start3A_132] : memref<256xi32, #tpu.memory_space<vmem>> -> memref<64xi32, #tpu.memory_space<vmem>>
      %dma_start3A_134 = tpu.memref_slice %arg2[%add3A_12] : memref<8192xi32, #tpu.memory_space<hbm>> -> memref<64xi32, #tpu.memory_space<hbm>>
      %dma_start3A_135 = arith.constant 128 : i32
      %dma_start3A_136 = tpu.memref_slice %arg8[%dma_start3A_135] : memref<256xi32, #tpu.memory_space<vmem>> -> memref<64xi32, #tpu.memory_space<vmem>>
      %dma_start3A_137 = tpu.memref_slice %arg2[%add3A_12] : memref<8192xi32, #tpu.memory_space<hbm>> -> memref<64xi32, #tpu.memory_space<hbm>>
      tpu.enqueue_dma source(%dma_start3A_137 : memref<64xi32, #tpu.memory_space<hbm>>) target(%dma_start3A_136 : memref<64xi32, #tpu.memory_space<vmem>>) target_semaphore(%run_scoped3A : memref<!tpu.dma_semaphore, #tpu.memory_space<semaphore_mem>>)
      %dma_wait3A_138 = arith.constant 128 : i32
      %dma_wait3A_139 = tpu.memref_slice %arg8[%dma_wait3A_138] : memref<256xi32, #tpu.memory_space<vmem>> -> memref<64xi32, #tpu.memory_space<vmem>>
      %dma_wait3A_140 = tpu.memref_slice %arg2[%add3A_12] : memref<8192xi32, #tpu.memory_space<hbm>> -> memref<64xi32, #tpu.memory_space<hbm>>
      %dma_wait3A_141 = arith.constant 128 : i32
      %dma_wait3A_142 = tpu.memref_slice %arg8[%dma_wait3A_141] : memref<256xi32, #tpu.memory_space<vmem>> -> memref<64xi32, #tpu.memory_space<vmem>>
      %dma_wait3A_143 = tpu.memref_slice %arg2[%add3A_12] : memref<8192xi32, #tpu.memory_space<hbm>> -> memref<64xi32, #tpu.memory_space<hbm>>
      tpu.wait_dma2 semaphore(%run_scoped3A : memref<!tpu.dma_semaphore, #tpu.memory_space<semaphore_mem>>) src(%dma_wait3A_143 : memref<64xi32, #tpu.memory_space<hbm>>) dst(%dma_wait3A_142 : memref<64xi32, #tpu.memory_space<vmem>>)
      tpu.yield
    }) : () -> ()
    %add3A_13 = arith.constant 4096 : i32
    %add3A_14 = arith.addi %add3A_13, %mul3A_2 : i32
    "tpu.region"() ({
      %run_scoped3A = tpu.sem_alloc : memref<!tpu.dma_semaphore, #tpu.memory_space<semaphore_mem>>
      %dma_start3A_132 = arith.constant 128 : i32
      %dma_start3A_133 = tpu.memref_slice %arg9[%dma_start3A_132] : memref<256xi32, #tpu.memory_space<vmem>> -> memref<64xi32, #tpu.memory_space<vmem>>
      %dma_start3A_134 = tpu.memref_slice %arg3[%add3A_14] : memref<8192xi32, #tpu.memory_space<hbm>> -> memref<64xi32, #tpu.memory_space<hbm>>
      %dma_start3A_135 = arith.constant 128 : i32
      %dma_start3A_136 = tpu.memref_slice %arg9[%dma_start3A_135] : memref<256xi32, #tpu.memory_space<vmem>> -> memref<64xi32, #tpu.memory_space<vmem>>
      %dma_start3A_137 = tpu.memref_slice %arg3[%add3A_14] : memref<8192xi32, #tpu.memory_space<hbm>> -> memref<64xi32, #tpu.memory_space<hbm>>
      tpu.enqueue_dma source(%dma_start3A_137 : memref<64xi32, #tpu.memory_space<hbm>>) target(%dma_start3A_136 : memref<64xi32, #tpu.memory_space<vmem>>) target_semaphore(%run_scoped3A : memref<!tpu.dma_semaphore, #tpu.memory_space<semaphore_mem>>)
      %dma_wait3A_138 = arith.constant 128 : i32
      %dma_wait3A_139 = tpu.memref_slice %arg9[%dma_wait3A_138] : memref<256xi32, #tpu.memory_space<vmem>> -> memref<64xi32, #tpu.memory_space<vmem>>
      %dma_wait3A_140 = tpu.memref_slice %arg3[%add3A_14] : memref<8192xi32, #tpu.memory_space<hbm>> -> memref<64xi32, #tpu.memory_space<hbm>>
      %dma_wait3A_141 = arith.constant 128 : i32
      %dma_wait3A_142 = tpu.memref_slice %arg9[%dma_wait3A_141] : memref<256xi32, #tpu.memory_space<vmem>> -> memref<64xi32, #tpu.memory_space<vmem>>
      %dma_wait3A_143 = tpu.memref_slice %arg3[%add3A_14] : memref<8192xi32, #tpu.memory_space<hbm>> -> memref<64xi32, #tpu.memory_space<hbm>>
      tpu.wait_dma2 semaphore(%run_scoped3A : memref<!tpu.dma_semaphore, #tpu.memory_space<semaphore_mem>>) src(%dma_wait3A_143 : memref<64xi32, #tpu.memory_space<hbm>>) dst(%dma_wait3A_142 : memref<64xi32, #tpu.memory_space<vmem>>)
      tpu.yield
    }) : () -> ()
    %add3A_15 = arith.constant 6144 : i32
    %add3A_16 = arith.addi %add3A_15, %mul3A_2 : i32
    "tpu.region"() ({
      %run_scoped3A = tpu.sem_alloc : memref<!tpu.dma_semaphore, #tpu.memory_space<semaphore_mem>>
      %dma_start3A_132 = arith.constant 192 : i32
      %dma_start3A_133 = tpu.memref_slice %arg8[%dma_start3A_132] : memref<256xi32, #tpu.memory_space<vmem>> -> memref<64xi32, #tpu.memory_space<vmem>>
      %dma_start3A_134 = tpu.memref_slice %arg2[%add3A_16] : memref<8192xi32, #tpu.memory_space<hbm>> -> memref<64xi32, #tpu.memory_space<hbm>>
      %dma_start3A_135 = arith.constant 192 : i32
      %dma_start3A_136 = tpu.memref_slice %arg8[%dma_start3A_135] : memref<256xi32, #tpu.memory_space<vmem>> -> memref<64xi32, #tpu.memory_space<vmem>>
      %dma_start3A_137 = tpu.memref_slice %arg2[%add3A_16] : memref<8192xi32, #tpu.memory_space<hbm>> -> memref<64xi32, #tpu.memory_space<hbm>>
      tpu.enqueue_dma source(%dma_start3A_137 : memref<64xi32, #tpu.memory_space<hbm>>) target(%dma_start3A_136 : memref<64xi32, #tpu.memory_space<vmem>>) target_semaphore(%run_scoped3A : memref<!tpu.dma_semaphore, #tpu.memory_space<semaphore_mem>>)
      %dma_wait3A_138 = arith.constant 192 : i32
      %dma_wait3A_139 = tpu.memref_slice %arg8[%dma_wait3A_138] : memref<256xi32, #tpu.memory_space<vmem>> -> memref<64xi32, #tpu.memory_space<vmem>>
      %dma_wait3A_140 = tpu.memref_slice %arg2[%add3A_16] : memref<8192xi32, #tpu.memory_space<hbm>> -> memref<64xi32, #tpu.memory_space<hbm>>
      %dma_wait3A_141 = arith.constant 192 : i32
      %dma_wait3A_142 = tpu.memref_slice %arg8[%dma_wait3A_141] : memref<256xi32, #tpu.memory_space<vmem>> -> memref<64xi32, #tpu.memory_space<vmem>>
      %dma_wait3A_143 = tpu.memref_slice %arg2[%add3A_16] : memref<8192xi32, #tpu.memory_space<hbm>> -> memref<64xi32, #tpu.memory_space<hbm>>
      tpu.wait_dma2 semaphore(%run_scoped3A : memref<!tpu.dma_semaphore, #tpu.memory_space<semaphore_mem>>) src(%dma_wait3A_143 : memref<64xi32, #tpu.memory_space<hbm>>) dst(%dma_wait3A_142 : memref<64xi32, #tpu.memory_space<vmem>>)
      tpu.yield
    }) : () -> ()
    %add3A_17 = arith.constant 6144 : i32
    %add3A_18 = arith.addi %add3A_17, %mul3A_2 : i32
    "tpu.region"() ({
      %run_scoped3A = tpu.sem_alloc : memref<!tpu.dma_semaphore, #tpu.memory_space<semaphore_mem>>
      %dma_start3A_132 = arith.constant 192 : i32
      %dma_start3A_133 = tpu.memref_slice %arg9[%dma_start3A_132] : memref<256xi32, #tpu.memory_space<vmem>> -> memref<64xi32, #tpu.memory_space<vmem>>
      %dma_start3A_134 = tpu.memref_slice %arg3[%add3A_18] : memref<8192xi32, #tpu.memory_space<hbm>> -> memref<64xi32, #tpu.memory_space<hbm>>
      %dma_start3A_135 = arith.constant 192 : i32
      %dma_start3A_136 = tpu.memref_slice %arg9[%dma_start3A_135] : memref<256xi32, #tpu.memory_space<vmem>> -> memref<64xi32, #tpu.memory_space<vmem>>
      %dma_start3A_137 = tpu.memref_slice %arg3[%add3A_18] : memref<8192xi32, #tpu.memory_space<hbm>> -> memref<64xi32, #tpu.memory_space<hbm>>
      tpu.enqueue_dma source(%dma_start3A_137 : memref<64xi32, #tpu.memory_space<hbm>>) target(%dma_start3A_136 : memref<64xi32, #tpu.memory_space<vmem>>) target_semaphore(%run_scoped3A : memref<!tpu.dma_semaphore, #tpu.memory_space<semaphore_mem>>)
      %dma_wait3A_138 = arith.constant 192 : i32
      %dma_wait3A_139 = tpu.memref_slice %arg9[%dma_wait3A_138] : memref<256xi32, #tpu.memory_space<vmem>> -> memref<64xi32, #tpu.memory_space<vmem>>
      %dma_wait3A_140 = tpu.memref_slice %arg3[%add3A_18] : memref<8192xi32, #tpu.memory_space<hbm>> -> memref<64xi32, #tpu.memory_space<hbm>>
      %dma_wait3A_141 = arith.constant 192 : i32
      %dma_wait3A_142 = tpu.memref_slice %arg9[%dma_wait3A_141] : memref<256xi32, #tpu.memory_space<vmem>> -> memref<64xi32, #tpu.memory_space<vmem>>
      %dma_wait3A_143 = tpu.memref_slice %arg3[%add3A_18] : memref<8192xi32, #tpu.memory_space<hbm>> -> memref<64xi32, #tpu.memory_space<hbm>>
      tpu.wait_dma2 semaphore(%run_scoped3A : memref<!tpu.dma_semaphore, #tpu.memory_space<semaphore_mem>>) src(%dma_wait3A_143 : memref<64xi32, #tpu.memory_space<hbm>>) dst(%dma_wait3A_142 : memref<64xi32, #tpu.memory_space<vmem>>)
      tpu.yield
    }) : () -> ()
    %dma_start3A = arith.constant 0 : i32
    %dma_start3A_19 = arith.constant 0 : i32
    %dma_start3A_20 = arith.constant 0 : i32
    %dma_start3A_21 = arith.constant 0 : i32
    %dma_start3A_22 = tpu.memref_slice %arg10[%dma_start3A, %dma_start3A_20, %dma_start3A_21] : memref<3x16x1024xf32, #tpu.memory_space<vmem>> -> memref<1x16x1024xf32, #tpu.memory_space<vmem>>
    %dma_start3A_23 = tpu.memref_squeeze %dma_start3A_22 : memref<1x16x1024xf32, #tpu.memory_space<vmem>> -> memref<16x1024xf32, #tpu.memory_space<vmem>>
    %dma_start3A_24 = arith.constant 0 : i32
    %dma_start3A_25 = tpu.memref_slice %arg8[%dma_start3A_24] : memref<256xi32, #tpu.memory_space<vmem>> -> memref<16xi32, #tpu.memory_space<vmem>>
    %dma_start3A_26 = arith.constant 0 : i32
    %dma_start3A_27 = arith.constant 0 : i32
    %dma_start3A_28 = tpu.memref_slice %arg5[%dma_start3A_26, %dma_start3A_27] : memref<100000x1024xf32, #tpu.memory_space<hbm>> -> memref<100000x1024xf32, #tpu.memory_space<hbm>>
    %dma_start3A_29 = tpu.memref_slice %arg13[%dma_start3A_19] : memref<3x!tpu.dma_semaphore, #tpu.memory_space<semaphore_mem>> -> memref<1x!tpu.dma_semaphore, #tpu.memory_space<semaphore_mem>>
    %dma_start3A_30 = tpu.memref_squeeze %dma_start3A_29 : memref<1x!tpu.dma_semaphore, #tpu.memory_space<semaphore_mem>> -> memref<!tpu.dma_semaphore, #tpu.memory_space<semaphore_mem>>
    tpu.enqueue_indirect_dma source(%dma_start3A_28 : memref<100000x1024xf32, #tpu.memory_space<hbm>>) target(%dma_start3A_23 : memref<16x1024xf32, #tpu.memory_space<vmem>>) offsets(%dma_start3A_25 : memref<16xi32, #tpu.memory_space<vmem>>) semaphore(%dma_start3A_30 : memref<!tpu.dma_semaphore, #tpu.memory_space<semaphore_mem>>)
    %dma_start3A_31 = arith.constant 0 : i32
    %dma_start3A_32 = arith.constant 0 : i32
    %dma_start3A_33 = arith.constant 0 : i32
    %dma_start3A_34 = arith.constant 0 : i32
    %dma_start3A_35 = tpu.memref_slice %arg11[%dma_start3A_31, %dma_start3A_33, %dma_start3A_34] : memref<3x16x1024xf32, #tpu.memory_space<vmem>> -> memref<1x16x1024xf32, #tpu.memory_space<vmem>>
    %dma_start3A_36 = tpu.memref_squeeze %dma_start3A_35 : memref<1x16x1024xf32, #tpu.memory_space<vmem>> -> memref<16x1024xf32, #tpu.memory_space<vmem>>
    %dma_start3A_37 = arith.constant 0 : i32
    %dma_start3A_38 = tpu.memref_slice %arg9[%dma_start3A_37] : memref<256xi32, #tpu.memory_space<vmem>> -> memref<16xi32, #tpu.memory_space<vmem>>
    %dma_start3A_39 = arith.constant 0 : i32
    %dma_start3A_40 = arith.constant 0 : i32
    %dma_start3A_41 = tpu.memref_slice %arg5[%dma_start3A_39, %dma_start3A_40] : memref<100000x1024xf32, #tpu.memory_space<hbm>> -> memref<100000x1024xf32, #tpu.memory_space<hbm>>
    %dma_start3A_42 = tpu.memref_slice %arg14[%dma_start3A_32] : memref<3x!tpu.dma_semaphore, #tpu.memory_space<semaphore_mem>> -> memref<1x!tpu.dma_semaphore, #tpu.memory_space<semaphore_mem>>
    %dma_start3A_43 = tpu.memref_squeeze %dma_start3A_42 : memref<1x!tpu.dma_semaphore, #tpu.memory_space<semaphore_mem>> -> memref<!tpu.dma_semaphore, #tpu.memory_space<semaphore_mem>>
    tpu.enqueue_indirect_dma source(%dma_start3A_41 : memref<100000x1024xf32, #tpu.memory_space<hbm>>) target(%dma_start3A_36 : memref<16x1024xf32, #tpu.memory_space<vmem>>) offsets(%dma_start3A_38 : memref<16xi32, #tpu.memory_space<vmem>>) semaphore(%dma_start3A_43 : memref<!tpu.dma_semaphore, #tpu.memory_space<semaphore_mem>>)
    %scan3A = arith.constant 0 : i32
    %scan3A_44 = arith.constant 0 : i32
    %scan3A_45 = arith.constant 16 : i32
    %scan3A_46 = arith.addi %scan3A_44, %scan3A_45 : i32
    %scan3A_47 = arith.constant 1 : i32
    scf.for %scan3A_132 = %scan3A_44 to %scan3A_46 step %scan3A_47  : i32 {
      %rem3A = arith.constant 4 : i32
      %rem3A_133 = arith.remsi %scan3A_132, %rem3A : i32
      %div3A = arith.constant 4 : i32
      %div3A_134 = arith.divsi %scan3A_132, %div3A : i32
      %rem3A_135 = arith.constant 3 : i32
      %rem3A_136 = arith.remsi %scan3A_132, %rem3A_135 : i32
      %add3A_137 = arith.constant 1 : i32
      %add3A_138 = arith.addi %scan3A_132, %add3A_137 : i32
      %rem3A_139 = arith.constant 3 : i32
      %rem3A_140 = arith.remsi %add3A_138, %rem3A_139 : i32
      %mul3A_141 = arith.constant 16 : i32
      %mul3A_142 = arith.muli %div3A_134, %mul3A_141 : i32
      %add3A_143 = arith.addi %mul3A_2, %mul3A_142 : i32
      %eq3A = arith.constant 0 : i32
      %eq3A_144 = arith.cmpi eq, %rem3A_133, %eq3A : i32
      %convert_element_type3A = arith.extui %eq3A_144 : i1 to i32
      %cond3A = arith.constant 0 : i32
      %cond3A_145 = arith.cmpi ne, %convert_element_type3A, %cond3A : i32
      scf.if %cond3A_145 {
        "tpu.region"() ({
          %run_scoped3A = tpu.sem_alloc : memref<!tpu.dma_semaphore, #tpu.memory_space<semaphore_mem>>
          %dma_start3A_234 = arith.constant 0 : i32
          %dma_start3A_235 = tpu.memref_slice %arg4[%add3A_143, %dma_start3A_234] : memref<2048x1024xf32, #tpu.memory_space<hbm>> -> memref<16x1024xf32, #tpu.memory_space<hbm>>
          %dma_start3A_236 = arith.constant 0 : i32
          %dma_start3A_237 = tpu.memref_slice %arg4[%add3A_143, %dma_start3A_236] : memref<2048x1024xf32, #tpu.memory_space<hbm>> -> memref<16x1024xf32, #tpu.memory_space<hbm>>
          tpu.enqueue_dma source(%dma_start3A_237 : memref<16x1024xf32, #tpu.memory_space<hbm>>) target(%arg12 : memref<16x1024xf32, #tpu.memory_space<vmem>>) target_semaphore(%run_scoped3A : memref<!tpu.dma_semaphore, #tpu.memory_space<semaphore_mem>>)
          %dma_wait3A_238 = arith.constant 0 : i32
          %dma_wait3A_239 = tpu.memref_slice %arg4[%add3A_143, %dma_wait3A_238] : memref<2048x1024xf32, #tpu.memory_space<hbm>> -> memref<16x1024xf32, #tpu.memory_space<hbm>>
          %dma_wait3A_240 = arith.constant 0 : i32
          %dma_wait3A_241 = tpu.memref_slice %arg4[%add3A_143, %dma_wait3A_240] : memref<2048x1024xf32, #tpu.memory_space<hbm>> -> memref<16x1024xf32, #tpu.memory_space<hbm>>
          tpu.wait_dma2 semaphore(%run_scoped3A : memref<!tpu.dma_semaphore, #tpu.memory_space<semaphore_mem>>) src(%dma_wait3A_241 : memref<16x1024xf32, #tpu.memory_space<hbm>>) dst(%arg12 : memref<16x1024xf32, #tpu.memory_space<vmem>>)
          tpu.yield
        }) : () -> ()
      } else {
      }
      %add3A_146 = arith.constant 1 : i32
      %add3A_147 = arith.addi %scan3A_132, %add3A_146 : i32
      %rem3A_148 = arith.constant 4 : i32
      %rem3A_149 = arith.remsi %add3A_147, %rem3A_148 : i32
      %mul3A_150 = arith.constant 64 : i32
      %mul3A_151 = arith.muli %rem3A_149, %mul3A_150 : i32
      %div3A_152 = arith.constant 4 : i32
      %div3A_153 = arith.divsi %add3A_147, %div3A_152 : i32
      %mul3A_154 = arith.constant 16 : i32
      %mul3A_155 = arith.muli %div3A_153, %mul3A_154 : i32
      %add3A_156 = arith.addi %mul3A_151, %mul3A_155 : i32
      %ge3A = arith.constant 2 : i32
      %ge3A_157 = arith.cmpi sge, %scan3A_132, %ge3A : i32
      %convert_element_type3A_158 = arith.extui %ge3A_157 : i1 to i32
      %cond3A_159 = arith.constant 0 : i32
      %cond3A_160 = arith.cmpi ne, %convert_element_type3A_158, %cond3A_159 : i32
      scf.if %cond3A_160 {
        %dma_wait3A_234 = arith.constant 0 : i32
        %dma_wait3A_235 = arith.constant 0 : i32
        %dma_wait3A_236 = arith.constant 0 : i32
        %dma_wait3A_237 = tpu.memref_slice %arg10[%rem3A_140, %dma_wait3A_235, %dma_wait3A_236] : memref<3x16x1024xf32, #tpu.memory_space<vmem>> -> memref<1x16x1024xf32, #tpu.memory_space<vmem>>
        %dma_wait3A_238 = tpu.memref_squeeze %dma_wait3A_237 : memref<1x16x1024xf32, #tpu.memory_space<vmem>> -> memref<16x1024xf32, #tpu.memory_space<vmem>>
        %dma_wait3A_239 = arith.constant 0 : i32
        %dma_wait3A_240 = arith.constant 0 : i32
        %dma_wait3A_241 = tpu.memref_slice %arg6[%dma_wait3A_234, %dma_wait3A_239, %dma_wait3A_240] : memref<4x2048x1024xf32, #tpu.memory_space<hbm>> -> memref<1x16x1024xf32, #tpu.memory_space<hbm>>
        %dma_wait3A_242 = tpu.memref_squeeze %dma_wait3A_241 : memref<1x16x1024xf32, #tpu.memory_space<hbm>> -> memref<16x1024xf32, #tpu.memory_space<hbm>>
        %dma_wait3A_243 = tpu.memref_slice %arg15[%rem3A_140] : memref<3x!tpu.dma_semaphore, #tpu.memory_space<semaphore_mem>> -> memref<1x!tpu.dma_semaphore, #tpu.memory_space<semaphore_mem>>
        %dma_wait3A_244 = tpu.memref_squeeze %dma_wait3A_243 : memref<1x!tpu.dma_semaphore, #tpu.memory_space<semaphore_mem>> -> memref<!tpu.dma_semaphore, #tpu.memory_space<semaphore_mem>>
        %dma_wait3A_245 = arith.constant 0 : i32
        %dma_wait3A_246 = arith.constant 0 : i32
        %dma_wait3A_247 = tpu.memref_slice %arg6[%dma_wait3A_234, %dma_wait3A_245, %dma_wait3A_246] : memref<4x2048x1024xf32, #tpu.memory_space<hbm>> -> memref<1x16x1024xf32, #tpu.memory_space<hbm>>
        %dma_wait3A_248 = tpu.memref_squeeze %dma_wait3A_247 : memref<1x16x1024xf32, #tpu.memory_space<hbm>> -> memref<16x1024xf32, #tpu.memory_space<hbm>>
        %dma_wait3A_249 = arith.constant 0 : i32
        %dma_wait3A_250 = arith.constant 0 : i32
        %dma_wait3A_251 = tpu.memref_slice %arg10[%rem3A_140, %dma_wait3A_249, %dma_wait3A_250] : memref<3x16x1024xf32, #tpu.memory_space<vmem>> -> memref<1x16x1024xf32, #tpu.memory_space<vmem>>
        %dma_wait3A_252 = tpu.memref_squeeze %dma_wait3A_251 : memref<1x16x1024xf32, #tpu.memory_space<vmem>> -> memref<16x1024xf32, #tpu.memory_space<vmem>>
        tpu.wait_dma2 semaphore(%dma_wait3A_244 : memref<!tpu.dma_semaphore, #tpu.memory_space<semaphore_mem>>) src(%dma_wait3A_252 : memref<16x1024xf32, #tpu.memory_space<vmem>>) dst(%dma_wait3A_248 : memref<16x1024xf32, #tpu.memory_space<hbm>>)
      } else {
      }
      %lt3A = arith.constant 16 : i32
      %lt3A_161 = arith.cmpi slt, %add3A_147, %lt3A : i32
      %convert_element_type3A_162 = arith.extui %lt3A_161 : i1 to i32
      %cond3A_163 = arith.constant 0 : i32
      %cond3A_164 = arith.cmpi ne, %convert_element_type3A_162, %cond3A_163 : i32
      scf.if %cond3A_164 {
        %dma_start3A_234 = arith.constant 0 : i32
        %dma_start3A_235 = arith.constant 0 : i32
        %dma_start3A_236 = tpu.memref_slice %arg10[%rem3A_140, %dma_start3A_234, %dma_start3A_235] : memref<3x16x1024xf32, #tpu.memory_space<vmem>> -> memref<1x16x1024xf32, #tpu.memory_space<vmem>>
        %dma_start3A_237 = tpu.memref_squeeze %dma_start3A_236 : memref<1x16x1024xf32, #tpu.memory_space<vmem>> -> memref<16x1024xf32, #tpu.memory_space<vmem>>
        %dma_start3A_238 = tpu.memref_slice %arg8[%add3A_156] : memref<256xi32, #tpu.memory_space<vmem>> -> memref<16xi32, #tpu.memory_space<vmem>>
        %dma_start3A_239 = arith.constant 0 : i32
        %dma_start3A_240 = arith.constant 0 : i32
        %dma_start3A_241 = tpu.memref_slice %arg5[%dma_start3A_239, %dma_start3A_240] : memref<100000x1024xf32, #tpu.memory_space<hbm>> -> memref<100000x1024xf32, #tpu.memory_space<hbm>>
        %dma_start3A_242 = tpu.memref_slice %arg13[%rem3A_140] : memref<3x!tpu.dma_semaphore, #tpu.memory_space<semaphore_mem>> -> memref<1x!tpu.dma_semaphore, #tpu.memory_space<semaphore_mem>>
        %dma_start3A_243 = tpu.memref_squeeze %dma_start3A_242 : memref<1x!tpu.dma_semaphore, #tpu.memory_space<semaphore_mem>> -> memref<!tpu.dma_semaphore, #tpu.memory_space<semaphore_mem>>
        tpu.enqueue_indirect_dma source(%dma_start3A_241 : memref<100000x1024xf32, #tpu.memory_space<hbm>>) target(%dma_start3A_237 : memref<16x1024xf32, #tpu.memory_space<vmem>>) offsets(%dma_start3A_238 : memref<16xi32, #tpu.memory_space<vmem>>) semaphore(%dma_start3A_243 : memref<!tpu.dma_semaphore, #tpu.memory_space<semaphore_mem>>)
      } else {
      }
      %ge3A_165 = arith.constant 2 : i32
      %ge3A_166 = arith.cmpi sge, %scan3A_132, %ge3A_165 : i32
      %convert_element_type3A_167 = arith.extui %ge3A_166 : i1 to i32
      %cond3A_168 = arith.constant 0 : i32
      %cond3A_169 = arith.cmpi ne, %convert_element_type3A_167, %cond3A_168 : i32
      scf.if %cond3A_169 {
        %dma_wait3A_234 = arith.constant 0 : i32
        %dma_wait3A_235 = arith.constant 0 : i32
        %dma_wait3A_236 = arith.constant 0 : i32
        %dma_wait3A_237 = tpu.memref_slice %arg11[%rem3A_140, %dma_wait3A_235, %dma_wait3A_236] : memref<3x16x1024xf32, #tpu.memory_space<vmem>> -> memref<1x16x1024xf32, #tpu.memory_space<vmem>>
        %dma_wait3A_238 = tpu.memref_squeeze %dma_wait3A_237 : memref<1x16x1024xf32, #tpu.memory_space<vmem>> -> memref<16x1024xf32, #tpu.memory_space<vmem>>
        %dma_wait3A_239 = arith.constant 0 : i32
        %dma_wait3A_240 = arith.constant 0 : i32
        %dma_wait3A_241 = tpu.memref_slice %arg7[%dma_wait3A_234, %dma_wait3A_239, %dma_wait3A_240] : memref<4x2048x1024xf32, #tpu.memory_space<hbm>> -> memref<1x16x1024xf32, #tpu.memory_space<hbm>>
        %dma_wait3A_242 = tpu.memref_squeeze %dma_wait3A_241 : memref<1x16x1024xf32, #tpu.memory_space<hbm>> -> memref<16x1024xf32, #tpu.memory_space<hbm>>
        %dma_wait3A_243 = tpu.memref_slice %arg16[%rem3A_140] : memref<3x!tpu.dma_semaphore, #tpu.memory_space<semaphore_mem>> -> memref<1x!tpu.dma_semaphore, #tpu.memory_space<semaphore_mem>>
        %dma_wait3A_244 = tpu.memref_squeeze %dma_wait3A_243 : memref<1x!tpu.dma_semaphore, #tpu.memory_space<semaphore_mem>> -> memref<!tpu.dma_semaphore, #tpu.memory_space<semaphore_mem>>
        %dma_wait3A_245 = arith.constant 0 : i32
        %dma_wait3A_246 = arith.constant 0 : i32
        %dma_wait3A_247 = tpu.memref_slice %arg7[%dma_wait3A_234, %dma_wait3A_245, %dma_wait3A_246] : memref<4x2048x1024xf32, #tpu.memory_space<hbm>> -> memref<1x16x1024xf32, #tpu.memory_space<hbm>>
        %dma_wait3A_248 = tpu.memref_squeeze %dma_wait3A_247 : memref<1x16x1024xf32, #tpu.memory_space<hbm>> -> memref<16x1024xf32, #tpu.memory_space<hbm>>
        %dma_wait3A_249 = arith.constant 0 : i32
        %dma_wait3A_250 = arith.constant 0 : i32
        %dma_wait3A_251 = tpu.memref_slice %arg11[%rem3A_140, %dma_wait3A_249, %dma_wait3A_250] : memref<3x16x1024xf32, #tpu.memory_space<vmem>> -> memref<1x16x1024xf32, #tpu.memory_space<vmem>>
        %dma_wait3A_252 = tpu.memref_squeeze %dma_wait3A_251 : memref<1x16x1024xf32, #tpu.memory_space<vmem>> -> memref<16x1024xf32, #tpu.memory_space<vmem>>
        tpu.wait_dma2 semaphore(%dma_wait3A_244 : memref<!tpu.dma_semaphore, #tpu.memory_space<semaphore_mem>>) src(%dma_wait3A_252 : memref<16x1024xf32, #tpu.memory_space<vmem>>) dst(%dma_wait3A_248 : memref<16x1024xf32, #tpu.memory_space<hbm>>)
      } else {
      }
      %lt3A_170 = arith.constant 16 : i32
      %lt3A_171 = arith.cmpi slt, %add3A_147, %lt3A_170 : i32
      %convert_element_type3A_172 = arith.extui %lt3A_171 : i1 to i32
      %cond3A_173 = arith.constant 0 : i32
      %cond3A_174 = arith.cmpi ne, %convert_element_type3A_172, %cond3A_173 : i32
      scf.if %cond3A_174 {
        %dma_start3A_234 = arith.constant 0 : i32
        %dma_start3A_235 = arith.constant 0 : i32
        %dma_start3A_236 = tpu.memref_slice %arg11[%rem3A_140, %dma_start3A_234, %dma_start3A_235] : memref<3x16x1024xf32, #tpu.memory_space<vmem>> -> memref<1x16x1024xf32, #tpu.memory_space<vmem>>
        %dma_start3A_237 = tpu.memref_squeeze %dma_start3A_236 : memref<1x16x1024xf32, #tpu.memory_space<vmem>> -> memref<16x1024xf32, #tpu.memory_space<vmem>>
        %dma_start3A_238 = tpu.memref_slice %arg9[%add3A_156] : memref<256xi32, #tpu.memory_space<vmem>> -> memref<16xi32, #tpu.memory_space<vmem>>
        %dma_start3A_239 = arith.constant 0 : i32
        %dma_start3A_240 = arith.constant 0 : i32
        %dma_start3A_241 = tpu.memref_slice %arg5[%dma_start3A_239, %dma_start3A_240] : memref<100000x1024xf32, #tpu.memory_space<hbm>> -> memref<100000x1024xf32, #tpu.memory_space<hbm>>
        %dma_start3A_242 = tpu.memref_slice %arg14[%rem3A_140] : memref<3x!tpu.dma_semaphore, #tpu.memory_space<semaphore_mem>> -> memref<1x!tpu.dma_semaphore, #tpu.memory_space<semaphore_mem>>
        %dma_start3A_243 = tpu.memref_squeeze %dma_start3A_242 : memref<1x!tpu.dma_semaphore, #tpu.memory_space<semaphore_mem>> -> memref<!tpu.dma_semaphore, #tpu.memory_space<semaphore_mem>>
        tpu.enqueue_indirect_dma source(%dma_start3A_241 : memref<100000x1024xf32, #tpu.memory_space<hbm>>) target(%dma_start3A_237 : memref<16x1024xf32, #tpu.memory_space<vmem>>) offsets(%dma_start3A_238 : memref<16xi32, #tpu.memory_space<vmem>>) semaphore(%dma_start3A_243 : memref<!tpu.dma_semaphore, #tpu.memory_space<semaphore_mem>>)
      } else {
      }
      %mul3A_175 = arith.constant 64 : i32
      %mul3A_176 = arith.muli %rem3A_133, %mul3A_175 : i32
      %mul3A_177 = arith.constant 16 : i32
      %mul3A_178 = arith.muli %div3A_134, %mul3A_177 : i32
      %add3A_179 = arith.addi %mul3A_176, %mul3A_178 : i32
      %dma_wait3A_180 = arith.constant 0 : i32
      %dma_wait3A_181 = arith.constant 0 : i32
      %dma_wait3A_182 = tpu.memref_slice %arg10[%rem3A_136, %dma_wait3A_180, %dma_wait3A_181] : memref<3x16x1024xf32, #tpu.memory_space<vmem>> -> memref<1x16x1024xf32, #tpu.memory_space<vmem>>
      %dma_wait3A_183 = tpu.memref_squeeze %dma_wait3A_182 : memref<1x16x1024xf32, #tpu.memory_space<vmem>> -> memref<16x1024xf32, #tpu.memory_space<vmem>>
      %dma_wait3A_184 = tpu.memref_slice %arg8[%add3A_179] : memref<256xi32, #tpu.memory_space<vmem>> -> memref<16xi32, #tpu.memory_space<vmem>>
      %dma_wait3A_185 = arith.constant 0 : i32
      %dma_wait3A_186 = arith.constant 0 : i32
      %dma_wait3A_187 = tpu.memref_slice %arg5[%dma_wait3A_185, %dma_wait3A_186] : memref<100000x1024xf32, #tpu.memory_space<hbm>> -> memref<100000x1024xf32, #tpu.memory_space<hbm>>
      %dma_wait3A_188 = tpu.memref_slice %arg13[%rem3A_136] : memref<3x!tpu.dma_semaphore, #tpu.memory_space<semaphore_mem>> -> memref<1x!tpu.dma_semaphore, #tpu.memory_space<semaphore_mem>>
      %dma_wait3A_189 = tpu.memref_squeeze %dma_wait3A_188 : memref<1x!tpu.dma_semaphore, #tpu.memory_space<semaphore_mem>> -> memref<!tpu.dma_semaphore, #tpu.memory_space<semaphore_mem>>
      tpu.wait_indirect_dma semaphore(%dma_wait3A_189 : memref<!tpu.dma_semaphore, #tpu.memory_space<semaphore_mem>>) src(%dma_wait3A_187 : memref<100000x1024xf32, #tpu.memory_space<hbm>>) dst(%dma_wait3A_183 : memref<16x1024xf32, #tpu.memory_space<vmem>>)
      %dma_wait3A_190 = arith.constant 0 : i32
      %dma_wait3A_191 = arith.constant 0 : i32
      %dma_wait3A_192 = tpu.memref_slice %arg11[%rem3A_136, %dma_wait3A_190, %dma_wait3A_191] : memref<3x16x1024xf32, #tpu.memory_space<vmem>> -> memref<1x16x1024xf32, #tpu.memory_space<vmem>>
      %dma_wait3A_193 = tpu.memref_squeeze %dma_wait3A_192 : memref<1x16x1024xf32, #tpu.memory_space<vmem>> -> memref<16x1024xf32, #tpu.memory_space<vmem>>
      %dma_wait3A_194 = tpu.memref_slice %arg9[%add3A_179] : memref<256xi32, #tpu.memory_space<vmem>> -> memref<16xi32, #tpu.memory_space<vmem>>
      %dma_wait3A_195 = arith.constant 0 : i32
      %dma_wait3A_196 = arith.constant 0 : i32
      %dma_wait3A_197 = tpu.memref_slice %arg5[%dma_wait3A_195, %dma_wait3A_196] : memref<100000x1024xf32, #tpu.memory_space<hbm>> -> memref<100000x1024xf32, #tpu.memory_space<hbm>>
      %dma_wait3A_198 = tpu.memref_slice %arg14[%rem3A_136] : memref<3x!tpu.dma_semaphore, #tpu.memory_space<semaphore_mem>> -> memref<1x!tpu.dma_semaphore, #tpu.memory_space<semaphore_mem>>
      %dma_wait3A_199 = tpu.memref_squeeze %dma_wait3A_198 : memref<1x!tpu.dma_semaphore, #tpu.memory_space<semaphore_mem>> -> memref<!tpu.dma_semaphore, #tpu.memory_space<semaphore_mem>>
      tpu.wait_indirect_dma semaphore(%dma_wait3A_199 : memref<!tpu.dma_semaphore, #tpu.memory_space<semaphore_mem>>) src(%dma_wait3A_197 : memref<100000x1024xf32, #tpu.memory_space<hbm>>) dst(%dma_wait3A_193 : memref<16x1024xf32, #tpu.memory_space<vmem>>)
      %parallel_loop3A = arith.constant 0 : i32
      %parallel_loop3A_200 = arith.constant 16 : i32
      %parallel_loop3A_201 = arith.constant 1 : i32
      scf.for %parallel_loop3A_234 = %parallel_loop3A to %parallel_loop3A_200 step %parallel_loop3A_201  : i32 {
        %parallel_loop3A_235 = arith.index_cast %parallel_loop3A_234 : i32 to index
        %parallel_loop3A_236 = arith.constant 0 : index
        %parallel_loop3A_237 = tpu.vector_load %arg12[%parallel_loop3A_235, %parallel_loop3A_236] {strides = array<i32>} : memref<16x1024xf32, #tpu.memory_space<vmem>>, vector<1x16xf32>,
        %parallel_loop3A_238 = vector.shape_cast %parallel_loop3A_237 : vector<1x16xf32> to vector<16xf32>
        %parallel_loop3A_239 = arith.index_cast %rem3A_136 : i32 to index
        %parallel_loop3A_240 = arith.index_cast %parallel_loop3A_234 : i32 to index
        %parallel_loop3A_241 = arith.constant 0 : index
        %parallel_loop3A_242 = tpu.vector_load %arg10[%parallel_loop3A_239, %parallel_loop3A_240, %parallel_loop3A_241] {strides = array<i32>} : memref<3x16x1024xf32, #tpu.memory_space<vmem>>, vector<1x1x16xf32>,
        %parallel_loop3A_243 = vector.shape_cast %parallel_loop3A_242 : vector<1x1x16xf32> to vector<16xf32>
        %parallel_loop3A_244 = vector.shape_cast %parallel_loop3A_238 : vector<16xf32> to vector<1x1x16xf32>
        tpu.vector_store %arg10[%parallel_loop3A_239, %parallel_loop3A_240, %parallel_loop3A_241], %parallel_loop3A_244 {add = true, strides = array<i32>} : memref<3x16x1024xf32, #tpu.memory_space<vmem>>, vector<1x1x16xf32>,
        %parallel_loop3A_245 = arith.index_cast %rem3A_136 : i32 to index
        %parallel_loop3A_246 = arith.index_cast %parallel_loop3A_234 : i32 to index
        %parallel_loop3A_247 = arith.constant 0 : index
        %parallel_loop3A_248 = tpu.vector_load %arg11[%parallel_loop3A_245, %parallel_loop3A_246, %parallel_loop3A_247] {strides = array<i32>} : memref<3x16x1024xf32, #tpu.memory_space<vmem>>, vector<1x1x16xf32>,
        %parallel_loop3A_249 = vector.shape_cast %parallel_loop3A_248 : vector<1x1x16xf32> to vector<16xf32>
        %parallel_loop3A_250 = vector.shape_cast %parallel_loop3A_238 : vector<16xf32> to vector<1x1x16xf32>
        tpu.vector_store %arg11[%parallel_loop3A_245, %parallel_loop3A_246, %parallel_loop3A_247], %parallel_loop3A_250 {add = true, strides = array<i32>} : memref<3x16x1024xf32, #tpu.memory_space<vmem>>, vector<1x1x16xf32>,
        %parallel_loop3A_251 = arith.index_cast %parallel_loop3A_234 : i32 to index
        %parallel_loop3A_252 = arith.constant 16 : index
        %parallel_loop3A_253 = tpu.vector_load %arg12[%parallel_loop3A_251, %parallel_loop3A_252] {strides = array<i32>} : memref<16x1024xf32, #tpu.memory_space<vmem>>, vector<1x16xf32>,
        %parallel_loop3A_254 = vector.shape_cast %parallel_loop3A_253 : vector<1x16xf32> to vector<16xf32>
        %parallel_loop3A_255 = arith.index_cast %rem3A_136 : i32 to index
        %parallel_loop3A_256 = arith.index_cast %parallel_loop3A_234 : i32 to index
        %parallel_loop3A_257 = arith.constant 16 : index
        %parallel_loop3A_258 = tpu.vector_load %arg10[%parallel_loop3A_255, %parallel_loop3A_256, %parallel_loop3A_257] {strides = array<i32>} : memref<3x16x1024xf32, #tpu.memory_space<vmem>>, vector<1x1x16xf32>,
        %parallel_loop3A_259 = vector.shape_cast %parallel_loop3A_258 : vector<1x1x16xf32> to vector<16xf32>
        %parallel_loop3A_260 = vector.shape_cast %parallel_loop3A_254 : vector<16xf32> to vector<1x1x16xf32>
        tpu.vector_store %arg10[%parallel_loop3A_255, %parallel_loop3A_256, %parallel_loop3A_257], %parallel_loop3A_260 {add = true, strides = array<i32>} : memref<3x16x1024xf32, #tpu.memory_space<vmem>>, vector<1x1x16xf32>,
        %parallel_loop3A_261 = arith.index_cast %rem3A_136 : i32 to index
        %parallel_loop3A_262 = arith.index_cast %parallel_loop3A_234 : i32 to index
        %parallel_loop3A_263 = arith.constant 16 : index
        %parallel_loop3A_264 = tpu.vector_load %arg11[%parallel_loop3A_261, %parallel_loop3A_262, %parallel_loop3A_263] {strides = array<i32>} : memref<3x16x1024xf32, #tpu.memory_space<vmem>>, vector<1x1x16xf32>,
        %parallel_loop3A_265 = vector.shape_cast %parallel_loop3A_264 : vector<1x1x16xf32> to vector<16xf32>
        %parallel_loop3A_266 = vector.shape_cast %parallel_loop3A_254 : vector<16xf32> to vector<1x1x16xf32>
        tpu.vector_store %arg11[%parallel_loop3A_261, %parallel_loop3A_262, %parallel_loop3A_263], %parallel_loop3A_266 {add = true, strides = array<i32>} : memref<3x16x1024xf32, #tpu.memory_space<vmem>>, vector<1x1x16xf32>,
        %parallel_loop3A_267 = arith.index_cast %parallel_loop3A_234 : i32 to index
        %parallel_loop3A_268 = arith.constant 32 : index
        %parallel_loop3A_269 = tpu.vector_load %arg12[%parallel_loop3A_267, %parallel_loop3A_268] {strides = array<i32>} : memref<16x1024xf32, #tpu.memory_space<vmem>>, vector<1x16xf32>,
        %parallel_loop3A_270 = vector.shape_cast %parallel_loop3A_269 : vector<1x16xf32> to vector<16xf32>
        %parallel_loop3A_271 = arith.index_cast %rem3A_136 : i32 to index
        %parallel_loop3A_272 = arith.index_cast %parallel_loop3A_234 : i32 to index
        %parallel_loop3A_273 = arith.constant 32 : index
        %parallel_loop3A_274 = tpu.vector_load %arg10[%parallel_loop3A_271, %parallel_loop3A_272, %parallel_loop3A_273] {strides = array<i32>} : memref<3x16x1024xf32, #tpu.memory_space<vmem>>, vector<1x1x16xf32>,
        %parallel_loop3A_275 = vector.shape_cast %parallel_loop3A_274 : vector<1x1x16xf32> to vector<16xf32>
        %parallel_loop3A_276 = vector.shape_cast %parallel_loop3A_270 : vector<16xf32> to vector<1x1x16xf32>
        tpu.vector_store %arg10[%parallel_loop3A_271, %parallel_loop3A_272, %parallel_loop3A_273], %parallel_loop3A_276 {add = true, strides = array<i32>} : memref<3x16x1024xf32, #tpu.memory_space<vmem>>, vector<1x1x16xf32>,
        %parallel_loop3A_277 = arith.index_cast %rem3A_136 : i32 to index
        %parallel_loop3A_278 = arith.index_cast %parallel_loop3A_234 : i32 to index
        %parallel_loop3A_279 = arith.constant 32 : index
        %parallel_loop3A_280 = tpu.vector_load %arg11[%parallel_loop3A_277, %parallel_loop3A_278, %parallel_loop3A_279] {strides = array<i32>} : memref<3x16x1024xf32, #tpu.memory_space<vmem>>, vector<1x1x16xf32>,
        %parallel_loop3A_281 = vector.shape_cast %parallel_loop3A_280 : vector<1x1x16xf32> to vector<16xf32>
        %parallel_loop3A_282 = vector.shape_cast %parallel_loop3A_270 : vector<16xf32> to vector<1x1x16xf32>
        tpu.vector_store %arg11[%parallel_loop3A_277, %parallel_loop3A_278, %parallel_loop3A_279], %parallel_loop3A_282 {add = true, strides = array<i32>} : memref<3x16x1024xf32, #tpu.memory_space<vmem>>, vector<1x1x16xf32>,
        %parallel_loop3A_283 = arith.index_cast %parallel_loop3A_234 : i32 to index
        %parallel_loop3A_284 = arith.constant 48 : index
        %parallel_loop3A_285 = tpu.vector_load %arg12[%parallel_loop3A_283, %parallel_loop3A_284] {strides = array<i32>} : memref<16x1024xf32, #tpu.memory_space<vmem>>, vector<1x16xf32>,
        %parallel_loop3A_286 = vector.shape_cast %parallel_loop3A_285 : vector<1x16xf32> to vector<16xf32>
        %parallel_loop3A_287 = arith.index_cast %rem3A_136 : i32 to index
        %parallel_loop3A_288 = arith.index_cast %parallel_loop3A_234 : i32 to index
        %parallel_loop3A_289 = arith.constant 48 : index
        %parallel_loop3A_290 = tpu.vector_load %arg10[%parallel_loop3A_287, %parallel_loop3A_288, %parallel_loop3A_289] {strides = array<i32>} : memref<3x16x1024xf32, #tpu.memory_space<vmem>>, vector<1x1x16xf32>,
        %parallel_loop3A_291 = vector.shape_cast %parallel_loop3A_290 : vector<1x1x16xf32> to vector<16xf32>
        %parallel_loop3A_292 = vector.shape_cast %parallel_loop3A_286 : vector<16xf32> to vector<1x1x16xf32>
        tpu.vector_store %arg10[%parallel_loop3A_287, %parallel_loop3A_288, %parallel_loop3A_289], %parallel_loop3A_292 {add = true, strides = array<i32>} : memref<3x16x1024xf32, #tpu.memory_space<vmem>>, vector<1x1x16xf32>,
        %parallel_loop3A_293 = arith.index_cast %rem3A_136 : i32 to index
        %parallel_loop3A_294 = arith.index_cast %parallel_loop3A_234 : i32 to index
        %parallel_loop3A_295 = arith.constant 48 : index
        %parallel_loop3A_296 = tpu.vector_load %arg11[%parallel_loop3A_293, %parallel_loop3A_294, %parallel_loop3A_295] {strides = array<i32>} : memref<3x16x1024xf32, #tpu.memory_space<vmem>>, vector<1x1x16xf32>,
        %parallel_loop3A_297 = vector.shape_cast %parallel_loop3A_296 : vector<1x1x16xf32> to vector<16xf32>
        %parallel_loop3A_298 = vector.shape_cast %parallel_loop3A_286 : vector<16xf32> to vector<1x1x16xf32>
        tpu.vector_store %arg11[%parallel_loop3A_293, %parallel_loop3A_294, %parallel_loop3A_295], %parallel_loop3A_298 {add = true, strides = array<i32>} : memref<3x16x1024xf32, #tpu.memory_space<vmem>>, vector<1x1x16xf32>,
        %parallel_loop3A_299 = arith.index_cast %parallel_loop3A_234 : i32 to index
        %parallel_loop3A_300 = arith.constant 64 : index
        %parallel_loop3A_301 = tpu.vector_load %arg12[%parallel_loop3A_299, %parallel_loop3A_300] {strides = array<i32>} : memref<16x1024xf32, #tpu.memory_space<vmem>>, vector<1x16xf32>,
        %parallel_loop3A_302 = vector.shape_cast %parallel_loop3A_301 : vector<1x16xf32> to vector<16xf32>
        %parallel_loop3A_303 = arith.index_cast %rem3A_136 : i32 to index
        %parallel_loop3A_304 = arith.index_cast %parallel_loop3A_234 : i32 to index
        %parallel_loop3A_305 = arith.constant 64 : index
        %parallel_loop3A_306 = tpu.vector_load %arg10[%parallel_loop3A_303, %parallel_loop3A_304, %parallel_loop3A_305] {strides = array<i32>} : memref<3x16x1024xf32, #tpu.memory_space<vmem>>, vector<1x1x16xf32>,
        %parallel_loop3A_307 = vector.shape_cast %parallel_loop3A_306 : vector<1x1x16xf32> to vector<16xf32>
        %parallel_loop3A_308 = vector.shape_cast %parallel_loop3A_302 : vector<16xf32> to vector<1x1x16xf32>
        tpu.vector_store %arg10[%parallel_loop3A_303, %parallel_loop3A_304, %parallel_loop3A_305], %parallel_loop3A_308 {add = true, strides = array<i32>} : memref<3x16x1024xf32, #tpu.memory_space<vmem>>, vector<1x1x16xf32>,
        %parallel_loop3A_309 = arith.index_cast %rem3A_136 : i32 to index
        %parallel_loop3A_310 = arith.index_cast %parallel_loop3A_234 : i32 to index
        %parallel_loop3A_311 = arith.constant 64 : index
        %parallel_loop3A_312 = tpu.vector_load %arg11[%parallel_loop3A_309, %parallel_loop3A_310, %parallel_loop3A_311] {strides = array<i32>} : memref<3x16x1024xf32, #tpu.memory_space<vmem>>, vector<1x1x16xf32>,
        %parallel_loop3A_313 = vector.shape_cast %parallel_loop3A_312 : vector<1x1x16xf32> to vector<16xf32>
        %parallel_loop3A_314 = vector.shape_cast %parallel_loop3A_302 : vector<16xf32> to vector<1x1x16xf32>
        tpu.vector_store %arg11[%parallel_loop3A_309, %parallel_loop3A_310, %parallel_loop3A_311], %parallel_loop3A_314 {add = true, strides = array<i32>} : memref<3x16x1024xf32, #tpu.memory_space<vmem>>, vector<1x1x16xf32>,
        %parallel_loop3A_315 = arith.index_cast %parallel_loop3A_234 : i32 to index
        %parallel_loop3A_316 = arith.constant 80 : index
        %parallel_loop3A_317 = tpu.vector_load %arg12[%parallel_loop3A_315, %parallel_loop3A_316] {strides = array<i32>} : memref<16x1024xf32, #tpu.memory_space<vmem>>, vector<1x16xf32>,
        %parallel_loop3A_318 = vector.shape_cast %parallel_loop3A_317 : vector<1x16xf32> to vector<16xf32>
        %parallel_loop3A_319 = arith.index_cast %rem3A_136 : i32 to index
        %parallel_loop3A_320 = arith.index_cast %parallel_loop3A_234 : i32 to index
        %parallel_loop3A_321 = arith.constant 80 : index
        %parallel_loop3A_322 = tpu.vector_load %arg10[%parallel_loop3A_319, %parallel_loop3A_320, %parallel_loop3A_321] {strides = array<i32>} : memref<3x16x1024xf32, #tpu.memory_space<vmem>>, vector<1x1x16xf32>,
        %parallel_loop3A_323 = vector.shape_cast %parallel_loop3A_322 : vector<1x1x16xf32> to vector<16xf32>
        %parallel_loop3A_324 = vector.shape_cast %parallel_loop3A_318 : vector<16xf32> to vector<1x1x16xf32>
        tpu.vector_store %arg10[%parallel_loop3A_319, %parallel_loop3A_320, %parallel_loop3A_321], %parallel_loop3A_324 {add = true, strides = array<i32>} : memref<3x16x1024xf32, #tpu.memory_space<vmem>>, vector<1x1x16xf32>,
        %parallel_loop3A_325 = arith.index_cast %rem3A_136 : i32 to index
        %parallel_loop3A_326 = arith.index_cast %parallel_loop3A_234 : i32 to index
        %parallel_loop3A_327 = arith.constant 80 : index
        %parallel_loop3A_328 = tpu.vector_load %arg11[%parallel_loop3A_325, %parallel_loop3A_326, %parallel_loop3A_327] {strides = array<i32>} : memref<3x16x1024xf32, #tpu.memory_space<vmem>>, vector<1x1x16xf32>,
        %parallel_loop3A_329 = vector.shape_cast %parallel_loop3A_328 : vector<1x1x16xf32> to vector<16xf32>
        %parallel_loop3A_330 = vector.shape_cast %parallel_loop3A_318 : vector<16xf32> to vector<1x1x16xf32>
        tpu.vector_store %arg11[%parallel_loop3A_325, %parallel_loop3A_326, %parallel_loop3A_327], %parallel_loop3A_330 {add = true, strides = array<i32>} : memref<3x16x1024xf32, #tpu.memory_space<vmem>>, vector<1x1x16xf32>,
        %parallel_loop3A_331 = arith.index_cast %parallel_loop3A_234 : i32 to index
        %parallel_loop3A_332 = arith.constant 96 : index
        %parallel_loop3A_333 = tpu.vector_load %arg12[%parallel_loop3A_331, %parallel_loop3A_332] {strides = array<i32>} : memref<16x1024xf32, #tpu.memory_space<vmem>>, vector<1x16xf32>,
        %parallel_loop3A_334 = vector.shape_cast %parallel_loop3A_333 : vector<1x16xf32> to vector<16xf32>
        %parallel_loop3A_335 = arith.index_cast %rem3A_136 : i32 to index
        %parallel_loop3A_336 = arith.index_cast %parallel_loop3A_234 : i32 to index
        %parallel_loop3A_337 = arith.constant 96 : index
        %parallel_loop3A_338 = tpu.vector_load %arg10[%parallel_loop3A_335, %parallel_loop3A_336, %parallel_loop3A_337] {strides = array<i32>} : memref<3x16x1024xf32, #tpu.memory_space<vmem>>, vector<1x1x16xf32>,
        %parallel_loop3A_339 = vector.shape_cast %parallel_loop3A_338 : vector<1x1x16xf32> to vector<16xf32>
        %parallel_loop3A_340 = vector.shape_cast %parallel_loop3A_334 : vector<16xf32> to vector<1x1x16xf32>
        tpu.vector_store %arg10[%parallel_loop3A_335, %parallel_loop3A_336, %parallel_loop3A_337], %parallel_loop3A_340 {add = true, strides = array<i32>} : memref<3x16x1024xf32, #tpu.memory_space<vmem>>, vector<1x1x16xf32>,
        %parallel_loop3A_341 = arith.index_cast %rem3A_136 : i32 to index
        %parallel_loop3A_342 = arith.index_cast %parallel_loop3A_234 : i32 to index
        %parallel_loop3A_343 = arith.constant 96 : index
        %parallel_loop3A_344 = tpu.vector_load %arg11[%parallel_loop3A_341, %parallel_loop3A_342, %parallel_loop3A_343] {strides = array<i32>} : memref<3x16x1024xf32, #tpu.memory_space<vmem>>, vector<1x1x16xf32>,
        %parallel_loop3A_345 = vector.shape_cast %parallel_loop3A_344 : vector<1x1x16xf32> to vector<16xf32>
        %parallel_loop3A_346 = vector.shape_cast %parallel_loop3A_334 : vector<16xf32> to vector<1x1x16xf32>
        tpu.vector_store %arg11[%parallel_loop3A_341, %parallel_loop3A_342, %parallel_loop3A_343], %parallel_loop3A_346 {add = true, strides = array<i32>} : memref<3x16x1024xf32, #tpu.memory_space<vmem>>, vector<1x1x16xf32>,
        %parallel_loop3A_347 = arith.index_cast %parallel_loop3A_234 : i32 to index
        %parallel_loop3A_348 = arith.constant 112 : index
        %parallel_loop3A_349 = tpu.vector_load %arg12[%parallel_loop3A_347, %parallel_loop3A_348] {strides = array<i32>} : memref<16x1024xf32, #tpu.memory_space<vmem>>, vector<1x16xf32>,
        %parallel_loop3A_350 = vector.shape_cast %parallel_loop3A_349 : vector<1x16xf32> to vector<16xf32>
        %parallel_loop3A_351 = arith.index_cast %rem3A_136 : i32 to index
        %parallel_loop3A_352 = arith.index_cast %parallel_loop3A_234 : i32 to index
        %parallel_loop3A_353 = arith.constant 112 : index
        %parallel_loop3A_354 = tpu.vector_load %arg10[%parallel_loop3A_351, %parallel_loop3A_352, %parallel_loop3A_353] {strides = array<i32>} : memref<3x16x1024xf32, #tpu.memory_space<vmem>>, vector<1x1x16xf32>,
        %parallel_loop3A_355 = vector.shape_cast %parallel_loop3A_354 : vector<1x1x16xf32> to vector<16xf32>
        %parallel_loop3A_356 = vector.shape_cast %parallel_loop3A_350 : vector<16xf32> to vector<1x1x16xf32>
        tpu.vector_store %arg10[%parallel_loop3A_351, %parallel_loop3A_352, %parallel_loop3A_353], %parallel_loop3A_356 {add = true, strides = array<i32>} : memref<3x16x1024xf32, #tpu.memory_space<vmem>>, vector<1x1x16xf32>,
        %parallel_loop3A_357 = arith.index_cast %rem3A_136 : i32 to index
        %parallel_loop3A_358 = arith.index_cast %parallel_loop3A_234 : i32 to index
        %parallel_loop3A_359 = arith.constant 112 : index
        %parallel_loop3A_360 = tpu.vector_load %arg11[%parallel_loop3A_357, %parallel_loop3A_358, %parallel_loop3A_359] {strides = array<i32>} : memref<3x16x1024xf32, #tpu.memory_space<vmem>>, vector<1x1x16xf32>,
        %parallel_loop3A_361 = vector.shape_cast %parallel_loop3A_360 : vector<1x1x16xf32> to vector<16xf32>
        %parallel_loop3A_362 = vector.shape_cast %parallel_loop3A_350 : vector<16xf32> to vector<1x1x16xf32>
        tpu.vector_store %arg11[%parallel_loop3A_357, %parallel_loop3A_358, %parallel_loop3A_359], %parallel_loop3A_362 {add = true, strides = array<i32>} : memref<3x16x1024xf32, #tpu.memory_space<vmem>>, vector<1x1x16xf32>,
        %parallel_loop3A_363 = arith.index_cast %parallel_loop3A_234 : i32 to index
        %parallel_loop3A_364 = arith.constant 128 : index
        %parallel_loop3A_365 = tpu.vector_load %arg12[%parallel_loop3A_363, %parallel_loop3A_364] {strides = array<i32>} : memref<16x1024xf32, #tpu.memory_space<vmem>>, vector<1x16xf32>,
        %parallel_loop3A_366 = vector.shape_cast %parallel_loop3A_365 : vector<1x16xf32> to vector<16xf32>
        %parallel_loop3A_367 = arith.index_cast %rem3A_136 : i32 to index
        %parallel_loop3A_368 = arith.index_cast %parallel_loop3A_234 : i32 to index
        %parallel_loop3A_369 = arith.constant 128 : index
        %parallel_loop3A_370 = tpu.vector_load %arg10[%parallel_loop3A_367, %parallel_loop3A_368, %parallel_loop3A_369] {strides = array<i32>} : memref<3x16x1024xf32, #tpu.memory_space<vmem>>, vector<1x1x16xf32>,
        %parallel_loop3A_371 = vector.shape_cast %parallel_loop3A_370 : vector<1x1x16xf32> to vector<16xf32>
        %parallel_loop3A_372 = vector.shape_cast %parallel_loop3A_366 : vector<16xf32> to vector<1x1x16xf32>
        tpu.vector_store %arg10[%parallel_loop3A_367, %parallel_loop3A_368, %parallel_loop3A_369], %parallel_loop3A_372 {add = true, strides = array<i32>} : memref<3x16x1024xf32, #tpu.memory_space<vmem>>, vector<1x1x16xf32>,
        %parallel_loop3A_373 = arith.index_cast %rem3A_136 : i32 to index
        %parallel_loop3A_374 = arith.index_cast %parallel_loop3A_234 : i32 to index
        %parallel_loop3A_375 = arith.constant 128 : index
        %parallel_loop3A_376 = tpu.vector_load %arg11[%parallel_loop3A_373, %parallel_loop3A_374, %parallel_loop3A_375] {strides = array<i32>} : memref<3x16x1024xf32, #tpu.memory_space<vmem>>, vector<1x1x16xf32>,
        %parallel_loop3A_377 = vector.shape_cast %parallel_loop3A_376 : vector<1x1x16xf32> to vector<16xf32>
        %parallel_loop3A_378 = vector.shape_cast %parallel_loop3A_366 : vector<16xf32> to vector<1x1x16xf32>
        tpu.vector_store %arg11[%parallel_loop3A_373, %parallel_loop3A_374, %parallel_loop3A_375], %parallel_loop3A_378 {add = true, strides = array<i32>} : memref<3x16x1024xf32, #tpu.memory_space<vmem>>, vector<1x1x16xf32>,
        %parallel_loop3A_379 = arith.index_cast %parallel_loop3A_234 : i32 to index
        %parallel_loop3A_380 = arith.constant 144 : index
        %parallel_loop3A_381 = tpu.vector_load %arg12[%parallel_loop3A_379, %parallel_loop3A_380] {strides = array<i32>} : memref<16x1024xf32, #tpu.memory_space<vmem>>, vector<1x16xf32>,
        %parallel_loop3A_382 = vector.shape_cast %parallel_loop3A_381 : vector<1x16xf32> to vector<16xf32>
        %parallel_loop3A_383 = arith.index_cast %rem3A_136 : i32 to index
        %parallel_loop3A_384 = arith.index_cast %parallel_loop3A_234 : i32 to index
        %parallel_loop3A_385 = arith.constant 144 : index
        %parallel_loop3A_386 = tpu.vector_load %arg10[%parallel_loop3A_383, %parallel_loop3A_384, %parallel_loop3A_385] {strides = array<i32>} : memref<3x16x1024xf32, #tpu.memory_space<vmem>>, vector<1x1x16xf32>,
        %parallel_loop3A_387 = vector.shape_cast %parallel_loop3A_386 : vector<1x1x16xf32> to vector<16xf32>
        %parallel_loop3A_388 = vector.shape_cast %parallel_loop3A_382 : vector<16xf32> to vector<1x1x16xf32>
        tpu.vector_store %arg10[%parallel_loop3A_383, %parallel_loop3A_384, %parallel_loop3A_385], %parallel_loop3A_388 {add = true, strides = array<i32>} : memref<3x16x1024xf32, #tpu.memory_space<vmem>>, vector<1x1x16xf32>,
        %parallel_loop3A_389 = arith.index_cast %rem3A_136 : i32 to index
        %parallel_loop3A_390 = arith.index_cast %parallel_loop3A_234 : i32 to index
        %parallel_loop3A_391 = arith.constant 144 : index
        %parallel_loop3A_392 = tpu.vector_load %arg11[%parallel_loop3A_389, %parallel_loop3A_390, %parallel_loop3A_391] {strides = array<i32>} : memref<3x16x1024xf32, #tpu.memory_space<vmem>>, vector<1x1x16xf32>,
        %parallel_loop3A_393 = vector.shape_cast %parallel_loop3A_392 : vector<1x1x16xf32> to vector<16xf32>
        %parallel_loop3A_394 = vector.shape_cast %parallel_loop3A_382 : vector<16xf32> to vector<1x1x16xf32>
        tpu.vector_store %arg11[%parallel_loop3A_389, %parallel_loop3A_390, %parallel_loop3A_391], %parallel_loop3A_394 {add = true, strides = array<i32>} : memref<3x16x1024xf32, #tpu.memory_space<vmem>>, vector<1x1x16xf32>,
        %parallel_loop3A_395 = arith.index_cast %parallel_loop3A_234 : i32 to index
        %parallel_loop3A_396 = arith.constant 160 : index
        %parallel_loop3A_397 = tpu.vector_load %arg12[%parallel_loop3A_395, %parallel_loop3A_396] {strides = array<i32>} : memref<16x1024xf32, #tpu.memory_space<vmem>>, vector<1x16xf32>,
        %parallel_loop3A_398 = vector.shape_cast %parallel_loop3A_397 : vector<1x16xf32> to vector<16xf32>
        %parallel_loop3A_399 = arith.index_cast %rem3A_136 : i32 to index
        %parallel_loop3A_400 = arith.index_cast %parallel_loop3A_234 : i32 to index
        %parallel_loop3A_401 = arith.constant 160 : index
        %parallel_loop3A_402 = tpu.vector_load %arg10[%parallel_loop3A_399, %parallel_loop3A_400, %parallel_loop3A_401] {strides = array<i32>} : memref<3x16x1024xf32, #tpu.memory_space<vmem>>, vector<1x1x16xf32>,
        %parallel_loop3A_403 = vector.shape_cast %parallel_loop3A_402 : vector<1x1x16xf32> to vector<16xf32>
        %parallel_loop3A_404 = vector.shape_cast %parallel_loop3A_398 : vector<16xf32> to vector<1x1x16xf32>
        tpu.vector_store %arg10[%parallel_loop3A_399, %parallel_loop3A_400, %parallel_loop3A_401], %parallel_loop3A_404 {add = true, strides = array<i32>} : memref<3x16x1024xf32, #tpu.memory_space<vmem>>, vector<1x1x16xf32>,
        %parallel_loop3A_405 = arith.index_cast %rem3A_136 : i32 to index
        %parallel_loop3A_406 = arith.index_cast %parallel_loop3A_234 : i32 to index
        %parallel_loop3A_407 = arith.constant 160 : index
        %parallel_loop3A_408 = tpu.vector_load %arg11[%parallel_loop3A_405, %parallel_loop3A_406, %parallel_loop3A_407] {strides = array<i32>} : memref<3x16x1024xf32, #tpu.memory_space<vmem>>, vector<1x1x16xf32>,
        %parallel_loop3A_409 = vector.shape_cast %parallel_loop3A_408 : vector<1x1x16xf32> to vector<16xf32>
        %parallel_loop3A_410 = vector.shape_cast %parallel_loop3A_398 : vector<16xf32> to vector<1x1x16xf32>
        tpu.vector_store %arg11[%parallel_loop3A_405, %parallel_loop3A_406, %parallel_loop3A_407], %parallel_loop3A_410 {add = true, strides = array<i32>} : memref<3x16x1024xf32, #tpu.memory_space<vmem>>, vector<1x1x16xf32>,
        %parallel_loop3A_411 = arith.index_cast %parallel_loop3A_234 : i32 to index
        %parallel_loop3A_412 = arith.constant 176 : index
        %parallel_loop3A_413 = tpu.vector_load %arg12[%parallel_loop3A_411, %parallel_loop3A_412] {strides = array<i32>} : memref<16x1024xf32, #tpu.memory_space<vmem>>, vector<1x16xf32>,
        %parallel_loop3A_414 = vector.shape_cast %parallel_loop3A_413 : vector<1x16xf32> to vector<16xf32>
        %parallel_loop3A_415 = arith.index_cast %rem3A_136 : i32 to index
        %parallel_loop3A_416 = arith.index_cast %parallel_loop3A_234 : i32 to index
        %parallel_loop3A_417 = arith.constant 176 : index
        %parallel_loop3A_418 = tpu.vector_load %arg10[%parallel_loop3A_415, %parallel_loop3A_416, %parallel_loop3A_417] {strides = array<i32>} : memref<3x16x1024xf32, #tpu.memory_space<vmem>>, vector<1x1x16xf32>,
        %parallel_loop3A_419 = vector.shape_cast %parallel_loop3A_418 : vector<1x1x16xf32> to vector<16xf32>
        %parallel_loop3A_420 = vector.shape_cast %parallel_loop3A_414 : vector<16xf32> to vector<1x1x16xf32>
        tpu.vector_store %arg10[%parallel_loop3A_415, %parallel_loop3A_416, %parallel_loop3A_417], %parallel_loop3A_420 {add = true, strides = array<i32>} : memref<3x16x1024xf32, #tpu.memory_space<vmem>>, vector<1x1x16xf32>,
        %parallel_loop3A_421 = arith.index_cast %rem3A_136 : i32 to index
        %parallel_loop3A_422 = arith.index_cast %parallel_loop3A_234 : i32 to index
        %parallel_loop3A_423 = arith.constant 176 : index
        %parallel_loop3A_424 = tpu.vector_load %arg11[%parallel_loop3A_421, %parallel_loop3A_422, %parallel_loop3A_423] {strides = array<i32>} : memref<3x16x1024xf32, #tpu.memory_space<vmem>>, vector<1x1x16xf32>,
        %parallel_loop3A_425 = vector.shape_cast %parallel_loop3A_424 : vector<1x1x16xf32> to vector<16xf32>
        %parallel_loop3A_426 = vector.shape_cast %parallel_loop3A_414 : vector<16xf32> to vector<1x1x16xf32>
        tpu.vector_store %arg11[%parallel_loop3A_421, %parallel_loop3A_422, %parallel_loop3A_423], %parallel_loop3A_426 {add = true, strides = array<i32>} : memref<3x16x1024xf32, #tpu.memory_space<vmem>>, vector<1x1x16xf32>,
        %parallel_loop3A_427 = arith.index_cast %parallel_loop3A_234 : i32 to index
        %parallel_loop3A_428 = arith.constant 192 : index
        %parallel_loop3A_429 = tpu.vector_load %arg12[%parallel_loop3A_427, %parallel_loop3A_428] {strides = array<i32>} : memref<16x1024xf32, #tpu.memory_space<vmem>>, vector<1x16xf32>,
        %parallel_loop3A_430 = vector.shape_cast %parallel_loop3A_429 : vector<1x16xf32> to vector<16xf32>
        %parallel_loop3A_431 = arith.index_cast %rem3A_136 : i32 to index
        %parallel_loop3A_432 = arith.index_cast %parallel_loop3A_234 : i32 to index
        %parallel_loop3A_433 = arith.constant 192 : index
        %parallel_loop3A_434 = tpu.vector_load %arg10[%parallel_loop3A_431, %parallel_loop3A_432, %parallel_loop3A_433] {strides = array<i32>} : memref<3x16x1024xf32, #tpu.memory_space<vmem>>, vector<1x1x16xf32>,
        %parallel_loop3A_435 = vector.shape_cast %parallel_loop3A_434 : vector<1x1x16xf32> to vector<16xf32>
        %parallel_loop3A_436 = vector.shape_cast %parallel_loop3A_430 : vector<16xf32> to vector<1x1x16xf32>
        tpu.vector_store %arg10[%parallel_loop3A_431, %parallel_loop3A_432, %parallel_loop3A_433], %parallel_loop3A_436 {add = true, strides = array<i32>} : memref<3x16x1024xf32, #tpu.memory_space<vmem>>, vector<1x1x16xf32>,
        %parallel_loop3A_437 = arith.index_cast %rem3A_136 : i32 to index
        %parallel_loop3A_438 = arith.index_cast %parallel_loop3A_234 : i32 to index
        %parallel_loop3A_439 = arith.constant 192 : index
        %parallel_loop3A_440 = tpu.vector_load %arg11[%parallel_loop3A_437, %parallel_loop3A_438, %parallel_loop3A_439] {strides = array<i32>} : memref<3x16x1024xf32, #tpu.memory_space<vmem>>, vector<1x1x16xf32>,
        %parallel_loop3A_441 = vector.shape_cast %parallel_loop3A_440 : vector<1x1x16xf32> to vector<16xf32>
        %parallel_loop3A_442 = vector.shape_cast %parallel_loop3A_430 : vector<16xf32> to vector<1x1x16xf32>
        tpu.vector_store %arg11[%parallel_loop3A_437, %parallel_loop3A_438, %parallel_loop3A_439], %parallel_loop3A_442 {add = true, strides = array<i32>} : memref<3x16x1024xf32, #tpu.memory_space<vmem>>, vector<1x1x16xf32>,
        %parallel_loop3A_443 = arith.index_cast %parallel_loop3A_234 : i32 to index
        %parallel_loop3A_444 = arith.constant 208 : index
        %parallel_loop3A_445 = tpu.vector_load %arg12[%parallel_loop3A_443, %parallel_loop3A_444] {strides = array<i32>} : memref<16x1024xf32, #tpu.memory_space<vmem>>, vector<1x16xf32>,
        %parallel_loop3A_446 = vector.shape_cast %parallel_loop3A_445 : vector<1x16xf32> to vector<16xf32>
        %parallel_loop3A_447 = arith.index_cast %rem3A_136 : i32 to index
        %parallel_loop3A_448 = arith.index_cast %parallel_loop3A_234 : i32 to index
        %parallel_loop3A_449 = arith.constant 208 : index
        %parallel_loop3A_450 = tpu.vector_load %arg10[%parallel_loop3A_447, %parallel_loop3A_448, %parallel_loop3A_449] {strides = array<i32>} : memref<3x16x1024xf32, #tpu.memory_space<vmem>>, vector<1x1x16xf32>,
        %parallel_loop3A_451 = vector.shape_cast %parallel_loop3A_450 : vector<1x1x16xf32> to vector<16xf32>
        %parallel_loop3A_452 = vector.shape_cast %parallel_loop3A_446 : vector<16xf32> to vector<1x1x16xf32>
        tpu.vector_store %arg10[%parallel_loop3A_447, %parallel_loop3A_448, %parallel_loop3A_449], %parallel_loop3A_452 {add = true, strides = array<i32>} : memref<3x16x1024xf32, #tpu.memory_space<vmem>>, vector<1x1x16xf32>,
        %parallel_loop3A_453 = arith.index_cast %rem3A_136 : i32 to index
        %parallel_loop3A_454 = arith.index_cast %parallel_loop3A_234 : i32 to index
        %parallel_loop3A_455 = arith.constant 208 : index
        %parallel_loop3A_456 = tpu.vector_load %arg11[%parallel_loop3A_453, %parallel_loop3A_454, %parallel_loop3A_455] {strides = array<i32>} : memref<3x16x1024xf32, #tpu.memory_space<vmem>>, vector<1x1x16xf32>,
        %parallel_loop3A_457 = vector.shape_cast %parallel_loop3A_456 : vector<1x1x16xf32> to vector<16xf32>
        %parallel_loop3A_458 = vector.shape_cast %parallel_loop3A_446 : vector<16xf32> to vector<1x1x16xf32>
        tpu.vector_store %arg11[%parallel_loop3A_453, %parallel_loop3A_454, %parallel_loop3A_455], %parallel_loop3A_458 {add = true, strides = array<i32>} : memref<3x16x1024xf32, #tpu.memory_space<vmem>>, vector<1x1x16xf32>,
        %parallel_loop3A_459 = arith.index_cast %parallel_loop3A_234 : i32 to index
        %parallel_loop3A_460 = arith.constant 224 : index
        %parallel_loop3A_461 = tpu.vector_load %arg12[%parallel_loop3A_459, %parallel_loop3A_460] {strides = array<i32>} : memref<16x1024xf32, #tpu.memory_space<vmem>>, vector<1x16xf32>,
        %parallel_loop3A_462 = vector.shape_cast %parallel_loop3A_461 : vector<1x16xf32> to vector<16xf32>
        %parallel_loop3A_463 = arith.index_cast %rem3A_136 : i32 to index
        %parallel_loop3A_464 = arith.index_cast %parallel_loop3A_234 : i32 to index
        %parallel_loop3A_465 = arith.constant 224 : index
        %parallel_loop3A_466 = tpu.vector_load %arg10[%parallel_loop3A_463, %parallel_loop3A_464, %parallel_loop3A_465] {strides = array<i32>} : memref<3x16x1024xf32, #tpu.memory_space<vmem>>, vector<1x1x16xf32>,
        %parallel_loop3A_467 = vector.shape_cast %parallel_loop3A_466 : vector<1x1x16xf32> to vector<16xf32>
        %parallel_loop3A_468 = vector.shape_cast %parallel_loop3A_462 : vector<16xf32> to vector<1x1x16xf32>
        tpu.vector_store %arg10[%parallel_loop3A_463, %parallel_loop3A_464, %parallel_loop3A_465], %parallel_loop3A_468 {add = true, strides = array<i32>} : memref<3x16x1024xf32, #tpu.memory_space<vmem>>, vector<1x1x16xf32>,
        %parallel_loop3A_469 = arith.index_cast %rem3A_136 : i32 to index
        %parallel_loop3A_470 = arith.index_cast %parallel_loop3A_234 : i32 to index
        %parallel_loop3A_471 = arith.constant 224 : index
        %parallel_loop3A_472 = tpu.vector_load %arg11[%parallel_loop3A_469, %parallel_loop3A_470, %parallel_loop3A_471] {strides = array<i32>} : memref<3x16x1024xf32, #tpu.memory_space<vmem>>, vector<1x1x16xf32>,
        %parallel_loop3A_473 = vector.shape_cast %parallel_loop3A_472 : vector<1x1x16xf32> to vector<16xf32>
        %parallel_loop3A_474 = vector.shape_cast %parallel_loop3A_462 : vector<16xf32> to vector<1x1x16xf32>
        tpu.vector_store %arg11[%parallel_loop3A_469, %parallel_loop3A_470, %parallel_loop3A_471], %parallel_loop3A_474 {add = true, strides = array<i32>} : memref<3x16x1024xf32, #tpu.memory_space<vmem>>, vector<1x1x16xf32>,
        %parallel_loop3A_475 = arith.index_cast %parallel_loop3A_234 : i32 to index
        %parallel_loop3A_476 = arith.constant 240 : index
        %parallel_loop3A_477 = tpu.vector_load %arg12[%parallel_loop3A_475, %parallel_loop3A_476] {strides = array<i32>} : memref<16x1024xf32, #tpu.memory_space<vmem>>, vector<1x16xf32>,
        %parallel_loop3A_478 = vector.shape_cast %parallel_loop3A_477 : vector<1x16xf32> to vector<16xf32>
        %parallel_loop3A_479 = arith.index_cast %rem3A_136 : i32 to index
        %parallel_loop3A_480 = arith.index_cast %parallel_loop3A_234 : i32 to index
        %parallel_loop3A_481 = arith.constant 240 : index
        %parallel_loop3A_482 = tpu.vector_load %arg10[%parallel_loop3A_479, %parallel_loop3A_480, %parallel_loop3A_481] {strides = array<i32>} : memref<3x16x1024xf32, #tpu.memory_space<vmem>>, vector<1x1x16xf32>,
        %parallel_loop3A_483 = vector.shape_cast %parallel_loop3A_482 : vector<1x1x16xf32> to vector<16xf32>
        %parallel_loop3A_484 = vector.shape_cast %parallel_loop3A_478 : vector<16xf32> to vector<1x1x16xf32>
        tpu.vector_store %arg10[%parallel_loop3A_479, %parallel_loop3A_480, %parallel_loop3A_481], %parallel_loop3A_484 {add = true, strides = array<i32>} : memref<3x16x1024xf32, #tpu.memory_space<vmem>>, vector<1x1x16xf32>,
        %parallel_loop3A_485 = arith.index_cast %rem3A_136 : i32 to index
        %parallel_loop3A_486 = arith.index_cast %parallel_loop3A_234 : i32 to index
        %parallel_loop3A_487 = arith.constant 240 : index
        %parallel_loop3A_488 = tpu.vector_load %arg11[%parallel_loop3A_485, %parallel_loop3A_486, %parallel_loop3A_487] {strides = array<i32>} : memref<3x16x1024xf32, #tpu.memory_space<vmem>>, vector<1x1x16xf32>,
        %parallel_loop3A_489 = vector.shape_cast %parallel_loop3A_488 : vector<1x1x16xf32> to vector<16xf32>
        %parallel_loop3A_490 = vector.shape_cast %parallel_loop3A_478 : vector<16xf32> to vector<1x1x16xf32>
        tpu.vector_store %arg11[%parallel_loop3A_485, %parallel_loop3A_486, %parallel_loop3A_487], %parallel_loop3A_490 {add = true, strides = array<i32>} : memref<3x16x1024xf32, #tpu.memory_space<vmem>>, vector<1x1x16xf32>,
        %parallel_loop3A_491 = arith.index_cast %parallel_loop3A_234 : i32 to index
        %parallel_loop3A_492 = arith.constant 256 : index
        %parallel_loop3A_493 = tpu.vector_load %arg12[%parallel_loop3A_491, %parallel_loop3A_492] {strides = array<i32>} : memref<16x1024xf32, #tpu.memory_space<vmem>>, vector<1x16xf32>,
        %parallel_loop3A_494 = vector.shape_cast %parallel_loop3A_493 : vector<1x16xf32> to vector<16xf32>
        %parallel_loop3A_495 = arith.index_cast %rem3A_136 : i32 to index
        %parallel_loop3A_496 = arith.index_cast %parallel_loop3A_234 : i32 to index
        %parallel_loop3A_497 = arith.constant 256 : index
        %parallel_loop3A_498 = tpu.vector_load %arg10[%parallel_loop3A_495, %parallel_loop3A_496, %parallel_loop3A_497] {strides = array<i32>} : memref<3x16x1024xf32, #tpu.memory_space<vmem>>, vector<1x1x16xf32>,
        %parallel_loop3A_499 = vector.shape_cast %parallel_loop3A_498 : vector<1x1x16xf32> to vector<16xf32>
        %parallel_loop3A_500 = vector.shape_cast %parallel_loop3A_494 : vector<16xf32> to vector<1x1x16xf32>
        tpu.vector_store %arg10[%parallel_loop3A_495, %parallel_loop3A_496, %parallel_loop3A_497], %parallel_loop3A_500 {add = true, strides = array<i32>} : memref<3x16x1024xf32, #tpu.memory_space<vmem>>, vector<1x1x16xf32>,
        %parallel_loop3A_501 = arith.index_cast %rem3A_136 : i32 to index
        %parallel_loop3A_502 = arith.index_cast %parallel_loop3A_234 : i32 to index
        %parallel_loop3A_503 = arith.constant 256 : index
        %parallel_loop3A_504 = tpu.vector_load %arg11[%parallel_loop3A_501, %parallel_loop3A_502, %parallel_loop3A_503] {strides = array<i32>} : memref<3x16x1024xf32, #tpu.memory_space<vmem>>, vector<1x1x16xf32>,
        %parallel_loop3A_505 = vector.shape_cast %parallel_loop3A_504 : vector<1x1x16xf32> to vector<16xf32>
        %parallel_loop3A_506 = vector.shape_cast %parallel_loop3A_494 : vector<16xf32> to vector<1x1x16xf32>
        tpu.vector_store %arg11[%parallel_loop3A_501, %parallel_loop3A_502, %parallel_loop3A_503], %parallel_loop3A_506 {add = true, strides = array<i32>} : memref<3x16x1024xf32, #tpu.memory_space<vmem>>, vector<1x1x16xf32>,
        %parallel_loop3A_507 = arith.index_cast %parallel_loop3A_234 : i32 to index
        %parallel_loop3A_508 = arith.constant 272 : index
        %parallel_loop3A_509 = tpu.vector_load %arg12[%parallel_loop3A_507, %parallel_loop3A_508] {strides = array<i32>} : memref<16x1024xf32, #tpu.memory_space<vmem>>, vector<1x16xf32>,
        %parallel_loop3A_510 = vector.shape_cast %parallel_loop3A_509 : vector<1x16xf32> to vector<16xf32>
        %parallel_loop3A_511 = arith.index_cast %rem3A_136 : i32 to index
        %parallel_loop3A_512 = arith.index_cast %parallel_loop3A_234 : i32 to index
        %parallel_loop3A_513 = arith.constant 272 : index
        %parallel_loop3A_514 = tpu.vector_load %arg10[%parallel_loop3A_511, %parallel_loop3A_512, %parallel_loop3A_513] {strides = array<i32>} : memref<3x16x1024xf32, #tpu.memory_space<vmem>>, vector<1x1x16xf32>,
        %parallel_loop3A_515 = vector.shape_cast %parallel_loop3A_514 : vector<1x1x16xf32> to vector<16xf32>
        %parallel_loop3A_516 = vector.shape_cast %parallel_loop3A_510 : vector<16xf32> to vector<1x1x16xf32>
        tpu.vector_store %arg10[%parallel_loop3A_511, %parallel_loop3A_512, %parallel_loop3A_513], %parallel_loop3A_516 {add = true, strides = array<i32>} : memref<3x16x1024xf32, #tpu.memory_space<vmem>>, vector<1x1x16xf32>,
        %parallel_loop3A_517 = arith.index_cast %rem3A_136 : i32 to index
        %parallel_loop3A_518 = arith.index_cast %parallel_loop3A_234 : i32 to index
        %parallel_loop3A_519 = arith.constant 272 : index
        %parallel_loop3A_520 = tpu.vector_load %arg11[%parallel_loop3A_517, %parallel_loop3A_518, %parallel_loop3A_519] {strides = array<i32>} : memref<3x16x1024xf32, #tpu.memory_space<vmem>>, vector<1x1x16xf32>,
        %parallel_loop3A_521 = vector.shape_cast %parallel_loop3A_520 : vector<1x1x16xf32> to vector<16xf32>
        %parallel_loop3A_522 = vector.shape_cast %parallel_loop3A_510 : vector<16xf32> to vector<1x1x16xf32>
        tpu.vector_store %arg11[%parallel_loop3A_517, %parallel_loop3A_518, %parallel_loop3A_519], %parallel_loop3A_522 {add = true, strides = array<i32>} : memref<3x16x1024xf32, #tpu.memory_space<vmem>>, vector<1x1x16xf32>,
        %parallel_loop3A_523 = arith.index_cast %parallel_loop3A_234 : i32 to index
        %parallel_loop3A_524 = arith.constant 288 : index
        %parallel_loop3A_525 = tpu.vector_load %arg12[%parallel_loop3A_523, %parallel_loop3A_524] {strides = array<i32>} : memref<16x1024xf32, #tpu.memory_space<vmem>>, vector<1x16xf32>,
        %parallel_loop3A_526 = vector.shape_cast %parallel_loop3A_525 : vector<1x16xf32> to vector<16xf32>
        %parallel_loop3A_527 = arith.index_cast %rem3A_136 : i32 to index
        %parallel_loop3A_528 = arith.index_cast %parallel_loop3A_234 : i32 to index
        %parallel_loop3A_529 = arith.constant 288 : index
        %parallel_loop3A_530 = tpu.vector_load %arg10[%parallel_loop3A_527, %parallel_loop3A_528, %parallel_loop3A_529] {strides = array<i32>} : memref<3x16x1024xf32, #tpu.memory_space<vmem>>, vector<1x1x16xf32>,
        %parallel_loop3A_531 = vector.shape_cast %parallel_loop3A_530 : vector<1x1x16xf32> to vector<16xf32>
        %parallel_loop3A_532 = vector.shape_cast %parallel_loop3A_526 : vector<16xf32> to vector<1x1x16xf32>
        tpu.vector_store %arg10[%parallel_loop3A_527, %parallel_loop3A_528, %parallel_loop3A_529], %parallel_loop3A_532 {add = true, strides = array<i32>} : memref<3x16x1024xf32, #tpu.memory_space<vmem>>, vector<1x1x16xf32>,
        %parallel_loop3A_533 = arith.index_cast %rem3A_136 : i32 to index
        %parallel_loop3A_534 = arith.index_cast %parallel_loop3A_234 : i32 to index
        %parallel_loop3A_535 = arith.constant 288 : index
        %parallel_loop3A_536 = tpu.vector_load %arg11[%parallel_loop3A_533, %parallel_loop3A_534, %parallel_loop3A_535] {strides = array<i32>} : memref<3x16x1024xf32, #tpu.memory_space<vmem>>, vector<1x1x16xf32>,
        %parallel_loop3A_537 = vector.shape_cast %parallel_loop3A_536 : vector<1x1x16xf32> to vector<16xf32>
        %parallel_loop3A_538 = vector.shape_cast %parallel_loop3A_526 : vector<16xf32> to vector<1x1x16xf32>
        tpu.vector_store %arg11[%parallel_loop3A_533, %parallel_loop3A_534, %parallel_loop3A_535], %parallel_loop3A_538 {add = true, strides = array<i32>} : memref<3x16x1024xf32, #tpu.memory_space<vmem>>, vector<1x1x16xf32>,
        %parallel_loop3A_539 = arith.index_cast %parallel_loop3A_234 : i32 to index
        %parallel_loop3A_540 = arith.constant 304 : index
        %parallel_loop3A_541 = tpu.vector_load %arg12[%parallel_loop3A_539, %parallel_loop3A_540] {strides = array<i32>} : memref<16x1024xf32, #tpu.memory_space<vmem>>, vector<1x16xf32>,
        %parallel_loop3A_542 = vector.shape_cast %parallel_loop3A_541 : vector<1x16xf32> to vector<16xf32>
        %parallel_loop3A_543 = arith.index_cast %rem3A_136 : i32 to index
        %parallel_loop3A_544 = arith.index_cast %parallel_loop3A_234 : i32 to index
        %parallel_loop3A_545 = arith.constant 304 : index
        %parallel_loop3A_546 = tpu.vector_load %arg10[%parallel_loop3A_543, %parallel_loop3A_544, %parallel_loop3A_545] {strides = array<i32>} : memref<3x16x1024xf32, #tpu.memory_space<vmem>>, vector<1x1x16xf32>,
        %parallel_loop3A_547 = vector.shape_cast %parallel_loop3A_546 : vector<1x1x16xf32> to vector<16xf32>
        %parallel_loop3A_548 = vector.shape_cast %parallel_loop3A_542 : vector<16xf32> to vector<1x1x16xf32>
        tpu.vector_store %arg10[%parallel_loop3A_543, %parallel_loop3A_544, %parallel_loop3A_545], %parallel_loop3A_548 {add = true, strides = array<i32>} : memref<3x16x1024xf32, #tpu.memory_space<vmem>>, vector<1x1x16xf32>,
        %parallel_loop3A_549 = arith.index_cast %rem3A_136 : i32 to index
        %parallel_loop3A_550 = arith.index_cast %parallel_loop3A_234 : i32 to index
        %parallel_loop3A_551 = arith.constant 304 : index
        %parallel_loop3A_552 = tpu.vector_load %arg11[%parallel_loop3A_549, %parallel_loop3A_550, %parallel_loop3A_551] {strides = array<i32>} : memref<3x16x1024xf32, #tpu.memory_space<vmem>>, vector<1x1x16xf32>,
        %parallel_loop3A_553 = vector.shape_cast %parallel_loop3A_552 : vector<1x1x16xf32> to vector<16xf32>
        %parallel_loop3A_554 = vector.shape_cast %parallel_loop3A_542 : vector<16xf32> to vector<1x1x16xf32>
        tpu.vector_store %arg11[%parallel_loop3A_549, %parallel_loop3A_550, %parallel_loop3A_551], %parallel_loop3A_554 {add = true, strides = array<i32>} : memref<3x16x1024xf32, #tpu.memory_space<vmem>>, vector<1x1x16xf32>,
        %parallel_loop3A_555 = arith.index_cast %parallel_loop3A_234 : i32 to index
        %parallel_loop3A_556 = arith.constant 320 : index
        %parallel_loop3A_557 = tpu.vector_load %arg12[%parallel_loop3A_555, %parallel_loop3A_556] {strides = array<i32>} : memref<16x1024xf32, #tpu.memory_space<vmem>>, vector<1x16xf32>,
        %parallel_loop3A_558 = vector.shape_cast %parallel_loop3A_557 : vector<1x16xf32> to vector<16xf32>
        %parallel_loop3A_559 = arith.index_cast %rem3A_136 : i32 to index
        %parallel_loop3A_560 = arith.index_cast %parallel_loop3A_234 : i32 to index
        %parallel_loop3A_561 = arith.constant 320 : index
        %parallel_loop3A_562 = tpu.vector_load %arg10[%parallel_loop3A_559, %parallel_loop3A_560, %parallel_loop3A_561] {strides = array<i32>} : memref<3x16x1024xf32, #tpu.memory_space<vmem>>, vector<1x1x16xf32>,
        %parallel_loop3A_563 = vector.shape_cast %parallel_loop3A_562 : vector<1x1x16xf32> to vector<16xf32>
        %parallel_loop3A_564 = vector.shape_cast %parallel_loop3A_558 : vector<16xf32> to vector<1x1x16xf32>
        tpu.vector_store %arg10[%parallel_loop3A_559, %parallel_loop3A_560, %parallel_loop3A_561], %parallel_loop3A_564 {add = true, strides = array<i32>} : memref<3x16x1024xf32, #tpu.memory_space<vmem>>, vector<1x1x16xf32>,
        %parallel_loop3A_565 = arith.index_cast %rem3A_136 : i32 to index
        %parallel_loop3A_566 = arith.index_cast %parallel_loop3A_234 : i32 to index
        %parallel_loop3A_567 = arith.constant 320 : index
        %parallel_loop3A_568 = tpu.vector_load %arg11[%parallel_loop3A_565, %parallel_loop3A_566, %parallel_loop3A_567] {strides = array<i32>} : memref<3x16x1024xf32, #tpu.memory_space<vmem>>, vector<1x1x16xf32>,
        %parallel_loop3A_569 = vector.shape_cast %parallel_loop3A_568 : vector<1x1x16xf32> to vector<16xf32>
        %parallel_loop3A_570 = vector.shape_cast %parallel_loop3A_558 : vector<16xf32> to vector<1x1x16xf32>
        tpu.vector_store %arg11[%parallel_loop3A_565, %parallel_loop3A_566, %parallel_loop3A_567], %parallel_loop3A_570 {add = true, strides = array<i32>} : memref<3x16x1024xf32, #tpu.memory_space<vmem>>, vector<1x1x16xf32>,
        %parallel_loop3A_571 = arith.index_cast %parallel_loop3A_234 : i32 to index
        %parallel_loop3A_572 = arith.constant 336 : index
        %parallel_loop3A_573 = tpu.vector_load %arg12[%parallel_loop3A_571, %parallel_loop3A_572] {strides = array<i32>} : memref<16x1024xf32, #tpu.memory_space<vmem>>, vector<1x16xf32>,
        %parallel_loop3A_574 = vector.shape_cast %parallel_loop3A_573 : vector<1x16xf32> to vector<16xf32>
        %parallel_loop3A_575 = arith.index_cast %rem3A_136 : i32 to index
        %parallel_loop3A_576 = arith.index_cast %parallel_loop3A_234 : i32 to index
        %parallel_loop3A_577 = arith.constant 336 : index
        %parallel_loop3A_578 = tpu.vector_load %arg10[%parallel_loop3A_575, %parallel_loop3A_576, %parallel_loop3A_577] {strides = array<i32>} : memref<3x16x1024xf32, #tpu.memory_space<vmem>>, vector<1x1x16xf32>,
        %parallel_loop3A_579 = vector.shape_cast %parallel_loop3A_578 : vector<1x1x16xf32> to vector<16xf32>
        %parallel_loop3A_580 = vector.shape_cast %parallel_loop3A_574 : vector<16xf32> to vector<1x1x16xf32>
        tpu.vector_store %arg10[%parallel_loop3A_575, %parallel_loop3A_576, %parallel_loop3A_577], %parallel_loop3A_580 {add = true, strides = array<i32>} : memref<3x16x1024xf32, #tpu.memory_space<vmem>>, vector<1x1x16xf32>,
        %parallel_loop3A_581 = arith.index_cast %rem3A_136 : i32 to index
        %parallel_loop3A_582 = arith.index_cast %parallel_loop3A_234 : i32 to index
        %parallel_loop3A_583 = arith.constant 336 : index
        %parallel_loop3A_584 = tpu.vector_load %arg11[%parallel_loop3A_581, %parallel_loop3A_582, %parallel_loop3A_583] {strides = array<i32>} : memref<3x16x1024xf32, #tpu.memory_space<vmem>>, vector<1x1x16xf32>,
        %parallel_loop3A_585 = vector.shape_cast %parallel_loop3A_584 : vector<1x1x16xf32> to vector<16xf32>
        %parallel_loop3A_586 = vector.shape_cast %parallel_loop3A_574 : vector<16xf32> to vector<1x1x16xf32>
        tpu.vector_store %arg11[%parallel_loop3A_581, %parallel_loop3A_582, %parallel_loop3A_583], %parallel_loop3A_586 {add = true, strides = array<i32>} : memref<3x16x1024xf32, #tpu.memory_space<vmem>>, vector<1x1x16xf32>,
        %parallel_loop3A_587 = arith.index_cast %parallel_loop3A_234 : i32 to index
        %parallel_loop3A_588 = arith.constant 352 : index
        %parallel_loop3A_589 = tpu.vector_load %arg12[%parallel_loop3A_587, %parallel_loop3A_588] {strides = array<i32>} : memref<16x1024xf32, #tpu.memory_space<vmem>>, vector<1x16xf32>,
        %parallel_loop3A_590 = vector.shape_cast %parallel_loop3A_589 : vector<1x16xf32> to vector<16xf32>
        %parallel_loop3A_591 = arith.index_cast %rem3A_136 : i32 to index
        %parallel_loop3A_592 = arith.index_cast %parallel_loop3A_234 : i32 to index
        %parallel_loop3A_593 = arith.constant 352 : index
        %parallel_loop3A_594 = tpu.vector_load %arg10[%parallel_loop3A_591, %parallel_loop3A_592, %parallel_loop3A_593] {strides = array<i32>} : memref<3x16x1024xf32, #tpu.memory_space<vmem>>, vector<1x1x16xf32>,
        %parallel_loop3A_595 = vector.shape_cast %parallel_loop3A_594 : vector<1x1x16xf32> to vector<16xf32>
        %parallel_loop3A_596 = vector.shape_cast %parallel_loop3A_590 : vector<16xf32> to vector<1x1x16xf32>
        tpu.vector_store %arg10[%parallel_loop3A_591, %parallel_loop3A_592, %parallel_loop3A_593], %parallel_loop3A_596 {add = true, strides = array<i32>} : memref<3x16x1024xf32, #tpu.memory_space<vmem>>, vector<1x1x16xf32>,
        %parallel_loop3A_597 = arith.index_cast %rem3A_136 : i32 to index
        %parallel_loop3A_598 = arith.index_cast %parallel_loop3A_234 : i32 to index
        %parallel_loop3A_599 = arith.constant 352 : index
        %parallel_loop3A_600 = tpu.vector_load %arg11[%parallel_loop3A_597, %parallel_loop3A_598, %parallel_loop3A_599] {strides = array<i32>} : memref<3x16x1024xf32, #tpu.memory_space<vmem>>, vector<1x1x16xf32>,
        %parallel_loop3A_601 = vector.shape_cast %parallel_loop3A_600 : vector<1x1x16xf32> to vector<16xf32>
        %parallel_loop3A_602 = vector.shape_cast %parallel_loop3A_590 : vector<16xf32> to vector<1x1x16xf32>
        tpu.vector_store %arg11[%parallel_loop3A_597, %parallel_loop3A_598, %parallel_loop3A_599], %parallel_loop3A_602 {add = true, strides = array<i32>} : memref<3x16x1024xf32, #tpu.memory_space<vmem>>, vector<1x1x16xf32>,
        %parallel_loop3A_603 = arith.index_cast %parallel_loop3A_234 : i32 to index
        %parallel_loop3A_604 = arith.constant 368 : index
        %parallel_loop3A_605 = tpu.vector_load %arg12[%parallel_loop3A_603, %parallel_loop3A_604] {strides = array<i32>} : memref<16x1024xf32, #tpu.memory_space<vmem>>, vector<1x16xf32>,
        %parallel_loop3A_606 = vector.shape_cast %parallel_loop3A_605 : vector<1x16xf32> to vector<16xf32>
        %parallel_loop3A_607 = arith.index_cast %rem3A_136 : i32 to index
        %parallel_loop3A_608 = arith.index_cast %parallel_loop3A_234 : i32 to index
        %parallel_loop3A_609 = arith.constant 368 : index
        %parallel_loop3A_610 = tpu.vector_load %arg10[%parallel_loop3A_607, %parallel_loop3A_608, %parallel_loop3A_609] {strides = array<i32>} : memref<3x16x1024xf32, #tpu.memory_space<vmem>>, vector<1x1x16xf32>,
        %parallel_loop3A_611 = vector.shape_cast %parallel_loop3A_610 : vector<1x1x16xf32> to vector<16xf32>
        %parallel_loop3A_612 = vector.shape_cast %parallel_loop3A_606 : vector<16xf32> to vector<1x1x16xf32>
        tpu.vector_store %arg10[%parallel_loop3A_607, %parallel_loop3A_608, %parallel_loop3A_609], %parallel_loop3A_612 {add = true, strides = array<i32>} : memref<3x16x1024xf32, #tpu.memory_space<vmem>>, vector<1x1x16xf32>,
        %parallel_loop3A_613 = arith.index_cast %rem3A_136 : i32 to index
        %parallel_loop3A_614 = arith.index_cast %parallel_loop3A_234 : i32 to index
        %parallel_loop3A_615 = arith.constant 368 : index
        %parallel_loop3A_616 = tpu.vector_load %arg11[%parallel_loop3A_613, %parallel_loop3A_614, %parallel_loop3A_615] {strides = array<i32>} : memref<3x16x1024xf32, #tpu.memory_space<vmem>>, vector<1x1x16xf32>,
        %parallel_loop3A_617 = vector.shape_cast %parallel_loop3A_616 : vector<1x1x16xf32> to vector<16xf32>
        %parallel_loop3A_618 = vector.shape_cast %parallel_loop3A_606 : vector<16xf32> to vector<1x1x16xf32>
        tpu.vector_store %arg11[%parallel_loop3A_613, %parallel_loop3A_614, %parallel_loop3A_615], %parallel_loop3A_618 {add = true, strides = array<i32>} : memref<3x16x1024xf32, #tpu.memory_space<vmem>>, vector<1x1x16xf32>,
        %parallel_loop3A_619 = arith.index_cast %parallel_loop3A_234 : i32 to index
        %parallel_loop3A_620 = arith.constant 384 : index
        %parallel_loop3A_621 = tpu.vector_load %arg12[%parallel_loop3A_619, %parallel_loop3A_620] {strides = array<i32>} : memref<16x1024xf32, #tpu.memory_space<vmem>>, vector<1x16xf32>,
        %parallel_loop3A_622 = vector.shape_cast %parallel_loop3A_621 : vector<1x16xf32> to vector<16xf32>
        %parallel_loop3A_623 = arith.index_cast %rem3A_136 : i32 to index
        %parallel_loop3A_624 = arith.index_cast %parallel_loop3A_234 : i32 to index
        %parallel_loop3A_625 = arith.constant 384 : index
        %parallel_loop3A_626 = tpu.vector_load %arg10[%parallel_loop3A_623, %parallel_loop3A_624, %parallel_loop3A_625] {strides = array<i32>} : memref<3x16x1024xf32, #tpu.memory_space<vmem>>, vector<1x1x16xf32>,
        %parallel_loop3A_627 = vector.shape_cast %parallel_loop3A_626 : vector<1x1x16xf32> to vector<16xf32>
        %parallel_loop3A_628 = vector.shape_cast %parallel_loop3A_622 : vector<16xf32> to vector<1x1x16xf32>
        tpu.vector_store %arg10[%parallel_loop3A_623, %parallel_loop3A_624, %parallel_loop3A_625], %parallel_loop3A_628 {add = true, strides = array<i32>} : memref<3x16x1024xf32, #tpu.memory_space<vmem>>, vector<1x1x16xf32>,
        %parallel_loop3A_629 = arith.index_cast %rem3A_136 : i32 to index
        %parallel_loop3A_630 = arith.index_cast %parallel_loop3A_234 : i32 to index
        %parallel_loop3A_631 = arith.constant 384 : index
        %parallel_loop3A_632 = tpu.vector_load %arg11[%parallel_loop3A_629, %parallel_loop3A_630, %parallel_loop3A_631] {strides = array<i32>} : memref<3x16x1024xf32, #tpu.memory_space<vmem>>, vector<1x1x16xf32>,
        %parallel_loop3A_633 = vector.shape_cast %parallel_loop3A_632 : vector<1x1x16xf32> to vector<16xf32>
        %parallel_loop3A_634 = vector.shape_cast %parallel_loop3A_622 : vector<16xf32> to vector<1x1x16xf32>
        tpu.vector_store %arg11[%parallel_loop3A_629, %parallel_loop3A_630, %parallel_loop3A_631], %parallel_loop3A_634 {add = true, strides = array<i32>} : memref<3x16x1024xf32, #tpu.memory_space<vmem>>, vector<1x1x16xf32>,
        %parallel_loop3A_635 = arith.index_cast %parallel_loop3A_234 : i32 to index
        %parallel_loop3A_636 = arith.constant 400 : index
        %parallel_loop3A_637 = tpu.vector_load %arg12[%parallel_loop3A_635, %parallel_loop3A_636] {strides = array<i32>} : memref<16x1024xf32, #tpu.memory_space<vmem>>, vector<1x16xf32>,
        %parallel_loop3A_638 = vector.shape_cast %parallel_loop3A_637 : vector<1x16xf32> to vector<16xf32>
        %parallel_loop3A_639 = arith.index_cast %rem3A_136 : i32 to index
        %parallel_loop3A_640 = arith.index_cast %parallel_loop3A_234 : i32 to index
        %parallel_loop3A_641 = arith.constant 400 : index
        %parallel_loop3A_642 = tpu.vector_load %arg10[%parallel_loop3A_639, %parallel_loop3A_640, %parallel_loop3A_641] {strides = array<i32>} : memref<3x16x1024xf32, #tpu.memory_space<vmem>>, vector<1x1x16xf32>,
        %parallel_loop3A_643 = vector.shape_cast %parallel_loop3A_642 : vector<1x1x16xf32> to vector<16xf32>
        %parallel_loop3A_644 = vector.shape_cast %parallel_loop3A_638 : vector<16xf32> to vector<1x1x16xf32>
        tpu.vector_store %arg10[%parallel_loop3A_639, %parallel_loop3A_640, %parallel_loop3A_641], %parallel_loop3A_644 {add = true, strides = array<i32>} : memref<3x16x1024xf32, #tpu.memory_space<vmem>>, vector<1x1x16xf32>,
        %parallel_loop3A_645 = arith.index_cast %rem3A_136 : i32 to index
        %parallel_loop3A_646 = arith.index_cast %parallel_loop3A_234 : i32 to index
        %parallel_loop3A_647 = arith.constant 400 : index
        %parallel_loop3A_648 = tpu.vector_load %arg11[%parallel_loop3A_645, %parallel_loop3A_646, %parallel_loop3A_647] {strides = array<i32>} : memref<3x16x1024xf32, #tpu.memory_space<vmem>>, vector<1x1x16xf32>,
        %parallel_loop3A_649 = vector.shape_cast %parallel_loop3A_648 : vector<1x1x16xf32> to vector<16xf32>
        %parallel_loop3A_650 = vector.shape_cast %parallel_loop3A_638 : vector<16xf32> to vector<1x1x16xf32>
        tpu.vector_store %arg11[%parallel_loop3A_645, %parallel_loop3A_646, %parallel_loop3A_647], %parallel_loop3A_650 {add = true, strides = array<i32>} : memref<3x16x1024xf32, #tpu.memory_space<vmem>>, vector<1x1x16xf32>,
        %parallel_loop3A_651 = arith.index_cast %parallel_loop3A_234 : i32 to index
        %parallel_loop3A_652 = arith.constant 416 : index
        %parallel_loop3A_653 = tpu.vector_load %arg12[%parallel_loop3A_651, %parallel_loop3A_652] {strides = array<i32>} : memref<16x1024xf32, #tpu.memory_space<vmem>>, vector<1x16xf32>,
        %parallel_loop3A_654 = vector.shape_cast %parallel_loop3A_653 : vector<1x16xf32> to vector<16xf32>
        %parallel_loop3A_655 = arith.index_cast %rem3A_136 : i32 to index
        %parallel_loop3A_656 = arith.index_cast %parallel_loop3A_234 : i32 to index
        %parallel_loop3A_657 = arith.constant 416 : index
        %parallel_loop3A_658 = tpu.vector_load %arg10[%parallel_loop3A_655, %parallel_loop3A_656, %parallel_loop3A_657] {strides = array<i32>} : memref<3x16x1024xf32, #tpu.memory_space<vmem>>, vector<1x1x16xf32>,
        %parallel_loop3A_659 = vector.shape_cast %parallel_loop3A_658 : vector<1x1x16xf32> to vector<16xf32>
        %parallel_loop3A_660 = vector.shape_cast %parallel_loop3A_654 : vector<16xf32> to vector<1x1x16xf32>
        tpu.vector_store %arg10[%parallel_loop3A_655, %parallel_loop3A_656, %parallel_loop3A_657], %parallel_loop3A_660 {add = true, strides = array<i32>} : memref<3x16x1024xf32, #tpu.memory_space<vmem>>, vector<1x1x16xf32>,
        %parallel_loop3A_661 = arith.index_cast %rem3A_136 : i32 to index
        %parallel_loop3A_662 = arith.index_cast %parallel_loop3A_234 : i32 to index
        %parallel_loop3A_663 = arith.constant 416 : index
        %parallel_loop3A_664 = tpu.vector_load %arg11[%parallel_loop3A_661, %parallel_loop3A_662, %parallel_loop3A_663] {strides = array<i32>} : memref<3x16x1024xf32, #tpu.memory_space<vmem>>, vector<1x1x16xf32>,
        %parallel_loop3A_665 = vector.shape_cast %parallel_loop3A_664 : vector<1x1x16xf32> to vector<16xf32>
        %parallel_loop3A_666 = vector.shape_cast %parallel_loop3A_654 : vector<16xf32> to vector<1x1x16xf32>
        tpu.vector_store %arg11[%parallel_loop3A_661, %parallel_loop3A_662, %parallel_loop3A_663], %parallel_loop3A_666 {add = true, strides = array<i32>} : memref<3x16x1024xf32, #tpu.memory_space<vmem>>, vector<1x1x16xf32>,
        %parallel_loop3A_667 = arith.index_cast %parallel_loop3A_234 : i32 to index
        %parallel_loop3A_668 = arith.constant 432 : index
        %parallel_loop3A_669 = tpu.vector_load %arg12[%parallel_loop3A_667, %parallel_loop3A_668] {strides = array<i32>} : memref<16x1024xf32, #tpu.memory_space<vmem>>, vector<1x16xf32>,
        %parallel_loop3A_670 = vector.shape_cast %parallel_loop3A_669 : vector<1x16xf32> to vector<16xf32>
        %parallel_loop3A_671 = arith.index_cast %rem3A_136 : i32 to index
        %parallel_loop3A_672 = arith.index_cast %parallel_loop3A_234 : i32 to index
        %parallel_loop3A_673 = arith.constant 432 : index
        %parallel_loop3A_674 = tpu.vector_load %arg10[%parallel_loop3A_671, %parallel_loop3A_672, %parallel_loop3A_673] {strides = array<i32>} : memref<3x16x1024xf32, #tpu.memory_space<vmem>>, vector<1x1x16xf32>,
        %parallel_loop3A_675 = vector.shape_cast %parallel_loop3A_674 : vector<1x1x16xf32> to vector<16xf32>
        %parallel_loop3A_676 = vector.shape_cast %parallel_loop3A_670 : vector<16xf32> to vector<1x1x16xf32>
        tpu.vector_store %arg10[%parallel_loop3A_671, %parallel_loop3A_672, %parallel_loop3A_673], %parallel_loop3A_676 {add = true, strides = array<i32>} : memref<3x16x1024xf32, #tpu.memory_space<vmem>>, vector<1x1x16xf32>,
        %parallel_loop3A_677 = arith.index_cast %rem3A_136 : i32 to index
        %parallel_loop3A_678 = arith.index_cast %parallel_loop3A_234 : i32 to index
        %parallel_loop3A_679 = arith.constant 432 : index
        %parallel_loop3A_680 = tpu.vector_load %arg11[%parallel_loop3A_677, %parallel_loop3A_678, %parallel_loop3A_679] {strides = array<i32>} : memref<3x16x1024xf32, #tpu.memory_space<vmem>>, vector<1x1x16xf32>,
        %parallel_loop3A_681 = vector.shape_cast %parallel_loop3A_680 : vector<1x1x16xf32> to vector<16xf32>
        %parallel_loop3A_682 = vector.shape_cast %parallel_loop3A_670 : vector<16xf32> to vector<1x1x16xf32>
        tpu.vector_store %arg11[%parallel_loop3A_677, %parallel_loop3A_678, %parallel_loop3A_679], %parallel_loop3A_682 {add = true, strides = array<i32>} : memref<3x16x1024xf32, #tpu.memory_space<vmem>>, vector<1x1x16xf32>,
        %parallel_loop3A_683 = arith.index_cast %parallel_loop3A_234 : i32 to index
        %parallel_loop3A_684 = arith.constant 448 : index
        %parallel_loop3A_685 = tpu.vector_load %arg12[%parallel_loop3A_683, %parallel_loop3A_684] {strides = array<i32>} : memref<16x1024xf32, #tpu.memory_space<vmem>>, vector<1x16xf32>,
        %parallel_loop3A_686 = vector.shape_cast %parallel_loop3A_685 : vector<1x16xf32> to vector<16xf32>
        %parallel_loop3A_687 = arith.index_cast %rem3A_136 : i32 to index
        %parallel_loop3A_688 = arith.index_cast %parallel_loop3A_234 : i32 to index
        %parallel_loop3A_689 = arith.constant 448 : index
        %parallel_loop3A_690 = tpu.vector_load %arg10[%parallel_loop3A_687, %parallel_loop3A_688, %parallel_loop3A_689] {strides = array<i32>} : memref<3x16x1024xf32, #tpu.memory_space<vmem>>, vector<1x1x16xf32>,
        %parallel_loop3A_691 = vector.shape_cast %parallel_loop3A_690 : vector<1x1x16xf32> to vector<16xf32>
        %parallel_loop3A_692 = vector.shape_cast %parallel_loop3A_686 : vector<16xf32> to vector<1x1x16xf32>
        tpu.vector_store %arg10[%parallel_loop3A_687, %parallel_loop3A_688, %parallel_loop3A_689], %parallel_loop3A_692 {add = true, strides = array<i32>} : memref<3x16x1024xf32, #tpu.memory_space<vmem>>, vector<1x1x16xf32>,
        %parallel_loop3A_693 = arith.index_cast %rem3A_136 : i32 to index
        %parallel_loop3A_694 = arith.index_cast %parallel_loop3A_234 : i32 to index
        %parallel_loop3A_695 = arith.constant 448 : index
        %parallel_loop3A_696 = tpu.vector_load %arg11[%parallel_loop3A_693, %parallel_loop3A_694, %parallel_loop3A_695] {strides = array<i32>} : memref<3x16x1024xf32, #tpu.memory_space<vmem>>, vector<1x1x16xf32>,
        %parallel_loop3A_697 = vector.shape_cast %parallel_loop3A_696 : vector<1x1x16xf32> to vector<16xf32>
        %parallel_loop3A_698 = vector.shape_cast %parallel_loop3A_686 : vector<16xf32> to vector<1x1x16xf32>
        tpu.vector_store %arg11[%parallel_loop3A_693, %parallel_loop3A_694, %parallel_loop3A_695], %parallel_loop3A_698 {add = true, strides = array<i32>} : memref<3x16x1024xf32, #tpu.memory_space<vmem>>, vector<1x1x16xf32>,
        %parallel_loop3A_699 = arith.index_cast %parallel_loop3A_234 : i32 to index
        %parallel_loop3A_700 = arith.constant 464 : index
        %parallel_loop3A_701 = tpu.vector_load %arg12[%parallel_loop3A_699, %parallel_loop3A_700] {strides = array<i32>} : memref<16x1024xf32, #tpu.memory_space<vmem>>, vector<1x16xf32>,
        %parallel_loop3A_702 = vector.shape_cast %parallel_loop3A_701 : vector<1x16xf32> to vector<16xf32>
        %parallel_loop3A_703 = arith.index_cast %rem3A_136 : i32 to index
        %parallel_loop3A_704 = arith.index_cast %parallel_loop3A_234 : i32 to index
        %parallel_loop3A_705 = arith.constant 464 : index
        %parallel_loop3A_706 = tpu.vector_load %arg10[%parallel_loop3A_703, %parallel_loop3A_704, %parallel_loop3A_705] {strides = array<i32>} : memref<3x16x1024xf32, #tpu.memory_space<vmem>>, vector<1x1x16xf32>,
        %parallel_loop3A_707 = vector.shape_cast %parallel_loop3A_706 : vector<1x1x16xf32> to vector<16xf32>
        %parallel_loop3A_708 = vector.shape_cast %parallel_loop3A_702 : vector<16xf32> to vector<1x1x16xf32>
        tpu.vector_store %arg10[%parallel_loop3A_703, %parallel_loop3A_704, %parallel_loop3A_705], %parallel_loop3A_708 {add = true, strides = array<i32>} : memref<3x16x1024xf32, #tpu.memory_space<vmem>>, vector<1x1x16xf32>,
        %parallel_loop3A_709 = arith.index_cast %rem3A_136 : i32 to index
        %parallel_loop3A_710 = arith.index_cast %parallel_loop3A_234 : i32 to index
        %parallel_loop3A_711 = arith.constant 464 : index
        %parallel_loop3A_712 = tpu.vector_load %arg11[%parallel_loop3A_709, %parallel_loop3A_710, %parallel_loop3A_711] {strides = array<i32>} : memref<3x16x1024xf32, #tpu.memory_space<vmem>>, vector<1x1x16xf32>,
        %parallel_loop3A_713 = vector.shape_cast %parallel_loop3A_712 : vector<1x1x16xf32> to vector<16xf32>
        %parallel_loop3A_714 = vector.shape_cast %parallel_loop3A_702 : vector<16xf32> to vector<1x1x16xf32>
        tpu.vector_store %arg11[%parallel_loop3A_709, %parallel_loop3A_710, %parallel_loop3A_711], %parallel_loop3A_714 {add = true, strides = array<i32>} : memref<3x16x1024xf32, #tpu.memory_space<vmem>>, vector<1x1x16xf32>,
        %parallel_loop3A_715 = arith.index_cast %parallel_loop3A_234 : i32 to index
        %parallel_loop3A_716 = arith.constant 480 : index
        %parallel_loop3A_717 = tpu.vector_load %arg12[%parallel_loop3A_715, %parallel_loop3A_716] {strides = array<i32>} : memref<16x1024xf32, #tpu.memory_space<vmem>>, vector<1x16xf32>,
        %parallel_loop3A_718 = vector.shape_cast %parallel_loop3A_717 : vector<1x16xf32> to vector<16xf32>
        %parallel_loop3A_719 = arith.index_cast %rem3A_136 : i32 to index
        %parallel_loop3A_720 = arith.index_cast %parallel_loop3A_234 : i32 to index
        %parallel_loop3A_721 = arith.constant 480 : index
        %parallel_loop3A_722 = tpu.vector_load %arg10[%parallel_loop3A_719, %parallel_loop3A_720, %parallel_loop3A_721] {strides = array<i32>} : memref<3x16x1024xf32, #tpu.memory_space<vmem>>, vector<1x1x16xf32>,
        %parallel_loop3A_723 = vector.shape_cast %parallel_loop3A_722 : vector<1x1x16xf32> to vector<16xf32>
        %parallel_loop3A_724 = vector.shape_cast %parallel_loop3A_718 : vector<16xf32> to vector<1x1x16xf32>
        tpu.vector_store %arg10[%parallel_loop3A_719, %parallel_loop3A_720, %parallel_loop3A_721], %parallel_loop3A_724 {add = true, strides = array<i32>} : memref<3x16x1024xf32, #tpu.memory_space<vmem>>, vector<1x1x16xf32>,
        %parallel_loop3A_725 = arith.index_cast %rem3A_136 : i32 to index
        %parallel_loop3A_726 = arith.index_cast %parallel_loop3A_234 : i32 to index
        %parallel_loop3A_727 = arith.constant 480 : index
        %parallel_loop3A_728 = tpu.vector_load %arg11[%parallel_loop3A_725, %parallel_loop3A_726, %parallel_loop3A_727] {strides = array<i32>} : memref<3x16x1024xf32, #tpu.memory_space<vmem>>, vector<1x1x16xf32>,
        %parallel_loop3A_729 = vector.shape_cast %parallel_loop3A_728 : vector<1x1x16xf32> to vector<16xf32>
        %parallel_loop3A_730 = vector.shape_cast %parallel_loop3A_718 : vector<16xf32> to vector<1x1x16xf32>
        tpu.vector_store %arg11[%parallel_loop3A_725, %parallel_loop3A_726, %parallel_loop3A_727], %parallel_loop3A_730 {add = true, strides = array<i32>} : memref<3x16x1024xf32, #tpu.memory_space<vmem>>, vector<1x1x16xf32>,
        %parallel_loop3A_731 = arith.index_cast %parallel_loop3A_234 : i32 to index
        %parallel_loop3A_732 = arith.constant 496 : index
        %parallel_loop3A_733 = tpu.vector_load %arg12[%parallel_loop3A_731, %parallel_loop3A_732] {strides = array<i32>} : memref<16x1024xf32, #tpu.memory_space<vmem>>, vector<1x16xf32>,
        %parallel_loop3A_734 = vector.shape_cast %parallel_loop3A_733 : vector<1x16xf32> to vector<16xf32>
        %parallel_loop3A_735 = arith.index_cast %rem3A_136 : i32 to index
        %parallel_loop3A_736 = arith.index_cast %parallel_loop3A_234 : i32 to index
        %parallel_loop3A_737 = arith.constant 496 : index
        %parallel_loop3A_738 = tpu.vector_load %arg10[%parallel_loop3A_735, %parallel_loop3A_736, %parallel_loop3A_737] {strides = array<i32>} : memref<3x16x1024xf32, #tpu.memory_space<vmem>>, vector<1x1x16xf32>,
        %parallel_loop3A_739 = vector.shape_cast %parallel_loop3A_738 : vector<1x1x16xf32> to vector<16xf32>
        %parallel_loop3A_740 = vector.shape_cast %parallel_loop3A_734 : vector<16xf32> to vector<1x1x16xf32>
        tpu.vector_store %arg10[%parallel_loop3A_735, %parallel_loop3A_736, %parallel_loop3A_737], %parallel_loop3A_740 {add = true, strides = array<i32>} : memref<3x16x1024xf32, #tpu.memory_space<vmem>>, vector<1x1x16xf32>,
        %parallel_loop3A_741 = arith.index_cast %rem3A_136 : i32 to index
        %parallel_loop3A_742 = arith.index_cast %parallel_loop3A_234 : i32 to index
        %parallel_loop3A_743 = arith.constant 496 : index
        %parallel_loop3A_744 = tpu.vector_load %arg11[%parallel_loop3A_741, %parallel_loop3A_742, %parallel_loop3A_743] {strides = array<i32>} : memref<3x16x1024xf32, #tpu.memory_space<vmem>>, vector<1x1x16xf32>,
        %parallel_loop3A_745 = vector.shape_cast %parallel_loop3A_744 : vector<1x1x16xf32> to vector<16xf32>
        %parallel_loop3A_746 = vector.shape_cast %parallel_loop3A_734 : vector<16xf32> to vector<1x1x16xf32>
        tpu.vector_store %arg11[%parallel_loop3A_741, %parallel_loop3A_742, %parallel_loop3A_743], %parallel_loop3A_746 {add = true, strides = array<i32>} : memref<3x16x1024xf32, #tpu.memory_space<vmem>>, vector<1x1x16xf32>,
        %parallel_loop3A_747 = arith.index_cast %parallel_loop3A_234 : i32 to index
        %parallel_loop3A_748 = arith.constant 512 : index
        %parallel_loop3A_749 = tpu.vector_load %arg12[%parallel_loop3A_747, %parallel_loop3A_748] {strides = array<i32>} : memref<16x1024xf32, #tpu.memory_space<vmem>>, vector<1x16xf32>,
        %parallel_loop3A_750 = vector.shape_cast %parallel_loop3A_749 : vector<1x16xf32> to vector<16xf32>
        %parallel_loop3A_751 = arith.index_cast %rem3A_136 : i32 to index
        %parallel_loop3A_752 = arith.index_cast %parallel_loop3A_234 : i32 to index
        %parallel_loop3A_753 = arith.constant 512 : index
        %parallel_loop3A_754 = tpu.vector_load %arg10[%parallel_loop3A_751, %parallel_loop3A_752, %parallel_loop3A_753] {strides = array<i32>} : memref<3x16x1024xf32, #tpu.memory_space<vmem>>, vector<1x1x16xf32>,
        %parallel_loop3A_755 = vector.shape_cast %parallel_loop3A_754 : vector<1x1x16xf32> to vector<16xf32>
        %parallel_loop3A_756 = vector.shape_cast %parallel_loop3A_750 : vector<16xf32> to vector<1x1x16xf32>
        tpu.vector_store %arg10[%parallel_loop3A_751, %parallel_loop3A_752, %parallel_loop3A_753], %parallel_loop3A_756 {add = true, strides = array<i32>} : memref<3x16x1024xf32, #tpu.memory_space<vmem>>, vector<1x1x16xf32>,
        %parallel_loop3A_757 = arith.index_cast %rem3A_136 : i32 to index
        %parallel_loop3A_758 = arith.index_cast %parallel_loop3A_234 : i32 to index
        %parallel_loop3A_759 = arith.constant 512 : index
        %parallel_loop3A_760 = tpu.vector_load %arg11[%parallel_loop3A_757, %parallel_loop3A_758, %parallel_loop3A_759] {strides = array<i32>} : memref<3x16x1024xf32, #tpu.memory_space<vmem>>, vector<1x1x16xf32>,
        %parallel_loop3A_761 = vector.shape_cast %parallel_loop3A_760 : vector<1x1x16xf32> to vector<16xf32>
        %parallel_loop3A_762 = vector.shape_cast %parallel_loop3A_750 : vector<16xf32> to vector<1x1x16xf32>
        tpu.vector_store %arg11[%parallel_loop3A_757, %parallel_loop3A_758, %parallel_loop3A_759], %parallel_loop3A_762 {add = true, strides = array<i32>} : memref<3x16x1024xf32, #tpu.memory_space<vmem>>, vector<1x1x16xf32>,
        %parallel_loop3A_763 = arith.index_cast %parallel_loop3A_234 : i32 to index
        %parallel_loop3A_764 = arith.constant 528 : index
        %parallel_loop3A_765 = tpu.vector_load %arg12[%parallel_loop3A_763, %parallel_loop3A_764] {strides = array<i32>} : memref<16x1024xf32, #tpu.memory_space<vmem>>, vector<1x16xf32>,
        %parallel_loop3A_766 = vector.shape_cast %parallel_loop3A_765 : vector<1x16xf32> to vector<16xf32>
        %parallel_loop3A_767 = arith.index_cast %rem3A_136 : i32 to index
        %parallel_loop3A_768 = arith.index_cast %parallel_loop3A_234 : i32 to index
        %parallel_loop3A_769 = arith.constant 528 : index
        %parallel_loop3A_770 = tpu.vector_load %arg10[%parallel_loop3A_767, %parallel_loop3A_768, %parallel_loop3A_769] {strides = array<i32>} : memref<3x16x1024xf32, #tpu.memory_space<vmem>>, vector<1x1x16xf32>,
        %parallel_loop3A_771 = vector.shape_cast %parallel_loop3A_770 : vector<1x1x16xf32> to vector<16xf32>
        %parallel_loop3A_772 = vector.shape_cast %parallel_loop3A_766 : vector<16xf32> to vector<1x1x16xf32>
        tpu.vector_store %arg10[%parallel_loop3A_767, %parallel_loop3A_768, %parallel_loop3A_769], %parallel_loop3A_772 {add = true, strides = array<i32>} : memref<3x16x1024xf32, #tpu.memory_space<vmem>>, vector<1x1x16xf32>,
        %parallel_loop3A_773 = arith.index_cast %rem3A_136 : i32 to index
        %parallel_loop3A_774 = arith.index_cast %parallel_loop3A_234 : i32 to index
        %parallel_loop3A_775 = arith.constant 528 : index
        %parallel_loop3A_776 = tpu.vector_load %arg11[%parallel_loop3A_773, %parallel_loop3A_774, %parallel_loop3A_775] {strides = array<i32>} : memref<3x16x1024xf32, #tpu.memory_space<vmem>>, vector<1x1x16xf32>,
        %parallel_loop3A_777 = vector.shape_cast %parallel_loop3A_776 : vector<1x1x16xf32> to vector<16xf32>
        %parallel_loop3A_778 = vector.shape_cast %parallel_loop3A_766 : vector<16xf32> to vector<1x1x16xf32>
        tpu.vector_store %arg11[%parallel_loop3A_773, %parallel_loop3A_774, %parallel_loop3A_775], %parallel_loop3A_778 {add = true, strides = array<i32>} : memref<3x16x1024xf32, #tpu.memory_space<vmem>>, vector<1x1x16xf32>,
        %parallel_loop3A_779 = arith.index_cast %parallel_loop3A_234 : i32 to index
        %parallel_loop3A_780 = arith.constant 544 : index
        %parallel_loop3A_781 = tpu.vector_load %arg12[%parallel_loop3A_779, %parallel_loop3A_780] {strides = array<i32>} : memref<16x1024xf32, #tpu.memory_space<vmem>>, vector<1x16xf32>,
        %parallel_loop3A_782 = vector.shape_cast %parallel_loop3A_781 : vector<1x16xf32> to vector<16xf32>
        %parallel_loop3A_783 = arith.index_cast %rem3A_136 : i32 to index
        %parallel_loop3A_784 = arith.index_cast %parallel_loop3A_234 : i32 to index
        %parallel_loop3A_785 = arith.constant 544 : index
        %parallel_loop3A_786 = tpu.vector_load %arg10[%parallel_loop3A_783, %parallel_loop3A_784, %parallel_loop3A_785] {strides = array<i32>} : memref<3x16x1024xf32, #tpu.memory_space<vmem>>, vector<1x1x16xf32>,
        %parallel_loop3A_787 = vector.shape_cast %parallel_loop3A_786 : vector<1x1x16xf32> to vector<16xf32>
        %parallel_loop3A_788 = vector.shape_cast %parallel_loop3A_782 : vector<16xf32> to vector<1x1x16xf32>
        tpu.vector_store %arg10[%parallel_loop3A_783, %parallel_loop3A_784, %parallel_loop3A_785], %parallel_loop3A_788 {add = true, strides = array<i32>} : memref<3x16x1024xf32, #tpu.memory_space<vmem>>, vector<1x1x16xf32>,
        %parallel_loop3A_789 = arith.index_cast %rem3A_136 : i32 to index
        %parallel_loop3A_790 = arith.index_cast %parallel_loop3A_234 : i32 to index
        %parallel_loop3A_791 = arith.constant 544 : index
        %parallel_loop3A_792 = tpu.vector_load %arg11[%parallel_loop3A_789, %parallel_loop3A_790, %parallel_loop3A_791] {strides = array<i32>} : memref<3x16x1024xf32, #tpu.memory_space<vmem>>, vector<1x1x16xf32>,
        %parallel_loop3A_793 = vector.shape_cast %parallel_loop3A_792 : vector<1x1x16xf32> to vector<16xf32>
        %parallel_loop3A_794 = vector.shape_cast %parallel_loop3A_782 : vector<16xf32> to vector<1x1x16xf32>
        tpu.vector_store %arg11[%parallel_loop3A_789, %parallel_loop3A_790, %parallel_loop3A_791], %parallel_loop3A_794 {add = true, strides = array<i32>} : memref<3x16x1024xf32, #tpu.memory_space<vmem>>, vector<1x1x16xf32>,
        %parallel_loop3A_795 = arith.index_cast %parallel_loop3A_234 : i32 to index
        %parallel_loop3A_796 = arith.constant 560 : index
        %parallel_loop3A_797 = tpu.vector_load %arg12[%parallel_loop3A_795, %parallel_loop3A_796] {strides = array<i32>} : memref<16x1024xf32, #tpu.memory_space<vmem>>, vector<1x16xf32>,
        %parallel_loop3A_798 = vector.shape_cast %parallel_loop3A_797 : vector<1x16xf32> to vector<16xf32>
        %parallel_loop3A_799 = arith.index_cast %rem3A_136 : i32 to index
        %parallel_loop3A_800 = arith.index_cast %parallel_loop3A_234 : i32 to index
        %parallel_loop3A_801 = arith.constant 560 : index
        %parallel_loop3A_802 = tpu.vector_load %arg10[%parallel_loop3A_799, %parallel_loop3A_800, %parallel_loop3A_801] {strides = array<i32>} : memref<3x16x1024xf32, #tpu.memory_space<vmem>>, vector<1x1x16xf32>,
        %parallel_loop3A_803 = vector.shape_cast %parallel_loop3A_802 : vector<1x1x16xf32> to vector<16xf32>
        %parallel_loop3A_804 = vector.shape_cast %parallel_loop3A_798 : vector<16xf32> to vector<1x1x16xf32>
        tpu.vector_store %arg10[%parallel_loop3A_799, %parallel_loop3A_800, %parallel_loop3A_801], %parallel_loop3A_804 {add = true, strides = array<i32>} : memref<3x16x1024xf32, #tpu.memory_space<vmem>>, vector<1x1x16xf32>,
        %parallel_loop3A_805 = arith.index_cast %rem3A_136 : i32 to index
        %parallel_loop3A_806 = arith.index_cast %parallel_loop3A_234 : i32 to index
        %parallel_loop3A_807 = arith.constant 560 : index
        %parallel_loop3A_808 = tpu.vector_load %arg11[%parallel_loop3A_805, %parallel_loop3A_806, %parallel_loop3A_807] {strides = array<i32>} : memref<3x16x1024xf32, #tpu.memory_space<vmem>>, vector<1x1x16xf32>,
        %parallel_loop3A_809 = vector.shape_cast %parallel_loop3A_808 : vector<1x1x16xf32> to vector<16xf32>
        %parallel_loop3A_810 = vector.shape_cast %parallel_loop3A_798 : vector<16xf32> to vector<1x1x16xf32>
        tpu.vector_store %arg11[%parallel_loop3A_805, %parallel_loop3A_806, %parallel_loop3A_807], %parallel_loop3A_810 {add = true, strides = array<i32>} : memref<3x16x1024xf32, #tpu.memory_space<vmem>>, vector<1x1x16xf32>,
        %parallel_loop3A_811 = arith.index_cast %parallel_loop3A_234 : i32 to index
        %parallel_loop3A_812 = arith.constant 576 : index
        %parallel_loop3A_813 = tpu.vector_load %arg12[%parallel_loop3A_811, %parallel_loop3A_812] {strides = array<i32>} : memref<16x1024xf32, #tpu.memory_space<vmem>>, vector<1x16xf32>,
        %parallel_loop3A_814 = vector.shape_cast %parallel_loop3A_813 : vector<1x16xf32> to vector<16xf32>
        %parallel_loop3A_815 = arith.index_cast %rem3A_136 : i32 to index
        %parallel_loop3A_816 = arith.index_cast %parallel_loop3A_234 : i32 to index
        %parallel_loop3A_817 = arith.constant 576 : index
        %parallel_loop3A_818 = tpu.vector_load %arg10[%parallel_loop3A_815, %parallel_loop3A_816, %parallel_loop3A_817] {strides = array<i32>} : memref<3x16x1024xf32, #tpu.memory_space<vmem>>, vector<1x1x16xf32>,
        %parallel_loop3A_819 = vector.shape_cast %parallel_loop3A_818 : vector<1x1x16xf32> to vector<16xf32>
        %parallel_loop3A_820 = vector.shape_cast %parallel_loop3A_814 : vector<16xf32> to vector<1x1x16xf32>
        tpu.vector_store %arg10[%parallel_loop3A_815, %parallel_loop3A_816, %parallel_loop3A_817], %parallel_loop3A_820 {add = true, strides = array<i32>} : memref<3x16x1024xf32, #tpu.memory_space<vmem>>, vector<1x1x16xf32>,
        %parallel_loop3A_821 = arith.index_cast %rem3A_136 : i32 to index
        %parallel_loop3A_822 = arith.index_cast %parallel_loop3A_234 : i32 to index
        %parallel_loop3A_823 = arith.constant 576 : index
        %parallel_loop3A_824 = tpu.vector_load %arg11[%parallel_loop3A_821, %parallel_loop3A_822, %parallel_loop3A_823] {strides = array<i32>} : memref<3x16x1024xf32, #tpu.memory_space<vmem>>, vector<1x1x16xf32>,
        %parallel_loop3A_825 = vector.shape_cast %parallel_loop3A_824 : vector<1x1x16xf32> to vector<16xf32>
        %parallel_loop3A_826 = vector.shape_cast %parallel_loop3A_814 : vector<16xf32> to vector<1x1x16xf32>
        tpu.vector_store %arg11[%parallel_loop3A_821, %parallel_loop3A_822, %parallel_loop3A_823], %parallel_loop3A_826 {add = true, strides = array<i32>} : memref<3x16x1024xf32, #tpu.memory_space<vmem>>, vector<1x1x16xf32>,
        %parallel_loop3A_827 = arith.index_cast %parallel_loop3A_234 : i32 to index
        %parallel_loop3A_828 = arith.constant 592 : index
        %parallel_loop3A_829 = tpu.vector_load %arg12[%parallel_loop3A_827, %parallel_loop3A_828] {strides = array<i32>} : memref<16x1024xf32, #tpu.memory_space<vmem>>, vector<1x16xf32>,
        %parallel_loop3A_830 = vector.shape_cast %parallel_loop3A_829 : vector<1x16xf32> to vector<16xf32>
        %parallel_loop3A_831 = arith.index_cast %rem3A_136 : i32 to index
        %parallel_loop3A_832 = arith.index_cast %parallel_loop3A_234 : i32 to index
        %parallel_loop3A_833 = arith.constant 592 : index
        %parallel_loop3A_834 = tpu.vector_load %arg10[%parallel_loop3A_831, %parallel_loop3A_832, %parallel_loop3A_833] {strides = array<i32>} : memref<3x16x1024xf32, #tpu.memory_space<vmem>>, vector<1x1x16xf32>,
        %parallel_loop3A_835 = vector.shape_cast %parallel_loop3A_834 : vector<1x1x16xf32> to vector<16xf32>
        %parallel_loop3A_836 = vector.shape_cast %parallel_loop3A_830 : vector<16xf32> to vector<1x1x16xf32>
        tpu.vector_store %arg10[%parallel_loop3A_831, %parallel_loop3A_832, %parallel_loop3A_833], %parallel_loop3A_836 {add = true, strides = array<i32>} : memref<3x16x1024xf32, #tpu.memory_space<vmem>>, vector<1x1x16xf32>,
        %parallel_loop3A_837 = arith.index_cast %rem3A_136 : i32 to index
        %parallel_loop3A_838 = arith.index_cast %parallel_loop3A_234 : i32 to index
        %parallel_loop3A_839 = arith.constant 592 : index
        %parallel_loop3A_840 = tpu.vector_load %arg11[%parallel_loop3A_837, %parallel_loop3A_838, %parallel_loop3A_839] {strides = array<i32>} : memref<3x16x1024xf32, #tpu.memory_space<vmem>>, vector<1x1x16xf32>,
        %parallel_loop3A_841 = vector.shape_cast %parallel_loop3A_840 : vector<1x1x16xf32> to vector<16xf32>
        %parallel_loop3A_842 = vector.shape_cast %parallel_loop3A_830 : vector<16xf32> to vector<1x1x16xf32>
        tpu.vector_store %arg11[%parallel_loop3A_837, %parallel_loop3A_838, %parallel_loop3A_839], %parallel_loop3A_842 {add = true, strides = array<i32>} : memref<3x16x1024xf32, #tpu.memory_space<vmem>>, vector<1x1x16xf32>,
        %parallel_loop3A_843 = arith.index_cast %parallel_loop3A_234 : i32 to index
        %parallel_loop3A_844 = arith.constant 608 : index
        %parallel_loop3A_845 = tpu.vector_load %arg12[%parallel_loop3A_843, %parallel_loop3A_844] {strides = array<i32>} : memref<16x1024xf32, #tpu.memory_space<vmem>>, vector<1x16xf32>,
        %parallel_loop3A_846 = vector.shape_cast %parallel_loop3A_845 : vector<1x16xf32> to vector<16xf32>
        %parallel_loop3A_847 = arith.index_cast %rem3A_136 : i32 to index
        %parallel_loop3A_848 = arith.index_cast %parallel_loop3A_234 : i32 to index
        %parallel_loop3A_849 = arith.constant 608 : index
        %parallel_loop3A_850 = tpu.vector_load %arg10[%parallel_loop3A_847, %parallel_loop3A_848, %parallel_loop3A_849] {strides = array<i32>} : memref<3x16x1024xf32, #tpu.memory_space<vmem>>, vector<1x1x16xf32>,
        %parallel_loop3A_851 = vector.shape_cast %parallel_loop3A_850 : vector<1x1x16xf32> to vector<16xf32>
        %parallel_loop3A_852 = vector.shape_cast %parallel_loop3A_846 : vector<16xf32> to vector<1x1x16xf32>
        tpu.vector_store %arg10[%parallel_loop3A_847, %parallel_loop3A_848, %parallel_loop3A_849], %parallel_loop3A_852 {add = true, strides = array<i32>} : memref<3x16x1024xf32, #tpu.memory_space<vmem>>, vector<1x1x16xf32>,
        %parallel_loop3A_853 = arith.index_cast %rem3A_136 : i32 to index
        %parallel_loop3A_854 = arith.index_cast %parallel_loop3A_234 : i32 to index
        %parallel_loop3A_855 = arith.constant 608 : index
        %parallel_loop3A_856 = tpu.vector_load %arg11[%parallel_loop3A_853, %parallel_loop3A_854, %parallel_loop3A_855] {strides = array<i32>} : memref<3x16x1024xf32, #tpu.memory_space<vmem>>, vector<1x1x16xf32>,
        %parallel_loop3A_857 = vector.shape_cast %parallel_loop3A_856 : vector<1x1x16xf32> to vector<16xf32>
        %parallel_loop3A_858 = vector.shape_cast %parallel_loop3A_846 : vector<16xf32> to vector<1x1x16xf32>
        tpu.vector_store %arg11[%parallel_loop3A_853, %parallel_loop3A_854, %parallel_loop3A_855], %parallel_loop3A_858 {add = true, strides = array<i32>} : memref<3x16x1024xf32, #tpu.memory_space<vmem>>, vector<1x1x16xf32>,
        %parallel_loop3A_859 = arith.index_cast %parallel_loop3A_234 : i32 to index
        %parallel_loop3A_860 = arith.constant 624 : index
        %parallel_loop3A_861 = tpu.vector_load %arg12[%parallel_loop3A_859, %parallel_loop3A_860] {strides = array<i32>} : memref<16x1024xf32, #tpu.memory_space<vmem>>, vector<1x16xf32>,
        %parallel_loop3A_862 = vector.shape_cast %parallel_loop3A_861 : vector<1x16xf32> to vector<16xf32>
        %parallel_loop3A_863 = arith.index_cast %rem3A_136 : i32 to index
        %parallel_loop3A_864 = arith.index_cast %parallel_loop3A_234 : i32 to index
        %parallel_loop3A_865 = arith.constant 624 : index
        %parallel_loop3A_866 = tpu.vector_load %arg10[%parallel_loop3A_863, %parallel_loop3A_864, %parallel_loop3A_865] {strides = array<i32>} : memref<3x16x1024xf32, #tpu.memory_space<vmem>>, vector<1x1x16xf32>,
        %parallel_loop3A_867 = vector.shape_cast %parallel_loop3A_866 : vector<1x1x16xf32> to vector<16xf32>
        %parallel_loop3A_868 = vector.shape_cast %parallel_loop3A_862 : vector<16xf32> to vector<1x1x16xf32>
        tpu.vector_store %arg10[%parallel_loop3A_863, %parallel_loop3A_864, %parallel_loop3A_865], %parallel_loop3A_868 {add = true, strides = array<i32>} : memref<3x16x1024xf32, #tpu.memory_space<vmem>>, vector<1x1x16xf32>,
        %parallel_loop3A_869 = arith.index_cast %rem3A_136 : i32 to index
        %parallel_loop3A_870 = arith.index_cast %parallel_loop3A_234 : i32 to index
        %parallel_loop3A_871 = arith.constant 624 : index
        %parallel_loop3A_872 = tpu.vector_load %arg11[%parallel_loop3A_869, %parallel_loop3A_870, %parallel_loop3A_871] {strides = array<i32>} : memref<3x16x1024xf32, #tpu.memory_space<vmem>>, vector<1x1x16xf32>,
        %parallel_loop3A_873 = vector.shape_cast %parallel_loop3A_872 : vector<1x1x16xf32> to vector<16xf32>
        %parallel_loop3A_874 = vector.shape_cast %parallel_loop3A_862 : vector<16xf32> to vector<1x1x16xf32>
        tpu.vector_store %arg11[%parallel_loop3A_869, %parallel_loop3A_870, %parallel_loop3A_871], %parallel_loop3A_874 {add = true, strides = array<i32>} : memref<3x16x1024xf32, #tpu.memory_space<vmem>>, vector<1x1x16xf32>,
        %parallel_loop3A_875 = arith.index_cast %parallel_loop3A_234 : i32 to index
        %parallel_loop3A_876 = arith.constant 640 : index
        %parallel_loop3A_877 = tpu.vector_load %arg12[%parallel_loop3A_875, %parallel_loop3A_876] {strides = array<i32>} : memref<16x1024xf32, #tpu.memory_space<vmem>>, vector<1x16xf32>,
        %parallel_loop3A_878 = vector.shape_cast %parallel_loop3A_877 : vector<1x16xf32> to vector<16xf32>
        %parallel_loop3A_879 = arith.index_cast %rem3A_136 : i32 to index
        %parallel_loop3A_880 = arith.index_cast %parallel_loop3A_234 : i32 to index
        %parallel_loop3A_881 = arith.constant 640 : index
        %parallel_loop3A_882 = tpu.vector_load %arg10[%parallel_loop3A_879, %parallel_loop3A_880, %parallel_loop3A_881] {strides = array<i32>} : memref<3x16x1024xf32, #tpu.memory_space<vmem>>, vector<1x1x16xf32>,
        %parallel_loop3A_883 = vector.shape_cast %parallel_loop3A_882 : vector<1x1x16xf32> to vector<16xf32>
        %parallel_loop3A_884 = vector.shape_cast %parallel_loop3A_878 : vector<16xf32> to vector<1x1x16xf32>
        tpu.vector_store %arg10[%parallel_loop3A_879, %parallel_loop3A_880, %parallel_loop3A_881], %parallel_loop3A_884 {add = true, strides = array<i32>} : memref<3x16x1024xf32, #tpu.memory_space<vmem>>, vector<1x1x16xf32>,
        %parallel_loop3A_885 = arith.index_cast %rem3A_136 : i32 to index
        %parallel_loop3A_886 = arith.index_cast %parallel_loop3A_234 : i32 to index
        %parallel_loop3A_887 = arith.constant 640 : index
        %parallel_loop3A_888 = tpu.vector_load %arg11[%parallel_loop3A_885, %parallel_loop3A_886, %parallel_loop3A_887] {strides = array<i32>} : memref<3x16x1024xf32, #tpu.memory_space<vmem>>, vector<1x1x16xf32>,
        %parallel_loop3A_889 = vector.shape_cast %parallel_loop3A_888 : vector<1x1x16xf32> to vector<16xf32>
        %parallel_loop3A_890 = vector.shape_cast %parallel_loop3A_878 : vector<16xf32> to vector<1x1x16xf32>
        tpu.vector_store %arg11[%parallel_loop3A_885, %parallel_loop3A_886, %parallel_loop3A_887], %parallel_loop3A_890 {add = true, strides = array<i32>} : memref<3x16x1024xf32, #tpu.memory_space<vmem>>, vector<1x1x16xf32>,
        %parallel_loop3A_891 = arith.index_cast %parallel_loop3A_234 : i32 to index
        %parallel_loop3A_892 = arith.constant 656 : index
        %parallel_loop3A_893 = tpu.vector_load %arg12[%parallel_loop3A_891, %parallel_loop3A_892] {strides = array<i32>} : memref<16x1024xf32, #tpu.memory_space<vmem>>, vector<1x16xf32>,
        %parallel_loop3A_894 = vector.shape_cast %parallel_loop3A_893 : vector<1x16xf32> to vector<16xf32>
        %parallel_loop3A_895 = arith.index_cast %rem3A_136 : i32 to index
        %parallel_loop3A_896 = arith.index_cast %parallel_loop3A_234 : i32 to index
        %parallel_loop3A_897 = arith.constant 656 : index
        %parallel_loop3A_898 = tpu.vector_load %arg10[%parallel_loop3A_895, %parallel_loop3A_896, %parallel_loop3A_897] {strides = array<i32>} : memref<3x16x1024xf32, #tpu.memory_space<vmem>>, vector<1x1x16xf32>,
        %parallel_loop3A_899 = vector.shape_cast %parallel_loop3A_898 : vector<1x1x16xf32> to vector<16xf32>
        %parallel_loop3A_900 = vector.shape_cast %parallel_loop3A_894 : vector<16xf32> to vector<1x1x16xf32>
        tpu.vector_store %arg10[%parallel_loop3A_895, %parallel_loop3A_896, %parallel_loop3A_897], %parallel_loop3A_900 {add = true, strides = array<i32>} : memref<3x16x1024xf32, #tpu.memory_space<vmem>>, vector<1x1x16xf32>,
        %parallel_loop3A_901 = arith.index_cast %rem3A_136 : i32 to index
        %parallel_loop3A_902 = arith.index_cast %parallel_loop3A_234 : i32 to index
        %parallel_loop3A_903 = arith.constant 656 : index
        %parallel_loop3A_904 = tpu.vector_load %arg11[%parallel_loop3A_901, %parallel_loop3A_902, %parallel_loop3A_903] {strides = array<i32>} : memref<3x16x1024xf32, #tpu.memory_space<vmem>>, vector<1x1x16xf32>,
        %parallel_loop3A_905 = vector.shape_cast %parallel_loop3A_904 : vector<1x1x16xf32> to vector<16xf32>
        %parallel_loop3A_906 = vector.shape_cast %parallel_loop3A_894 : vector<16xf32> to vector<1x1x16xf32>
        tpu.vector_store %arg11[%parallel_loop3A_901, %parallel_loop3A_902, %parallel_loop3A_903], %parallel_loop3A_906 {add = true, strides = array<i32>} : memref<3x16x1024xf32, #tpu.memory_space<vmem>>, vector<1x1x16xf32>,
        %parallel_loop3A_907 = arith.index_cast %parallel_loop3A_234 : i32 to index
        %parallel_loop3A_908 = arith.constant 672 : index
        %parallel_loop3A_909 = tpu.vector_load %arg12[%parallel_loop3A_907, %parallel_loop3A_908] {strides = array<i32>} : memref<16x1024xf32, #tpu.memory_space<vmem>>, vector<1x16xf32>,
        %parallel_loop3A_910 = vector.shape_cast %parallel_loop3A_909 : vector<1x16xf32> to vector<16xf32>
        %parallel_loop3A_911 = arith.index_cast %rem3A_136 : i32 to index
        %parallel_loop3A_912 = arith.index_cast %parallel_loop3A_234 : i32 to index
        %parallel_loop3A_913 = arith.constant 672 : index
        %parallel_loop3A_914 = tpu.vector_load %arg10[%parallel_loop3A_911, %parallel_loop3A_912, %parallel_loop3A_913] {strides = array<i32>} : memref<3x16x1024xf32, #tpu.memory_space<vmem>>, vector<1x1x16xf32>,
        %parallel_loop3A_915 = vector.shape_cast %parallel_loop3A_914 : vector<1x1x16xf32> to vector<16xf32>
        %parallel_loop3A_916 = vector.shape_cast %parallel_loop3A_910 : vector<16xf32> to vector<1x1x16xf32>
        tpu.vector_store %arg10[%parallel_loop3A_911, %parallel_loop3A_912, %parallel_loop3A_913], %parallel_loop3A_916 {add = true, strides = array<i32>} : memref<3x16x1024xf32, #tpu.memory_space<vmem>>, vector<1x1x16xf32>,
        %parallel_loop3A_917 = arith.index_cast %rem3A_136 : i32 to index
        %parallel_loop3A_918 = arith.index_cast %parallel_loop3A_234 : i32 to index
        %parallel_loop3A_919 = arith.constant 672 : index
        %parallel_loop3A_920 = tpu.vector_load %arg11[%parallel_loop3A_917, %parallel_loop3A_918, %parallel_loop3A_919] {strides = array<i32>} : memref<3x16x1024xf32, #tpu.memory_space<vmem>>, vector<1x1x16xf32>,
        %parallel_loop3A_921 = vector.shape_cast %parallel_loop3A_920 : vector<1x1x16xf32> to vector<16xf32>
        %parallel_loop3A_922 = vector.shape_cast %parallel_loop3A_910 : vector<16xf32> to vector<1x1x16xf32>
        tpu.vector_store %arg11[%parallel_loop3A_917, %parallel_loop3A_918, %parallel_loop3A_919], %parallel_loop3A_922 {add = true, strides = array<i32>} : memref<3x16x1024xf32, #tpu.memory_space<vmem>>, vector<1x1x16xf32>,
        %parallel_loop3A_923 = arith.index_cast %parallel_loop3A_234 : i32 to index
        %parallel_loop3A_924 = arith.constant 688 : index
        %parallel_loop3A_925 = tpu.vector_load %arg12[%parallel_loop3A_923, %parallel_loop3A_924] {strides = array<i32>} : memref<16x1024xf32, #tpu.memory_space<vmem>>, vector<1x16xf32>,
        %parallel_loop3A_926 = vector.shape_cast %parallel_loop3A_925 : vector<1x16xf32> to vector<16xf32>
        %parallel_loop3A_927 = arith.index_cast %rem3A_136 : i32 to index
        %parallel_loop3A_928 = arith.index_cast %parallel_loop3A_234 : i32 to index
        %parallel_loop3A_929 = arith.constant 688 : index
        %parallel_loop3A_930 = tpu.vector_load %arg10[%parallel_loop3A_927, %parallel_loop3A_928, %parallel_loop3A_929] {strides = array<i32>} : memref<3x16x1024xf32, #tpu.memory_space<vmem>>, vector<1x1x16xf32>,
        %parallel_loop3A_931 = vector.shape_cast %parallel_loop3A_930 : vector<1x1x16xf32> to vector<16xf32>
        %parallel_loop3A_932 = vector.shape_cast %parallel_loop3A_926 : vector<16xf32> to vector<1x1x16xf32>
        tpu.vector_store %arg10[%parallel_loop3A_927, %parallel_loop3A_928, %parallel_loop3A_929], %parallel_loop3A_932 {add = true, strides = array<i32>} : memref<3x16x1024xf32, #tpu.memory_space<vmem>>, vector<1x1x16xf32>,
        %parallel_loop3A_933 = arith.index_cast %rem3A_136 : i32 to index
        %parallel_loop3A_934 = arith.index_cast %parallel_loop3A_234 : i32 to index
        %parallel_loop3A_935 = arith.constant 688 : index
        %parallel_loop3A_936 = tpu.vector_load %arg11[%parallel_loop3A_933, %parallel_loop3A_934, %parallel_loop3A_935] {strides = array<i32>} : memref<3x16x1024xf32, #tpu.memory_space<vmem>>, vector<1x1x16xf32>,
        %parallel_loop3A_937 = vector.shape_cast %parallel_loop3A_936 : vector<1x1x16xf32> to vector<16xf32>
        %parallel_loop3A_938 = vector.shape_cast %parallel_loop3A_926 : vector<16xf32> to vector<1x1x16xf32>
        tpu.vector_store %arg11[%parallel_loop3A_933, %parallel_loop3A_934, %parallel_loop3A_935], %parallel_loop3A_938 {add = true, strides = array<i32>} : memref<3x16x1024xf32, #tpu.memory_space<vmem>>, vector<1x1x16xf32>,
        %parallel_loop3A_939 = arith.index_cast %parallel_loop3A_234 : i32 to index
        %parallel_loop3A_940 = arith.constant 704 : index
        %parallel_loop3A_941 = tpu.vector_load %arg12[%parallel_loop3A_939, %parallel_loop3A_940] {strides = array<i32>} : memref<16x1024xf32, #tpu.memory_space<vmem>>, vector<1x16xf32>,
        %parallel_loop3A_942 = vector.shape_cast %parallel_loop3A_941 : vector<1x16xf32> to vector<16xf32>
        %parallel_loop3A_943 = arith.index_cast %rem3A_136 : i32 to index
        %parallel_loop3A_944 = arith.index_cast %parallel_loop3A_234 : i32 to index
        %parallel_loop3A_945 = arith.constant 704 : index
        %parallel_loop3A_946 = tpu.vector_load %arg10[%parallel_loop3A_943, %parallel_loop3A_944, %parallel_loop3A_945] {strides = array<i32>} : memref<3x16x1024xf32, #tpu.memory_space<vmem>>, vector<1x1x16xf32>,
        %parallel_loop3A_947 = vector.shape_cast %parallel_loop3A_946 : vector<1x1x16xf32> to vector<16xf32>
        %parallel_loop3A_948 = vector.shape_cast %parallel_loop3A_942 : vector<16xf32> to vector<1x1x16xf32>
        tpu.vector_store %arg10[%parallel_loop3A_943, %parallel_loop3A_944, %parallel_loop3A_945], %parallel_loop3A_948 {add = true, strides = array<i32>} : memref<3x16x1024xf32, #tpu.memory_space<vmem>>, vector<1x1x16xf32>,
        %parallel_loop3A_949 = arith.index_cast %rem3A_136 : i32 to index
        %parallel_loop3A_950 = arith.index_cast %parallel_loop3A_234 : i32 to index
        %parallel_loop3A_951 = arith.constant 704 : index
        %parallel_loop3A_952 = tpu.vector_load %arg11[%parallel_loop3A_949, %parallel_loop3A_950, %parallel_loop3A_951] {strides = array<i32>} : memref<3x16x1024xf32, #tpu.memory_space<vmem>>, vector<1x1x16xf32>,
        %parallel_loop3A_953 = vector.shape_cast %parallel_loop3A_952 : vector<1x1x16xf32> to vector<16xf32>
        %parallel_loop3A_954 = vector.shape_cast %parallel_loop3A_942 : vector<16xf32> to vector<1x1x16xf32>
        tpu.vector_store %arg11[%parallel_loop3A_949, %parallel_loop3A_950, %parallel_loop3A_951], %parallel_loop3A_954 {add = true, strides = array<i32>} : memref<3x16x1024xf32, #tpu.memory_space<vmem>>, vector<1x1x16xf32>,
        %parallel_loop3A_955 = arith.index_cast %parallel_loop3A_234 : i32 to index
        %parallel_loop3A_956 = arith.constant 720 : index
        %parallel_loop3A_957 = tpu.vector_load %arg12[%parallel_loop3A_955, %parallel_loop3A_956] {strides = array<i32>} : memref<16x1024xf32, #tpu.memory_space<vmem>>, vector<1x16xf32>,
        %parallel_loop3A_958 = vector.shape_cast %parallel_loop3A_957 : vector<1x16xf32> to vector<16xf32>
        %parallel_loop3A_959 = arith.index_cast %rem3A_136 : i32 to index
        %parallel_loop3A_960 = arith.index_cast %parallel_loop3A_234 : i32 to index
        %parallel_loop3A_961 = arith.constant 720 : index
        %parallel_loop3A_962 = tpu.vector_load %arg10[%parallel_loop3A_959, %parallel_loop3A_960, %parallel_loop3A_961] {strides = array<i32>} : memref<3x16x1024xf32, #tpu.memory_space<vmem>>, vector<1x1x16xf32>,
        %parallel_loop3A_963 = vector.shape_cast %parallel_loop3A_962 : vector<1x1x16xf32> to vector<16xf32>
        %parallel_loop3A_964 = vector.shape_cast %parallel_loop3A_958 : vector<16xf32> to vector<1x1x16xf32>
        tpu.vector_store %arg10[%parallel_loop3A_959, %parallel_loop3A_960, %parallel_loop3A_961], %parallel_loop3A_964 {add = true, strides = array<i32>} : memref<3x16x1024xf32, #tpu.memory_space<vmem>>, vector<1x1x16xf32>,
        %parallel_loop3A_965 = arith.index_cast %rem3A_136 : i32 to index
        %parallel_loop3A_966 = arith.index_cast %parallel_loop3A_234 : i32 to index
        %parallel_loop3A_967 = arith.constant 720 : index
        %parallel_loop3A_968 = tpu.vector_load %arg11[%parallel_loop3A_965, %parallel_loop3A_966, %parallel_loop3A_967] {strides = array<i32>} : memref<3x16x1024xf32, #tpu.memory_space<vmem>>, vector<1x1x16xf32>,
        %parallel_loop3A_969 = vector.shape_cast %parallel_loop3A_968 : vector<1x1x16xf32> to vector<16xf32>
        %parallel_loop3A_970 = vector.shape_cast %parallel_loop3A_958 : vector<16xf32> to vector<1x1x16xf32>
        tpu.vector_store %arg11[%parallel_loop3A_965, %parallel_loop3A_966, %parallel_loop3A_967], %parallel_loop3A_970 {add = true, strides = array<i32>} : memref<3x16x1024xf32, #tpu.memory_space<vmem>>, vector<1x1x16xf32>,
        %parallel_loop3A_971 = arith.index_cast %parallel_loop3A_234 : i32 to index
        %parallel_loop3A_972 = arith.constant 736 : index
        %parallel_loop3A_973 = tpu.vector_load %arg12[%parallel_loop3A_971, %parallel_loop3A_972] {strides = array<i32>} : memref<16x1024xf32, #tpu.memory_space<vmem>>, vector<1x16xf32>,
        %parallel_loop3A_974 = vector.shape_cast %parallel_loop3A_973 : vector<1x16xf32> to vector<16xf32>
        %parallel_loop3A_975 = arith.index_cast %rem3A_136 : i32 to index
        %parallel_loop3A_976 = arith.index_cast %parallel_loop3A_234 : i32 to index
        %parallel_loop3A_977 = arith.constant 736 : index
        %parallel_loop3A_978 = tpu.vector_load %arg10[%parallel_loop3A_975, %parallel_loop3A_976, %parallel_loop3A_977] {strides = array<i32>} : memref<3x16x1024xf32, #tpu.memory_space<vmem>>, vector<1x1x16xf32>,
        %parallel_loop3A_979 = vector.shape_cast %parallel_loop3A_978 : vector<1x1x16xf32> to vector<16xf32>
        %parallel_loop3A_980 = vector.shape_cast %parallel_loop3A_974 : vector<16xf32> to vector<1x1x16xf32>
        tpu.vector_store %arg10[%parallel_loop3A_975, %parallel_loop3A_976, %parallel_loop3A_977], %parallel_loop3A_980 {add = true, strides = array<i32>} : memref<3x16x1024xf32, #tpu.memory_space<vmem>>, vector<1x1x16xf32>,
        %parallel_loop3A_981 = arith.index_cast %rem3A_136 : i32 to index
        %parallel_loop3A_982 = arith.index_cast %parallel_loop3A_234 : i32 to index
        %parallel_loop3A_983 = arith.constant 736 : index
        %parallel_loop3A_984 = tpu.vector_load %arg11[%parallel_loop3A_981, %parallel_loop3A_982, %parallel_loop3A_983] {strides = array<i32>} : memref<3x16x1024xf32, #tpu.memory_space<vmem>>, vector<1x1x16xf32>,
        %parallel_loop3A_985 = vector.shape_cast %parallel_loop3A_984 : vector<1x1x16xf32> to vector<16xf32>
        %parallel_loop3A_986 = vector.shape_cast %parallel_loop3A_974 : vector<16xf32> to vector<1x1x16xf32>
        tpu.vector_store %arg11[%parallel_loop3A_981, %parallel_loop3A_982, %parallel_loop3A_983], %parallel_loop3A_986 {add = true, strides = array<i32>} : memref<3x16x1024xf32, #tpu.memory_space<vmem>>, vector<1x1x16xf32>,
        %parallel_loop3A_987 = arith.index_cast %parallel_loop3A_234 : i32 to index
        %parallel_loop3A_988 = arith.constant 752 : index
        %parallel_loop3A_989 = tpu.vector_load %arg12[%parallel_loop3A_987, %parallel_loop3A_988] {strides = array<i32>} : memref<16x1024xf32, #tpu.memory_space<vmem>>, vector<1x16xf32>,
        %parallel_loop3A_990 = vector.shape_cast %parallel_loop3A_989 : vector<1x16xf32> to vector<16xf32>
        %parallel_loop3A_991 = arith.index_cast %rem3A_136 : i32 to index
        %parallel_loop3A_992 = arith.index_cast %parallel_loop3A_234 : i32 to index
        %parallel_loop3A_993 = arith.constant 752 : index
        %parallel_loop3A_994 = tpu.vector_load %arg10[%parallel_loop3A_991, %parallel_loop3A_992, %parallel_loop3A_993] {strides = array<i32>} : memref<3x16x1024xf32, #tpu.memory_space<vmem>>, vector<1x1x16xf32>,
        %parallel_loop3A_995 = vector.shape_cast %parallel_loop3A_994 : vector<1x1x16xf32> to vector<16xf32>
        %parallel_loop3A_996 = vector.shape_cast %parallel_loop3A_990 : vector<16xf32> to vector<1x1x16xf32>
        tpu.vector_store %arg10[%parallel_loop3A_991, %parallel_loop3A_992, %parallel_loop3A_993], %parallel_loop3A_996 {add = true, strides = array<i32>} : memref<3x16x1024xf32, #tpu.memory_space<vmem>>, vector<1x1x16xf32>,
        %parallel_loop3A_997 = arith.index_cast %rem3A_136 : i32 to index
        %parallel_loop3A_998 = arith.index_cast %parallel_loop3A_234 : i32 to index
        %parallel_loop3A_999 = arith.constant 752 : index
        %parallel_loop3A_1000 = tpu.vector_load %arg11[%parallel_loop3A_997, %parallel_loop3A_998, %parallel_loop3A_999] {strides = array<i32>} : memref<3x16x1024xf32, #tpu.memory_space<vmem>>, vector<1x1x16xf32>,
        %parallel_loop3A_1001 = vector.shape_cast %parallel_loop3A_1000 : vector<1x1x16xf32> to vector<16xf32>
        %parallel_loop3A_1002 = vector.shape_cast %parallel_loop3A_990 : vector<16xf32> to vector<1x1x16xf32>
        tpu.vector_store %arg11[%parallel_loop3A_997, %parallel_loop3A_998, %parallel_loop3A_999], %parallel_loop3A_1002 {add = true, strides = array<i32>} : memref<3x16x1024xf32, #tpu.memory_space<vmem>>, vector<1x1x16xf32>,
        %parallel_loop3A_1003 = arith.index_cast %parallel_loop3A_234 : i32 to index
        %parallel_loop3A_1004 = arith.constant 768 : index
        %parallel_loop3A_1005 = tpu.vector_load %arg12[%parallel_loop3A_1003, %parallel_loop3A_1004] {strides = array<i32>} : memref<16x1024xf32, #tpu.memory_space<vmem>>, vector<1x16xf32>,
        %parallel_loop3A_1006 = vector.shape_cast %parallel_loop3A_1005 : vector<1x16xf32> to vector<16xf32>
        %parallel_loop3A_1007 = arith.index_cast %rem3A_136 : i32 to index
        %parallel_loop3A_1008 = arith.index_cast %parallel_loop3A_234 : i32 to index
        %parallel_loop3A_1009 = arith.constant 768 : index
        %parallel_loop3A_1010 = tpu.vector_load %arg10[%parallel_loop3A_1007, %parallel_loop3A_1008, %parallel_loop3A_1009] {strides = array<i32>} : memref<3x16x1024xf32, #tpu.memory_space<vmem>>, vector<1x1x16xf32>,
        %parallel_loop3A_1011 = vector.shape_cast %parallel_loop3A_1010 : vector<1x1x16xf32> to vector<16xf32>
        %parallel_loop3A_1012 = vector.shape_cast %parallel_loop3A_1006 : vector<16xf32> to vector<1x1x16xf32>
        tpu.vector_store %arg10[%parallel_loop3A_1007, %parallel_loop3A_1008, %parallel_loop3A_1009], %parallel_loop3A_1012 {add = true, strides = array<i32>} : memref<3x16x1024xf32, #tpu.memory_space<vmem>>, vector<1x1x16xf32>,
        %parallel_loop3A_1013 = arith.index_cast %rem3A_136 : i32 to index
        %parallel_loop3A_1014 = arith.index_cast %parallel_loop3A_234 : i32 to index
        %parallel_loop3A_1015 = arith.constant 768 : index
        %parallel_loop3A_1016 = tpu.vector_load %arg11[%parallel_loop3A_1013, %parallel_loop3A_1014, %parallel_loop3A_1015] {strides = array<i32>} : memref<3x16x1024xf32, #tpu.memory_space<vmem>>, vector<1x1x16xf32>,
        %parallel_loop3A_1017 = vector.shape_cast %parallel_loop3A_1016 : vector<1x1x16xf32> to vector<16xf32>
        %parallel_loop3A_1018 = vector.shape_cast %parallel_loop3A_1006 : vector<16xf32> to vector<1x1x16xf32>
        tpu.vector_store %arg11[%parallel_loop3A_1013, %parallel_loop3A_1014, %parallel_loop3A_1015], %parallel_loop3A_1018 {add = true, strides = array<i32>} : memref<3x16x1024xf32, #tpu.memory_space<vmem>>, vector<1x1x16xf32>,
        %parallel_loop3A_1019 = arith.index_cast %parallel_loop3A_234 : i32 to index
        %parallel_loop3A_1020 = arith.constant 784 : index
        %parallel_loop3A_1021 = tpu.vector_load %arg12[%parallel_loop3A_1019, %parallel_loop3A_1020] {strides = array<i32>} : memref<16x1024xf32, #tpu.memory_space<vmem>>, vector<1x16xf32>,
        %parallel_loop3A_1022 = vector.shape_cast %parallel_loop3A_1021 : vector<1x16xf32> to vector<16xf32>
        %parallel_loop3A_1023 = arith.index_cast %rem3A_136 : i32 to index
        %parallel_loop3A_1024 = arith.index_cast %parallel_loop3A_234 : i32 to index
        %parallel_loop3A_1025 = arith.constant 784 : index
        %parallel_loop3A_1026 = tpu.vector_load %arg10[%parallel_loop3A_1023, %parallel_loop3A_1024, %parallel_loop3A_1025] {strides = array<i32>} : memref<3x16x1024xf32, #tpu.memory_space<vmem>>, vector<1x1x16xf32>,
        %parallel_loop3A_1027 = vector.shape_cast %parallel_loop3A_1026 : vector<1x1x16xf32> to vector<16xf32>
        %parallel_loop3A_1028 = vector.shape_cast %parallel_loop3A_1022 : vector<16xf32> to vector<1x1x16xf32>
        tpu.vector_store %arg10[%parallel_loop3A_1023, %parallel_loop3A_1024, %parallel_loop3A_1025], %parallel_loop3A_1028 {add = true, strides = array<i32>} : memref<3x16x1024xf32, #tpu.memory_space<vmem>>, vector<1x1x16xf32>,
        %parallel_loop3A_1029 = arith.index_cast %rem3A_136 : i32 to index
        %parallel_loop3A_1030 = arith.index_cast %parallel_loop3A_234 : i32 to index
        %parallel_loop3A_1031 = arith.constant 784 : index
        %parallel_loop3A_1032 = tpu.vector_load %arg11[%parallel_loop3A_1029, %parallel_loop3A_1030, %parallel_loop3A_1031] {strides = array<i32>} : memref<3x16x1024xf32, #tpu.memory_space<vmem>>, vector<1x1x16xf32>,
        %parallel_loop3A_1033 = vector.shape_cast %parallel_loop3A_1032 : vector<1x1x16xf32> to vector<16xf32>
        %parallel_loop3A_1034 = vector.shape_cast %parallel_loop3A_1022 : vector<16xf32> to vector<1x1x16xf32>
        tpu.vector_store %arg11[%parallel_loop3A_1029, %parallel_loop3A_1030, %parallel_loop3A_1031], %parallel_loop3A_1034 {add = true, strides = array<i32>} : memref<3x16x1024xf32, #tpu.memory_space<vmem>>, vector<1x1x16xf32>,
        %parallel_loop3A_1035 = arith.index_cast %parallel_loop3A_234 : i32 to index
        %parallel_loop3A_1036 = arith.constant 800 : index
        %parallel_loop3A_1037 = tpu.vector_load %arg12[%parallel_loop3A_1035, %parallel_loop3A_1036] {strides = array<i32>} : memref<16x1024xf32, #tpu.memory_space<vmem>>, vector<1x16xf32>,
        %parallel_loop3A_1038 = vector.shape_cast %parallel_loop3A_1037 : vector<1x16xf32> to vector<16xf32>
        %parallel_loop3A_1039 = arith.index_cast %rem3A_136 : i32 to index
        %parallel_loop3A_1040 = arith.index_cast %parallel_loop3A_234 : i32 to index
        %parallel_loop3A_1041 = arith.constant 800 : index
        %parallel_loop3A_1042 = tpu.vector_load %arg10[%parallel_loop3A_1039, %parallel_loop3A_1040, %parallel_loop3A_1041] {strides = array<i32>} : memref<3x16x1024xf32, #tpu.memory_space<vmem>>, vector<1x1x16xf32>,
        %parallel_loop3A_1043 = vector.shape_cast %parallel_loop3A_1042 : vector<1x1x16xf32> to vector<16xf32>
        %parallel_loop3A_1044 = vector.shape_cast %parallel_loop3A_1038 : vector<16xf32> to vector<1x1x16xf32>
        tpu.vector_store %arg10[%parallel_loop3A_1039, %parallel_loop3A_1040, %parallel_loop3A_1041], %parallel_loop3A_1044 {add = true, strides = array<i32>} : memref<3x16x1024xf32, #tpu.memory_space<vmem>>, vector<1x1x16xf32>,
        %parallel_loop3A_1045 = arith.index_cast %rem3A_136 : i32 to index
        %parallel_loop3A_1046 = arith.index_cast %parallel_loop3A_234 : i32 to index
        %parallel_loop3A_1047 = arith.constant 800 : index
        %parallel_loop3A_1048 = tpu.vector_load %arg11[%parallel_loop3A_1045, %parallel_loop3A_1046, %parallel_loop3A_1047] {strides = array<i32>} : memref<3x16x1024xf32, #tpu.memory_space<vmem>>, vector<1x1x16xf32>,
        %parallel_loop3A_1049 = vector.shape_cast %parallel_loop3A_1048 : vector<1x1x16xf32> to vector<16xf32>
        %parallel_loop3A_1050 = vector.shape_cast %parallel_loop3A_1038 : vector<16xf32> to vector<1x1x16xf32>
        tpu.vector_store %arg11[%parallel_loop3A_1045, %parallel_loop3A_1046, %parallel_loop3A_1047], %parallel_loop3A_1050 {add = true, strides = array<i32>} : memref<3x16x1024xf32, #tpu.memory_space<vmem>>, vector<1x1x16xf32>,
        %parallel_loop3A_1051 = arith.index_cast %parallel_loop3A_234 : i32 to index
        %parallel_loop3A_1052 = arith.constant 816 : index
        %parallel_loop3A_1053 = tpu.vector_load %arg12[%parallel_loop3A_1051, %parallel_loop3A_1052] {strides = array<i32>} : memref<16x1024xf32, #tpu.memory_space<vmem>>, vector<1x16xf32>,
        %parallel_loop3A_1054 = vector.shape_cast %parallel_loop3A_1053 : vector<1x16xf32> to vector<16xf32>
        %parallel_loop3A_1055 = arith.index_cast %rem3A_136 : i32 to index
        %parallel_loop3A_1056 = arith.index_cast %parallel_loop3A_234 : i32 to index
        %parallel_loop3A_1057 = arith.constant 816 : index
        %parallel_loop3A_1058 = tpu.vector_load %arg10[%parallel_loop3A_1055, %parallel_loop3A_1056, %parallel_loop3A_1057] {strides = array<i32>} : memref<3x16x1024xf32, #tpu.memory_space<vmem>>, vector<1x1x16xf32>,
        %parallel_loop3A_1059 = vector.shape_cast %parallel_loop3A_1058 : vector<1x1x16xf32> to vector<16xf32>
        %parallel_loop3A_1060 = vector.shape_cast %parallel_loop3A_1054 : vector<16xf32> to vector<1x1x16xf32>
        tpu.vector_store %arg10[%parallel_loop3A_1055, %parallel_loop3A_1056, %parallel_loop3A_1057], %parallel_loop3A_1060 {add = true, strides = array<i32>} : memref<3x16x1024xf32, #tpu.memory_space<vmem>>, vector<1x1x16xf32>,
        %parallel_loop3A_1061 = arith.index_cast %rem3A_136 : i32 to index
        %parallel_loop3A_1062 = arith.index_cast %parallel_loop3A_234 : i32 to index
        %parallel_loop3A_1063 = arith.constant 816 : index
        %parallel_loop3A_1064 = tpu.vector_load %arg11[%parallel_loop3A_1061, %parallel_loop3A_1062, %parallel_loop3A_1063] {strides = array<i32>} : memref<3x16x1024xf32, #tpu.memory_space<vmem>>, vector<1x1x16xf32>,
        %parallel_loop3A_1065 = vector.shape_cast %parallel_loop3A_1064 : vector<1x1x16xf32> to vector<16xf32>
        %parallel_loop3A_1066 = vector.shape_cast %parallel_loop3A_1054 : vector<16xf32> to vector<1x1x16xf32>
        tpu.vector_store %arg11[%parallel_loop3A_1061, %parallel_loop3A_1062, %parallel_loop3A_1063], %parallel_loop3A_1066 {add = true, strides = array<i32>} : memref<3x16x1024xf32, #tpu.memory_space<vmem>>, vector<1x1x16xf32>,
        %parallel_loop3A_1067 = arith.index_cast %parallel_loop3A_234 : i32 to index
        %parallel_loop3A_1068 = arith.constant 832 : index
        %parallel_loop3A_1069 = tpu.vector_load %arg12[%parallel_loop3A_1067, %parallel_loop3A_1068] {strides = array<i32>} : memref<16x1024xf32, #tpu.memory_space<vmem>>, vector<1x16xf32>,
        %parallel_loop3A_1070 = vector.shape_cast %parallel_loop3A_1069 : vector<1x16xf32> to vector<16xf32>
        %parallel_loop3A_1071 = arith.index_cast %rem3A_136 : i32 to index
        %parallel_loop3A_1072 = arith.index_cast %parallel_loop3A_234 : i32 to index
        %parallel_loop3A_1073 = arith.constant 832 : index
        %parallel_loop3A_1074 = tpu.vector_load %arg10[%parallel_loop3A_1071, %parallel_loop3A_1072, %parallel_loop3A_1073] {strides = array<i32>} : memref<3x16x1024xf32, #tpu.memory_space<vmem>>, vector<1x1x16xf32>,
        %parallel_loop3A_1075 = vector.shape_cast %parallel_loop3A_1074 : vector<1x1x16xf32> to vector<16xf32>
        %parallel_loop3A_1076 = vector.shape_cast %parallel_loop3A_1070 : vector<16xf32> to vector<1x1x16xf32>
        tpu.vector_store %arg10[%parallel_loop3A_1071, %parallel_loop3A_1072, %parallel_loop3A_1073], %parallel_loop3A_1076 {add = true, strides = array<i32>} : memref<3x16x1024xf32, #tpu.memory_space<vmem>>, vector<1x1x16xf32>,
        %parallel_loop3A_1077 = arith.index_cast %rem3A_136 : i32 to index
        %parallel_loop3A_1078 = arith.index_cast %parallel_loop3A_234 : i32 to index
        %parallel_loop3A_1079 = arith.constant 832 : index
        %parallel_loop3A_1080 = tpu.vector_load %arg11[%parallel_loop3A_1077, %parallel_loop3A_1078, %parallel_loop3A_1079] {strides = array<i32>} : memref<3x16x1024xf32, #tpu.memory_space<vmem>>, vector<1x1x16xf32>,
        %parallel_loop3A_1081 = vector.shape_cast %parallel_loop3A_1080 : vector<1x1x16xf32> to vector<16xf32>
        %parallel_loop3A_1082 = vector.shape_cast %parallel_loop3A_1070 : vector<16xf32> to vector<1x1x16xf32>
        tpu.vector_store %arg11[%parallel_loop3A_1077, %parallel_loop3A_1078, %parallel_loop3A_1079], %parallel_loop3A_1082 {add = true, strides = array<i32>} : memref<3x16x1024xf32, #tpu.memory_space<vmem>>, vector<1x1x16xf32>,
        %parallel_loop3A_1083 = arith.index_cast %parallel_loop3A_234 : i32 to index
        %parallel_loop3A_1084 = arith.constant 848 : index
        %parallel_loop3A_1085 = tpu.vector_load %arg12[%parallel_loop3A_1083, %parallel_loop3A_1084] {strides = array<i32>} : memref<16x1024xf32, #tpu.memory_space<vmem>>, vector<1x16xf32>,
        %parallel_loop3A_1086 = vector.shape_cast %parallel_loop3A_1085 : vector<1x16xf32> to vector<16xf32>
        %parallel_loop3A_1087 = arith.index_cast %rem3A_136 : i32 to index
        %parallel_loop3A_1088 = arith.index_cast %parallel_loop3A_234 : i32 to index
        %parallel_loop3A_1089 = arith.constant 848 : index
        %parallel_loop3A_1090 = tpu.vector_load %arg10[%parallel_loop3A_1087, %parallel_loop3A_1088, %parallel_loop3A_1089] {strides = array<i32>} : memref<3x16x1024xf32, #tpu.memory_space<vmem>>, vector<1x1x16xf32>,
        %parallel_loop3A_1091 = vector.shape_cast %parallel_loop3A_1090 : vector<1x1x16xf32> to vector<16xf32>
        %parallel_loop3A_1092 = vector.shape_cast %parallel_loop3A_1086 : vector<16xf32> to vector<1x1x16xf32>
        tpu.vector_store %arg10[%parallel_loop3A_1087, %parallel_loop3A_1088, %parallel_loop3A_1089], %parallel_loop3A_1092 {add = true, strides = array<i32>} : memref<3x16x1024xf32, #tpu.memory_space<vmem>>, vector<1x1x16xf32>,
        %parallel_loop3A_1093 = arith.index_cast %rem3A_136 : i32 to index
        %parallel_loop3A_1094 = arith.index_cast %parallel_loop3A_234 : i32 to index
        %parallel_loop3A_1095 = arith.constant 848 : index
        %parallel_loop3A_1096 = tpu.vector_load %arg11[%parallel_loop3A_1093, %parallel_loop3A_1094, %parallel_loop3A_1095] {strides = array<i32>} : memref<3x16x1024xf32, #tpu.memory_space<vmem>>, vector<1x1x16xf32>,
        %parallel_loop3A_1097 = vector.shape_cast %parallel_loop3A_1096 : vector<1x1x16xf32> to vector<16xf32>
        %parallel_loop3A_1098 = vector.shape_cast %parallel_loop3A_1086 : vector<16xf32> to vector<1x1x16xf32>
        tpu.vector_store %arg11[%parallel_loop3A_1093, %parallel_loop3A_1094, %parallel_loop3A_1095], %parallel_loop3A_1098 {add = true, strides = array<i32>} : memref<3x16x1024xf32, #tpu.memory_space<vmem>>, vector<1x1x16xf32>,
        %parallel_loop3A_1099 = arith.index_cast %parallel_loop3A_234 : i32 to index
        %parallel_loop3A_1100 = arith.constant 864 : index
        %parallel_loop3A_1101 = tpu.vector_load %arg12[%parallel_loop3A_1099, %parallel_loop3A_1100] {strides = array<i32>} : memref<16x1024xf32, #tpu.memory_space<vmem>>, vector<1x16xf32>,
        %parallel_loop3A_1102 = vector.shape_cast %parallel_loop3A_1101 : vector<1x16xf32> to vector<16xf32>
        %parallel_loop3A_1103 = arith.index_cast %rem3A_136 : i32 to index
        %parallel_loop3A_1104 = arith.index_cast %parallel_loop3A_234 : i32 to index
        %parallel_loop3A_1105 = arith.constant 864 : index
        %parallel_loop3A_1106 = tpu.vector_load %arg10[%parallel_loop3A_1103, %parallel_loop3A_1104, %parallel_loop3A_1105] {strides = array<i32>} : memref<3x16x1024xf32, #tpu.memory_space<vmem>>, vector<1x1x16xf32>,
        %parallel_loop3A_1107 = vector.shape_cast %parallel_loop3A_1106 : vector<1x1x16xf32> to vector<16xf32>
        %parallel_loop3A_1108 = vector.shape_cast %parallel_loop3A_1102 : vector<16xf32> to vector<1x1x16xf32>
        tpu.vector_store %arg10[%parallel_loop3A_1103, %parallel_loop3A_1104, %parallel_loop3A_1105], %parallel_loop3A_1108 {add = true, strides = array<i32>} : memref<3x16x1024xf32, #tpu.memory_space<vmem>>, vector<1x1x16xf32>,
        %parallel_loop3A_1109 = arith.index_cast %rem3A_136 : i32 to index
        %parallel_loop3A_1110 = arith.index_cast %parallel_loop3A_234 : i32 to index
        %parallel_loop3A_1111 = arith.constant 864 : index
        %parallel_loop3A_1112 = tpu.vector_load %arg11[%parallel_loop3A_1109, %parallel_loop3A_1110, %parallel_loop3A_1111] {strides = array<i32>} : memref<3x16x1024xf32, #tpu.memory_space<vmem>>, vector<1x1x16xf32>,
        %parallel_loop3A_1113 = vector.shape_cast %parallel_loop3A_1112 : vector<1x1x16xf32> to vector<16xf32>
        %parallel_loop3A_1114 = vector.shape_cast %parallel_loop3A_1102 : vector<16xf32> to vector<1x1x16xf32>
        tpu.vector_store %arg11[%parallel_loop3A_1109, %parallel_loop3A_1110, %parallel_loop3A_1111], %parallel_loop3A_1114 {add = true, strides = array<i32>} : memref<3x16x1024xf32, #tpu.memory_space<vmem>>, vector<1x1x16xf32>,
        %parallel_loop3A_1115 = arith.index_cast %parallel_loop3A_234 : i32 to index
        %parallel_loop3A_1116 = arith.constant 880 : index
        %parallel_loop3A_1117 = tpu.vector_load %arg12[%parallel_loop3A_1115, %parallel_loop3A_1116] {strides = array<i32>} : memref<16x1024xf32, #tpu.memory_space<vmem>>, vector<1x16xf32>,
        %parallel_loop3A_1118 = vector.shape_cast %parallel_loop3A_1117 : vector<1x16xf32> to vector<16xf32>
        %parallel_loop3A_1119 = arith.index_cast %rem3A_136 : i32 to index
        %parallel_loop3A_1120 = arith.index_cast %parallel_loop3A_234 : i32 to index
        %parallel_loop3A_1121 = arith.constant 880 : index
        %parallel_loop3A_1122 = tpu.vector_load %arg10[%parallel_loop3A_1119, %parallel_loop3A_1120, %parallel_loop3A_1121] {strides = array<i32>} : memref<3x16x1024xf32, #tpu.memory_space<vmem>>, vector<1x1x16xf32>,
        %parallel_loop3A_1123 = vector.shape_cast %parallel_loop3A_1122 : vector<1x1x16xf32> to vector<16xf32>
        %parallel_loop3A_1124 = vector.shape_cast %parallel_loop3A_1118 : vector<16xf32> to vector<1x1x16xf32>
        tpu.vector_store %arg10[%parallel_loop3A_1119, %parallel_loop3A_1120, %parallel_loop3A_1121], %parallel_loop3A_1124 {add = true, strides = array<i32>} : memref<3x16x1024xf32, #tpu.memory_space<vmem>>, vector<1x1x16xf32>,
        %parallel_loop3A_1125 = arith.index_cast %rem3A_136 : i32 to index
        %parallel_loop3A_1126 = arith.index_cast %parallel_loop3A_234 : i32 to index
        %parallel_loop3A_1127 = arith.constant 880 : index
        %parallel_loop3A_1128 = tpu.vector_load %arg11[%parallel_loop3A_1125, %parallel_loop3A_1126, %parallel_loop3A_1127] {strides = array<i32>} : memref<3x16x1024xf32, #tpu.memory_space<vmem>>, vector<1x1x16xf32>,
        %parallel_loop3A_1129 = vector.shape_cast %parallel_loop3A_1128 : vector<1x1x16xf32> to vector<16xf32>
        %parallel_loop3A_1130 = vector.shape_cast %parallel_loop3A_1118 : vector<16xf32> to vector<1x1x16xf32>
        tpu.vector_store %arg11[%parallel_loop3A_1125, %parallel_loop3A_1126, %parallel_loop3A_1127], %parallel_loop3A_1130 {add = true, strides = array<i32>} : memref<3x16x1024xf32, #tpu.memory_space<vmem>>, vector<1x1x16xf32>,
        %parallel_loop3A_1131 = arith.index_cast %parallel_loop3A_234 : i32 to index
        %parallel_loop3A_1132 = arith.constant 896 : index
        %parallel_loop3A_1133 = tpu.vector_load %arg12[%parallel_loop3A_1131, %parallel_loop3A_1132] {strides = array<i32>} : memref<16x1024xf32, #tpu.memory_space<vmem>>, vector<1x16xf32>,
        %parallel_loop3A_1134 = vector.shape_cast %parallel_loop3A_1133 : vector<1x16xf32> to vector<16xf32>
        %parallel_loop3A_1135 = arith.index_cast %rem3A_136 : i32 to index
        %parallel_loop3A_1136 = arith.index_cast %parallel_loop3A_234 : i32 to index
        %parallel_loop3A_1137 = arith.constant 896 : index
        %parallel_loop3A_1138 = tpu.vector_load %arg10[%parallel_loop3A_1135, %parallel_loop3A_1136, %parallel_loop3A_1137] {strides = array<i32>} : memref<3x16x1024xf32, #tpu.memory_space<vmem>>, vector<1x1x16xf32>,
        %parallel_loop3A_1139 = vector.shape_cast %parallel_loop3A_1138 : vector<1x1x16xf32> to vector<16xf32>
        %parallel_loop3A_1140 = vector.shape_cast %parallel_loop3A_1134 : vector<16xf32> to vector<1x1x16xf32>
        tpu.vector_store %arg10[%parallel_loop3A_1135, %parallel_loop3A_1136, %parallel_loop3A_1137], %parallel_loop3A_1140 {add = true, strides = array<i32>} : memref<3x16x1024xf32, #tpu.memory_space<vmem>>, vector<1x1x16xf32>,
        %parallel_loop3A_1141 = arith.index_cast %rem3A_136 : i32 to index
        %parallel_loop3A_1142 = arith.index_cast %parallel_loop3A_234 : i32 to index
        %parallel_loop3A_1143 = arith.constant 896 : index
        %parallel_loop3A_1144 = tpu.vector_load %arg11[%parallel_loop3A_1141, %parallel_loop3A_1142, %parallel_loop3A_1143] {strides = array<i32>} : memref<3x16x1024xf32, #tpu.memory_space<vmem>>, vector<1x1x16xf32>,
        %parallel_loop3A_1145 = vector.shape_cast %parallel_loop3A_1144 : vector<1x1x16xf32> to vector<16xf32>
        %parallel_loop3A_1146 = vector.shape_cast %parallel_loop3A_1134 : vector<16xf32> to vector<1x1x16xf32>
        tpu.vector_store %arg11[%parallel_loop3A_1141, %parallel_loop3A_1142, %parallel_loop3A_1143], %parallel_loop3A_1146 {add = true, strides = array<i32>} : memref<3x16x1024xf32, #tpu.memory_space<vmem>>, vector<1x1x16xf32>,
        %parallel_loop3A_1147 = arith.index_cast %parallel_loop3A_234 : i32 to index
        %parallel_loop3A_1148 = arith.constant 912 : index
        %parallel_loop3A_1149 = tpu.vector_load %arg12[%parallel_loop3A_1147, %parallel_loop3A_1148] {strides = array<i32>} : memref<16x1024xf32, #tpu.memory_space<vmem>>, vector<1x16xf32>,
        %parallel_loop3A_1150 = vector.shape_cast %parallel_loop3A_1149 : vector<1x16xf32> to vector<16xf32>
        %parallel_loop3A_1151 = arith.index_cast %rem3A_136 : i32 to index
        %parallel_loop3A_1152 = arith.index_cast %parallel_loop3A_234 : i32 to index
        %parallel_loop3A_1153 = arith.constant 912 : index
        %parallel_loop3A_1154 = tpu.vector_load %arg10[%parallel_loop3A_1151, %parallel_loop3A_1152, %parallel_loop3A_1153] {strides = array<i32>} : memref<3x16x1024xf32, #tpu.memory_space<vmem>>, vector<1x1x16xf32>,
        %parallel_loop3A_1155 = vector.shape_cast %parallel_loop3A_1154 : vector<1x1x16xf32> to vector<16xf32>
        %parallel_loop3A_1156 = vector.shape_cast %parallel_loop3A_1150 : vector<16xf32> to vector<1x1x16xf32>
        tpu.vector_store %arg10[%parallel_loop3A_1151, %parallel_loop3A_1152, %parallel_loop3A_1153], %parallel_loop3A_1156 {add = true, strides = array<i32>} : memref<3x16x1024xf32, #tpu.memory_space<vmem>>, vector<1x1x16xf32>,
        %parallel_loop3A_1157 = arith.index_cast %rem3A_136 : i32 to index
        %parallel_loop3A_1158 = arith.index_cast %parallel_loop3A_234 : i32 to index
        %parallel_loop3A_1159 = arith.constant 912 : index
        %parallel_loop3A_1160 = tpu.vector_load %arg11[%parallel_loop3A_1157, %parallel_loop3A_1158, %parallel_loop3A_1159] {strides = array<i32>} : memref<3x16x1024xf32, #tpu.memory_space<vmem>>, vector<1x1x16xf32>,
        %parallel_loop3A_1161 = vector.shape_cast %parallel_loop3A_1160 : vector<1x1x16xf32> to vector<16xf32>
        %parallel_loop3A_1162 = vector.shape_cast %parallel_loop3A_1150 : vector<16xf32> to vector<1x1x16xf32>
        tpu.vector_store %arg11[%parallel_loop3A_1157, %parallel_loop3A_1158, %parallel_loop3A_1159], %parallel_loop3A_1162 {add = true, strides = array<i32>} : memref<3x16x1024xf32, #tpu.memory_space<vmem>>, vector<1x1x16xf32>,
        %parallel_loop3A_1163 = arith.index_cast %parallel_loop3A_234 : i32 to index
        %parallel_loop3A_1164 = arith.constant 928 : index
        %parallel_loop3A_1165 = tpu.vector_load %arg12[%parallel_loop3A_1163, %parallel_loop3A_1164] {strides = array<i32>} : memref<16x1024xf32, #tpu.memory_space<vmem>>, vector<1x16xf32>,
        %parallel_loop3A_1166 = vector.shape_cast %parallel_loop3A_1165 : vector<1x16xf32> to vector<16xf32>
        %parallel_loop3A_1167 = arith.index_cast %rem3A_136 : i32 to index
        %parallel_loop3A_1168 = arith.index_cast %parallel_loop3A_234 : i32 to index
        %parallel_loop3A_1169 = arith.constant 928 : index
        %parallel_loop3A_1170 = tpu.vector_load %arg10[%parallel_loop3A_1167, %parallel_loop3A_1168, %parallel_loop3A_1169] {strides = array<i32>} : memref<3x16x1024xf32, #tpu.memory_space<vmem>>, vector<1x1x16xf32>,
        %parallel_loop3A_1171 = vector.shape_cast %parallel_loop3A_1170 : vector<1x1x16xf32> to vector<16xf32>
        %parallel_loop3A_1172 = vector.shape_cast %parallel_loop3A_1166 : vector<16xf32> to vector<1x1x16xf32>
        tpu.vector_store %arg10[%parallel_loop3A_1167, %parallel_loop3A_1168, %parallel_loop3A_1169], %parallel_loop3A_1172 {add = true, strides = array<i32>} : memref<3x16x1024xf32, #tpu.memory_space<vmem>>, vector<1x1x16xf32>,
        %parallel_loop3A_1173 = arith.index_cast %rem3A_136 : i32 to index
        %parallel_loop3A_1174 = arith.index_cast %parallel_loop3A_234 : i32 to index
        %parallel_loop3A_1175 = arith.constant 928 : index
        %parallel_loop3A_1176 = tpu.vector_load %arg11[%parallel_loop3A_1173, %parallel_loop3A_1174, %parallel_loop3A_1175] {strides = array<i32>} : memref<3x16x1024xf32, #tpu.memory_space<vmem>>, vector<1x1x16xf32>,
        %parallel_loop3A_1177 = vector.shape_cast %parallel_loop3A_1176 : vector<1x1x16xf32> to vector<16xf32>
        %parallel_loop3A_1178 = vector.shape_cast %parallel_loop3A_1166 : vector<16xf32> to vector<1x1x16xf32>
        tpu.vector_store %arg11[%parallel_loop3A_1173, %parallel_loop3A_1174, %parallel_loop3A_1175], %parallel_loop3A_1178 {add = true, strides = array<i32>} : memref<3x16x1024xf32, #tpu.memory_space<vmem>>, vector<1x1x16xf32>,
        %parallel_loop3A_1179 = arith.index_cast %parallel_loop3A_234 : i32 to index
        %parallel_loop3A_1180 = arith.constant 944 : index
        %parallel_loop3A_1181 = tpu.vector_load %arg12[%parallel_loop3A_1179, %parallel_loop3A_1180] {strides = array<i32>} : memref<16x1024xf32, #tpu.memory_space<vmem>>, vector<1x16xf32>,
        %parallel_loop3A_1182 = vector.shape_cast %parallel_loop3A_1181 : vector<1x16xf32> to vector<16xf32>
        %parallel_loop3A_1183 = arith.index_cast %rem3A_136 : i32 to index
        %parallel_loop3A_1184 = arith.index_cast %parallel_loop3A_234 : i32 to index
        %parallel_loop3A_1185 = arith.constant 944 : index
        %parallel_loop3A_1186 = tpu.vector_load %arg10[%parallel_loop3A_1183, %parallel_loop3A_1184, %parallel_loop3A_1185] {strides = array<i32>} : memref<3x16x1024xf32, #tpu.memory_space<vmem>>, vector<1x1x16xf32>,
        %parallel_loop3A_1187 = vector.shape_cast %parallel_loop3A_1186 : vector<1x1x16xf32> to vector<16xf32>
        %parallel_loop3A_1188 = vector.shape_cast %parallel_loop3A_1182 : vector<16xf32> to vector<1x1x16xf32>
        tpu.vector_store %arg10[%parallel_loop3A_1183, %parallel_loop3A_1184, %parallel_loop3A_1185], %parallel_loop3A_1188 {add = true, strides = array<i32>} : memref<3x16x1024xf32, #tpu.memory_space<vmem>>, vector<1x1x16xf32>,
        %parallel_loop3A_1189 = arith.index_cast %rem3A_136 : i32 to index
        %parallel_loop3A_1190 = arith.index_cast %parallel_loop3A_234 : i32 to index
        %parallel_loop3A_1191 = arith.constant 944 : index
        %parallel_loop3A_1192 = tpu.vector_load %arg11[%parallel_loop3A_1189, %parallel_loop3A_1190, %parallel_loop3A_1191] {strides = array<i32>} : memref<3x16x1024xf32, #tpu.memory_space<vmem>>, vector<1x1x16xf32>,
        %parallel_loop3A_1193 = vector.shape_cast %parallel_loop3A_1192 : vector<1x1x16xf32> to vector<16xf32>
        %parallel_loop3A_1194 = vector.shape_cast %parallel_loop3A_1182 : vector<16xf32> to vector<1x1x16xf32>
        tpu.vector_store %arg11[%parallel_loop3A_1189, %parallel_loop3A_1190, %parallel_loop3A_1191], %parallel_loop3A_1194 {add = true, strides = array<i32>} : memref<3x16x1024xf32, #tpu.memory_space<vmem>>, vector<1x1x16xf32>,
        %parallel_loop3A_1195 = arith.index_cast %parallel_loop3A_234 : i32 to index
        %parallel_loop3A_1196 = arith.constant 960 : index
        %parallel_loop3A_1197 = tpu.vector_load %arg12[%parallel_loop3A_1195, %parallel_loop3A_1196] {strides = array<i32>} : memref<16x1024xf32, #tpu.memory_space<vmem>>, vector<1x16xf32>,
        %parallel_loop3A_1198 = vector.shape_cast %parallel_loop3A_1197 : vector<1x16xf32> to vector<16xf32>
        %parallel_loop3A_1199 = arith.index_cast %rem3A_136 : i32 to index
        %parallel_loop3A_1200 = arith.index_cast %parallel_loop3A_234 : i32 to index
        %parallel_loop3A_1201 = arith.constant 960 : index
        %parallel_loop3A_1202 = tpu.vector_load %arg10[%parallel_loop3A_1199, %parallel_loop3A_1200, %parallel_loop3A_1201] {strides = array<i32>} : memref<3x16x1024xf32, #tpu.memory_space<vmem>>, vector<1x1x16xf32>,
        %parallel_loop3A_1203 = vector.shape_cast %parallel_loop3A_1202 : vector<1x1x16xf32> to vector<16xf32>
        %parallel_loop3A_1204 = vector.shape_cast %parallel_loop3A_1198 : vector<16xf32> to vector<1x1x16xf32>
        tpu.vector_store %arg10[%parallel_loop3A_1199, %parallel_loop3A_1200, %parallel_loop3A_1201], %parallel_loop3A_1204 {add = true, strides = array<i32>} : memref<3x16x1024xf32, #tpu.memory_space<vmem>>, vector<1x1x16xf32>,
        %parallel_loop3A_1205 = arith.index_cast %rem3A_136 : i32 to index
        %parallel_loop3A_1206 = arith.index_cast %parallel_loop3A_234 : i32 to index
        %parallel_loop3A_1207 = arith.constant 960 : index
        %parallel_loop3A_1208 = tpu.vector_load %arg11[%parallel_loop3A_1205, %parallel_loop3A_1206, %parallel_loop3A_1207] {strides = array<i32>} : memref<3x16x1024xf32, #tpu.memory_space<vmem>>, vector<1x1x16xf32>,
        %parallel_loop3A_1209 = vector.shape_cast %parallel_loop3A_1208 : vector<1x1x16xf32> to vector<16xf32>
        %parallel_loop3A_1210 = vector.shape_cast %parallel_loop3A_1198 : vector<16xf32> to vector<1x1x16xf32>
        tpu.vector_store %arg11[%parallel_loop3A_1205, %parallel_loop3A_1206, %parallel_loop3A_1207], %parallel_loop3A_1210 {add = true, strides = array<i32>} : memref<3x16x1024xf32, #tpu.memory_space<vmem>>, vector<1x1x16xf32>,
        %parallel_loop3A_1211 = arith.index_cast %parallel_loop3A_234 : i32 to index
        %parallel_loop3A_1212 = arith.constant 976 : index
        %parallel_loop3A_1213 = tpu.vector_load %arg12[%parallel_loop3A_1211, %parallel_loop3A_1212] {strides = array<i32>} : memref<16x1024xf32, #tpu.memory_space<vmem>>, vector<1x16xf32>,
        %parallel_loop3A_1214 = vector.shape_cast %parallel_loop3A_1213 : vector<1x16xf32> to vector<16xf32>
        %parallel_loop3A_1215 = arith.index_cast %rem3A_136 : i32 to index
        %parallel_loop3A_1216 = arith.index_cast %parallel_loop3A_234 : i32 to index
        %parallel_loop3A_1217 = arith.constant 976 : index
        %parallel_loop3A_1218 = tpu.vector_load %arg10[%parallel_loop3A_1215, %parallel_loop3A_1216, %parallel_loop3A_1217] {strides = array<i32>} : memref<3x16x1024xf32, #tpu.memory_space<vmem>>, vector<1x1x16xf32>,
        %parallel_loop3A_1219 = vector.shape_cast %parallel_loop3A_1218 : vector<1x1x16xf32> to vector<16xf32>
        %parallel_loop3A_1220 = vector.shape_cast %parallel_loop3A_1214 : vector<16xf32> to vector<1x1x16xf32>
        tpu.vector_store %arg10[%parallel_loop3A_1215, %parallel_loop3A_1216, %parallel_loop3A_1217], %parallel_loop3A_1220 {add = true, strides = array<i32>} : memref<3x16x1024xf32, #tpu.memory_space<vmem>>, vector<1x1x16xf32>,
        %parallel_loop3A_1221 = arith.index_cast %rem3A_136 : i32 to index
        %parallel_loop3A_1222 = arith.index_cast %parallel_loop3A_234 : i32 to index
        %parallel_loop3A_1223 = arith.constant 976 : index
        %parallel_loop3A_1224 = tpu.vector_load %arg11[%parallel_loop3A_1221, %parallel_loop3A_1222, %parallel_loop3A_1223] {strides = array<i32>} : memref<3x16x1024xf32, #tpu.memory_space<vmem>>, vector<1x1x16xf32>,
        %parallel_loop3A_1225 = vector.shape_cast %parallel_loop3A_1224 : vector<1x1x16xf32> to vector<16xf32>
        %parallel_loop3A_1226 = vector.shape_cast %parallel_loop3A_1214 : vector<16xf32> to vector<1x1x16xf32>
        tpu.vector_store %arg11[%parallel_loop3A_1221, %parallel_loop3A_1222, %parallel_loop3A_1223], %parallel_loop3A_1226 {add = true, strides = array<i32>} : memref<3x16x1024xf32, #tpu.memory_space<vmem>>, vector<1x1x16xf32>,
        %parallel_loop3A_1227 = arith.index_cast %parallel_loop3A_234 : i32 to index
        %parallel_loop3A_1228 = arith.constant 992 : index
        %parallel_loop3A_1229 = tpu.vector_load %arg12[%parallel_loop3A_1227, %parallel_loop3A_1228] {strides = array<i32>} : memref<16x1024xf32, #tpu.memory_space<vmem>>, vector<1x16xf32>,
        %parallel_loop3A_1230 = vector.shape_cast %parallel_loop3A_1229 : vector<1x16xf32> to vector<16xf32>
        %parallel_loop3A_1231 = arith.index_cast %rem3A_136 : i32 to index
        %parallel_loop3A_1232 = arith.index_cast %parallel_loop3A_234 : i32 to index
        %parallel_loop3A_1233 = arith.constant 992 : index
        %parallel_loop3A_1234 = tpu.vector_load %arg10[%parallel_loop3A_1231, %parallel_loop3A_1232, %parallel_loop3A_1233] {strides = array<i32>} : memref<3x16x1024xf32, #tpu.memory_space<vmem>>, vector<1x1x16xf32>,
        %parallel_loop3A_1235 = vector.shape_cast %parallel_loop3A_1234 : vector<1x1x16xf32> to vector<16xf32>
        %parallel_loop3A_1236 = vector.shape_cast %parallel_loop3A_1230 : vector<16xf32> to vector<1x1x16xf32>
        tpu.vector_store %arg10[%parallel_loop3A_1231, %parallel_loop3A_1232, %parallel_loop3A_1233], %parallel_loop3A_1236 {add = true, strides = array<i32>} : memref<3x16x1024xf32, #tpu.memory_space<vmem>>, vector<1x1x16xf32>,
        %parallel_loop3A_1237 = arith.index_cast %rem3A_136 : i32 to index
        %parallel_loop3A_1238 = arith.index_cast %parallel_loop3A_234 : i32 to index
        %parallel_loop3A_1239 = arith.constant 992 : index
        %parallel_loop3A_1240 = tpu.vector_load %arg11[%parallel_loop3A_1237, %parallel_loop3A_1238, %parallel_loop3A_1239] {strides = array<i32>} : memref<3x16x1024xf32, #tpu.memory_space<vmem>>, vector<1x1x16xf32>,
        %parallel_loop3A_1241 = vector.shape_cast %parallel_loop3A_1240 : vector<1x1x16xf32> to vector<16xf32>
        %parallel_loop3A_1242 = vector.shape_cast %parallel_loop3A_1230 : vector<16xf32> to vector<1x1x16xf32>
        tpu.vector_store %arg11[%parallel_loop3A_1237, %parallel_loop3A_1238, %parallel_loop3A_1239], %parallel_loop3A_1242 {add = true, strides = array<i32>} : memref<3x16x1024xf32, #tpu.memory_space<vmem>>, vector<1x1x16xf32>,
        %parallel_loop3A_1243 = arith.index_cast %parallel_loop3A_234 : i32 to index
        %parallel_loop3A_1244 = arith.constant 1008 : index
        %parallel_loop3A_1245 = tpu.vector_load %arg12[%parallel_loop3A_1243, %parallel_loop3A_1244] {strides = array<i32>} : memref<16x1024xf32, #tpu.memory_space<vmem>>, vector<1x16xf32>,
        %parallel_loop3A_1246 = vector.shape_cast %parallel_loop3A_1245 : vector<1x16xf32> to vector<16xf32>
        %parallel_loop3A_1247 = arith.index_cast %rem3A_136 : i32 to index
        %parallel_loop3A_1248 = arith.index_cast %parallel_loop3A_234 : i32 to index
        %parallel_loop3A_1249 = arith.constant 1008 : index
        %parallel_loop3A_1250 = tpu.vector_load %arg10[%parallel_loop3A_1247, %parallel_loop3A_1248, %parallel_loop3A_1249] {strides = array<i32>} : memref<3x16x1024xf32, #tpu.memory_space<vmem>>, vector<1x1x16xf32>,
        %parallel_loop3A_1251 = vector.shape_cast %parallel_loop3A_1250 : vector<1x1x16xf32> to vector<16xf32>
        %parallel_loop3A_1252 = vector.shape_cast %parallel_loop3A_1246 : vector<16xf32> to vector<1x1x16xf32>
        tpu.vector_store %arg10[%parallel_loop3A_1247, %parallel_loop3A_1248, %parallel_loop3A_1249], %parallel_loop3A_1252 {add = true, strides = array<i32>} : memref<3x16x1024xf32, #tpu.memory_space<vmem>>, vector<1x1x16xf32>,
        %parallel_loop3A_1253 = arith.index_cast %rem3A_136 : i32 to index
        %parallel_loop3A_1254 = arith.index_cast %parallel_loop3A_234 : i32 to index
        %parallel_loop3A_1255 = arith.constant 1008 : index
        %parallel_loop3A_1256 = tpu.vector_load %arg11[%parallel_loop3A_1253, %parallel_loop3A_1254, %parallel_loop3A_1255] {strides = array<i32>} : memref<3x16x1024xf32, #tpu.memory_space<vmem>>, vector<1x1x16xf32>,
        %parallel_loop3A_1257 = vector.shape_cast %parallel_loop3A_1256 : vector<1x1x16xf32> to vector<16xf32>
        %parallel_loop3A_1258 = vector.shape_cast %parallel_loop3A_1246 : vector<16xf32> to vector<1x1x16xf32>
        tpu.vector_store %arg11[%parallel_loop3A_1253, %parallel_loop3A_1254, %parallel_loop3A_1255], %parallel_loop3A_1258 {add = true, strides = array<i32>} : memref<3x16x1024xf32, #tpu.memory_space<vmem>>, vector<1x1x16xf32>,
      } {sc.loop_unroll_factor = 2 : i64, sc.parallel_access}
      %dma_start3A_202 = arith.constant 0 : i32
      %dma_start3A_203 = arith.constant 0 : i32
      %dma_start3A_204 = tpu.memref_slice %arg10[%rem3A_136, %dma_start3A_202, %dma_start3A_203] : memref<3x16x1024xf32, #tpu.memory_space<vmem>> -> memref<1x16x1024xf32, #tpu.memory_space<vmem>>
      %dma_start3A_205 = tpu.memref_squeeze %dma_start3A_204 : memref<1x16x1024xf32, #tpu.memory_space<vmem>> -> memref<16x1024xf32, #tpu.memory_space<vmem>>
      %dma_start3A_206 = arith.constant 0 : i32
      %dma_start3A_207 = tpu.memref_slice %arg6[%rem3A_133, %add3A_143, %dma_start3A_206] : memref<4x2048x1024xf32, #tpu.memory_space<hbm>> -> memref<1x16x1024xf32, #tpu.memory_space<hbm>>
      %dma_start3A_208 = tpu.memref_squeeze %dma_start3A_207 : memref<1x16x1024xf32, #tpu.memory_space<hbm>> -> memref<16x1024xf32, #tpu.memory_space<hbm>>
      %dma_start3A_209 = tpu.memref_slice %arg15[%rem3A_136] : memref<3x!tpu.dma_semaphore, #tpu.memory_space<semaphore_mem>> -> memref<1x!tpu.dma_semaphore, #tpu.memory_space<semaphore_mem>>
      %dma_start3A_210 = tpu.memref_squeeze %dma_start3A_209 : memref<1x!tpu.dma_semaphore, #tpu.memory_space<semaphore_mem>> -> memref<!tpu.dma_semaphore, #tpu.memory_space<semaphore_mem>>
      %dma_start3A_211 = arith.constant 0 : i32
      %dma_start3A_212 = tpu.memref_slice %arg6[%rem3A_133, %add3A_143, %dma_start3A_211] : memref<4x2048x1024xf32, #tpu.memory_space<hbm>> -> memref<1x16x1024xf32, #tpu.memory_space<hbm>>
      %dma_start3A_213 = tpu.memref_squeeze %dma_start3A_212 : memref<1x16x1024xf32, #tpu.memory_space<hbm>> -> memref<16x1024xf32, #tpu.memory_space<hbm>>
      %dma_start3A_214 = arith.constant 0 : i32
      %dma_start3A_215 = arith.constant 0 : i32
      %dma_start3A_216 = tpu.memref_slice %arg10[%rem3A_136, %dma_start3A_214, %dma_start3A_215] : memref<3x16x1024xf32, #tpu.memory_space<vmem>> -> memref<1x16x1024xf32, #tpu.memory_space<vmem>>
      %dma_start3A_217 = tpu.memref_squeeze %dma_start3A_216 : memref<1x16x1024xf32, #tpu.memory_space<vmem>> -> memref<16x1024xf32, #tpu.memory_space<vmem>>
      tpu.enqueue_dma source(%dma_start3A_217 : memref<16x1024xf32, #tpu.memory_space<vmem>>) target(%dma_start3A_213 : memref<16x1024xf32, #tpu.memory_space<hbm>>) target_semaphore(%dma_start3A_210 : memref<!tpu.dma_semaphore, #tpu.memory_space<semaphore_mem>>)
      %dma_start3A_218 = arith.constant 0 : i32
      %dma_start3A_219 = arith.constant 0 : i32
      %dma_start3A_220 = tpu.memref_slice %arg11[%rem3A_136, %dma_start3A_218, %dma_start3A_219] : memref<3x16x1024xf32, #tpu.memory_space<vmem>> -> memref<1x16x1024xf32, #tpu.memory_space<vmem>>
      %dma_start3A_221 = tpu.memref_squeeze %dma_start3A_220 : memref<1x16x1024xf32, #tpu.memory_space<vmem>> -> memref<16x1024xf32, #tpu.memory_space<vmem>>
      %dma_start3A_222 = arith.constant 0 : i32
      %dma_start3A_223 = tpu.memref_slice %arg7[%rem3A_133, %add3A_143, %dma_start3A_222] : memref<4x2048x1024xf32, #tpu.memory_space<hbm>> -> memref<1x16x1024xf32, #tpu.memory_space<hbm>>
      %dma_start3A_224 = tpu.memref_squeeze %dma_start3A_223 : memref<1x16x1024xf32, #tpu.memory_space<hbm>> -> memref<16x1024xf32, #tpu.memory_space<hbm>>
      %dma_start3A_225 = tpu.memref_slice %arg16[%rem3A_136] : memref<3x!tpu.dma_semaphore, #tpu.memory_space<semaphore_mem>> -> memref<1x!tpu.dma_semaphore, #tpu.memory_space<semaphore_mem>>
      %dma_start3A_226 = tpu.memref_squeeze %dma_start3A_225 : memref<1x!tpu.dma_semaphore, #tpu.memory_space<semaphore_mem>> -> memref<!tpu.dma_semaphore, #tpu.memory_space<semaphore_mem>>
      %dma_start3A_227 = arith.constant 0 : i32
      %dma_start3A_228 = tpu.memref_slice %arg7[%rem3A_133, %add3A_143, %dma_start3A_227] : memref<4x2048x1024xf32, #tpu.memory_space<hbm>> -> memref<1x16x1024xf32, #tpu.memory_space<hbm>>
      %dma_start3A_229 = tpu.memref_squeeze %dma_start3A_228 : memref<1x16x1024xf32, #tpu.memory_space<hbm>> -> memref<16x1024xf32, #tpu.memory_space<hbm>>
      %dma_start3A_230 = arith.constant 0 : i32
      %dma_start3A_231 = arith.constant 0 : i32
      %dma_start3A_232 = tpu.memref_slice %arg11[%rem3A_136, %dma_start3A_230, %dma_start3A_231] : memref<3x16x1024xf32, #tpu.memory_space<vmem>> -> memref<1x16x1024xf32, #tpu.memory_space<vmem>>
      %dma_start3A_233 = tpu.memref_squeeze %dma_start3A_232 : memref<1x16x1024xf32, #tpu.memory_space<vmem>> -> memref<16x1024xf32, #tpu.memory_space<vmem>>
      tpu.enqueue_dma source(%dma_start3A_233 : memref<16x1024xf32, #tpu.memory_space<vmem>>) target(%dma_start3A_229 : memref<16x1024xf32, #tpu.memory_space<hbm>>) target_semaphore(%dma_start3A_226 : memref<!tpu.dma_semaphore, #tpu.memory_space<semaphore_mem>>)
    }
    %scan3A_48 = arith.constant 16 : i32
    %dma_wait3A = arith.constant 2 : i32
    %dma_wait3A_49 = arith.constant 0 : i32
    %dma_wait3A_50 = arith.constant 2 : i32
    %dma_wait3A_51 = arith.constant 0 : i32
    %dma_wait3A_52 = arith.constant 0 : i32
    %dma_wait3A_53 = tpu.memref_slice %arg10[%dma_wait3A, %dma_wait3A_51, %dma_wait3A_52] : memref<3x16x1024xf32, #tpu.memory_space<vmem>> -> memref<1x16x1024xf32, #tpu.memory_space<vmem>>
    %dma_wait3A_54 = tpu.memref_squeeze %dma_wait3A_53 : memref<1x16x1024xf32, #tpu.memory_space<vmem>> -> memref<16x1024xf32, #tpu.memory_space<vmem>>
    %dma_wait3A_55 = arith.constant 0 : i32
    %dma_wait3A_56 = arith.constant 0 : i32
    %dma_wait3A_57 = tpu.memref_slice %arg6[%dma_wait3A_49, %dma_wait3A_55, %dma_wait3A_56] : memref<4x2048x1024xf32, #tpu.memory_space<hbm>> -> memref<1x16x1024xf32, #tpu.memory_space<hbm>>
    %dma_wait3A_58 = tpu.memref_squeeze %dma_wait3A_57 : memref<1x16x1024xf32, #tpu.memory_space<hbm>> -> memref<16x1024xf32, #tpu.memory_space<hbm>>
    %dma_wait3A_59 = tpu.memref_slice %arg15[%dma_wait3A_50] : memref<3x!tpu.dma_semaphore, #tpu.memory_space<semaphore_mem>> -> memref<1x!tpu.dma_semaphore, #tpu.memory_space<semaphore_mem>>
    %dma_wait3A_60 = tpu.memref_squeeze %dma_wait3A_59 : memref<1x!tpu.dma_semaphore, #tpu.memory_space<semaphore_mem>> -> memref<!tpu.dma_semaphore, #tpu.memory_space<semaphore_mem>>
    %dma_wait3A_61 = arith.constant 0 : i32
    %dma_wait3A_62 = arith.constant 0 : i32
    %dma_wait3A_63 = tpu.memref_slice %arg6[%dma_wait3A_49, %dma_wait3A_61, %dma_wait3A_62] : memref<4x2048x1024xf32, #tpu.memory_space<hbm>> -> memref<1x16x1024xf32, #tpu.memory_space<hbm>>
    %dma_wait3A_64 = tpu.memref_squeeze %dma_wait3A_63 : memref<1x16x1024xf32, #tpu.memory_space<hbm>> -> memref<16x1024xf32, #tpu.memory_space<hbm>>
    %dma_wait3A_65 = arith.constant 0 : i32
    %dma_wait3A_66 = arith.constant 0 : i32
    %dma_wait3A_67 = tpu.memref_slice %arg10[%dma_wait3A, %dma_wait3A_65, %dma_wait3A_66] : memref<3x16x1024xf32, #tpu.memory_space<vmem>> -> memref<1x16x1024xf32, #tpu.memory_space<vmem>>
    %dma_wait3A_68 = tpu.memref_squeeze %dma_wait3A_67 : memref<1x16x1024xf32, #tpu.memory_space<vmem>> -> memref<16x1024xf32, #tpu.memory_space<vmem>>
    tpu.wait_dma2 semaphore(%dma_wait3A_60 : memref<!tpu.dma_semaphore, #tpu.memory_space<semaphore_mem>>) src(%dma_wait3A_68 : memref<16x1024xf32, #tpu.memory_space<vmem>>) dst(%dma_wait3A_64 : memref<16x1024xf32, #tpu.memory_space<hbm>>)
    %dma_wait3A_69 = arith.constant 2 : i32
    %dma_wait3A_70 = arith.constant 0 : i32
    %dma_wait3A_71 = arith.constant 2 : i32
    %dma_wait3A_72 = arith.constant 0 : i32
    %dma_wait3A_73 = arith.constant 0 : i32
    %dma_wait3A_74 = tpu.memref_slice %arg11[%dma_wait3A_69, %dma_wait3A_72, %dma_wait3A_73] : memref<3x16x1024xf32, #tpu.memory_space<vmem>> -> memref<1x16x1024xf32, #tpu.memory_space<vmem>>
    %dma_wait3A_75 = tpu.memref_squeeze %dma_wait3A_74 : memref<1x16x1024xf32, #tpu.memory_space<vmem>> -> memref<16x1024xf32, #tpu.memory_space<vmem>>
    %dma_wait3A_76 = arith.constant 0 : i32
    %dma_wait3A_77 = arith.constant 0 : i32
    %dma_wait3A_78 = tpu.memref_slice %arg7[%dma_wait3A_70, %dma_wait3A_76, %dma_wait3A_77] : memref<4x2048x1024xf32, #tpu.memory_space<hbm>> -> memref<1x16x1024xf32, #tpu.memory_space<hbm>>
    %dma_wait3A_79 = tpu.memref_squeeze %dma_wait3A_78 : memref<1x16x1024xf32, #tpu.memory_space<hbm>> -> memref<16x1024xf32, #tpu.memory_space<hbm>>
    %dma_wait3A_80 = tpu.memref_slice %arg16[%dma_wait3A_71] : memref<3x!tpu.dma_semaphore, #tpu.memory_space<semaphore_mem>> -> memref<1x!tpu.dma_semaphore, #tpu.memory_space<semaphore_mem>>
    %dma_wait3A_81 = tpu.memref_squeeze %dma_wait3A_80 : memref<1x!tpu.dma_semaphore, #tpu.memory_space<semaphore_mem>> -> memref<!tpu.dma_semaphore, #tpu.memory_space<semaphore_mem>>
    %dma_wait3A_82 = arith.constant 0 : i32
    %dma_wait3A_83 = arith.constant 0 : i32
    %dma_wait3A_84 = tpu.memref_slice %arg7[%dma_wait3A_70, %dma_wait3A_82, %dma_wait3A_83] : memref<4x2048x1024xf32, #tpu.memory_space<hbm>> -> memref<1x16x1024xf32, #tpu.memory_space<hbm>>
    %dma_wait3A_85 = tpu.memref_squeeze %dma_wait3A_84 : memref<1x16x1024xf32, #tpu.memory_space<hbm>> -> memref<16x1024xf32, #tpu.memory_space<hbm>>
    %dma_wait3A_86 = arith.constant 0 : i32
    %dma_wait3A_87 = arith.constant 0 : i32
    %dma_wait3A_88 = tpu.memref_slice %arg11[%dma_wait3A_69, %dma_wait3A_86, %dma_wait3A_87] : memref<3x16x1024xf32, #tpu.memory_space<vmem>> -> memref<1x16x1024xf32, #tpu.memory_space<vmem>>
    %dma_wait3A_89 = tpu.memref_squeeze %dma_wait3A_88 : memref<1x16x1024xf32, #tpu.memory_space<vmem>> -> memref<16x1024xf32, #tpu.memory_space<vmem>>
    tpu.wait_dma2 semaphore(%dma_wait3A_81 : memref<!tpu.dma_semaphore, #tpu.memory_space<semaphore_mem>>) src(%dma_wait3A_89 : memref<16x1024xf32, #tpu.memory_space<vmem>>) dst(%dma_wait3A_85 : memref<16x1024xf32, #tpu.memory_space<hbm>>)
    %dma_wait3A_90 = arith.constant 0 : i32
    %dma_wait3A_91 = arith.constant 0 : i32
    %dma_wait3A_92 = arith.constant 0 : i32
    %dma_wait3A_93 = arith.constant 0 : i32
    %dma_wait3A_94 = arith.constant 0 : i32
    %dma_wait3A_95 = tpu.memref_slice %arg10[%dma_wait3A_90, %dma_wait3A_93, %dma_wait3A_94] : memref<3x16x1024xf32, #tpu.memory_space<vmem>> -> memref<1x16x1024xf32, #tpu.memory_space<vmem>>
    %dma_wait3A_96 = tpu.memref_squeeze %dma_wait3A_95 : memref<1x16x1024xf32, #tpu.memory_space<vmem>> -> memref<16x1024xf32, #tpu.memory_space<vmem>>
    %dma_wait3A_97 = arith.constant 0 : i32
    %dma_wait3A_98 = arith.constant 0 : i32
    %dma_wait3A_99 = tpu.memref_slice %arg6[%dma_wait3A_91, %dma_wait3A_97, %dma_wait3A_98] : memref<4x2048x1024xf32, #tpu.memory_space<hbm>> -> memref<1x16x1024xf32, #tpu.memory_space<hbm>>
    %dma_wait3A_100 = tpu.memref_squeeze %dma_wait3A_99 : memref<1x16x1024xf32, #tpu.memory_space<hbm>> -> memref<16x1024xf32, #tpu.memory_space<hbm>>
    %dma_wait3A_101 = tpu.memref_slice %arg15[%dma_wait3A_92] : memref<3x!tpu.dma_semaphore, #tpu.memory_space<semaphore_mem>> -> memref<1x!tpu.dma_semaphore, #tpu.memory_space<semaphore_mem>>
    %dma_wait3A_102 = tpu.memref_squeeze %dma_wait3A_101 : memref<1x!tpu.dma_semaphore, #tpu.memory_space<semaphore_mem>> -> memref<!tpu.dma_semaphore, #tpu.memory_space<semaphore_mem>>
    %dma_wait3A_103 = arith.constant 0 : i32
    %dma_wait3A_104 = arith.constant 0 : i32
    %dma_wait3A_105 = tpu.memref_slice %arg6[%dma_wait3A_91, %dma_wait3A_103, %dma_wait3A_104] : memref<4x2048x1024xf32, #tpu.memory_space<hbm>> -> memref<1x16x1024xf32, #tpu.memory_space<hbm>>
    %dma_wait3A_106 = tpu.memref_squeeze %dma_wait3A_105 : memref<1x16x1024xf32, #tpu.memory_space<hbm>> -> memref<16x1024xf32, #tpu.memory_space<hbm>>
    %dma_wait3A_107 = arith.constant 0 : i32
    %dma_wait3A_108 = arith.constant 0 : i32
    %dma_wait3A_109 = tpu.memref_slice %arg10[%dma_wait3A_90, %dma_wait3A_107, %dma_wait3A_108] : memref<3x16x1024xf32, #tpu.memory_space<vmem>> -> memref<1x16x1024xf32, #tpu.memory_space<vmem>>
    %dma_wait3A_110 = tpu.memref_squeeze %dma_wait3A_109 : memref<1x16x1024xf32, #tpu.memory_space<vmem>> -> memref<16x1024xf32, #tpu.memory_space<vmem>>
    tpu.wait_dma2 semaphore(%dma_wait3A_102 : memref<!tpu.dma_semaphore, #tpu.memory_space<semaphore_mem>>) src(%dma_wait3A_110 : memref<16x1024xf32, #tpu.memory_space<vmem>>) dst(%dma_wait3A_106 : memref<16x1024xf32, #tpu.memory_space<hbm>>)
    %dma_wait3A_111 = arith.constant 0 : i32
    %dma_wait3A_112 = arith.constant 0 : i32
    %dma_wait3A_113 = arith.constant 0 : i32
    %dma_wait3A_114 = arith.constant 0 : i32
    %dma_wait3A_115 = arith.constant 0 : i32
    %dma_wait3A_116 = tpu.memref_slice %arg11[%dma_wait3A_111, %dma_wait3A_114, %dma_wait3A_115] : memref<3x16x1024xf32, #tpu.memory_space<vmem>> -> memref<1x16x1024xf32, #tpu.memory_space<vmem>>
    %dma_wait3A_117 = tpu.memref_squeeze %dma_wait3A_116 : memref<1x16x1024xf32, #tpu.memory_space<vmem>> -> memref<16x1024xf32, #tpu.memory_space<vmem>>
    %dma_wait3A_118 = arith.constant 0 : i32
    %dma_wait3A_119 = arith.constant 0 : i32
    %dma_wait3A_120 = tpu.memref_slice %arg7[%dma_wait3A_112, %dma_wait3A_118, %dma_wait3A_119] : memref<4x2048x1024xf32, #tpu.memory_space<hbm>> -> memref<1x16x1024xf32, #tpu.memory_space<hbm>>
    %dma_wait3A_121 = tpu.memref_squeeze %dma_wait3A_120 : memref<1x16x1024xf32, #tpu.memory_space<hbm>> -> memref<16x1024xf32, #tpu.memory_space<hbm>>
    %dma_wait3A_122 = tpu.memref_slice %arg16[%dma_wait3A_113] : memref<3x!tpu.dma_semaphore, #tpu.memory_space<semaphore_mem>> -> memref<1x!tpu.dma_semaphore, #tpu.memory_space<semaphore_mem>>
    %dma_wait3A_123 = tpu.memref_squeeze %dma_wait3A_122 : memref<1x!tpu.dma_semaphore, #tpu.memory_space<semaphore_mem>> -> memref<!tpu.dma_semaphore, #tpu.memory_space<semaphore_mem>>
    %dma_wait3A_124 = arith.constant 0 : i32
    %dma_wait3A_125 = arith.constant 0 : i32
    %dma_wait3A_126 = tpu.memref_slice %arg7[%dma_wait3A_112, %dma_wait3A_124, %dma_wait3A_125] : memref<4x2048x1024xf32, #tpu.memory_space<hbm>> -> memref<1x16x1024xf32, #tpu.memory_space<hbm>>
    %dma_wait3A_127 = tpu.memref_squeeze %dma_wait3A_126 : memref<1x16x1024xf32, #tpu.memory_space<hbm>> -> memref<16x1024xf32, #tpu.memory_space<hbm>>
    %dma_wait3A_128 = arith.constant 0 : i32
    %dma_wait3A_129 = arith.constant 0 : i32
    %dma_wait3A_130 = tpu.memref_slice %arg11[%dma_wait3A_111, %dma_wait3A_128, %dma_wait3A_129] : memref<3x16x1024xf32, #tpu.memory_space<vmem>> -> memref<1x16x1024xf32, #tpu.memory_space<vmem>>
    %dma_wait3A_131 = tpu.memref_squeeze %dma_wait3A_130 : memref<1x16x1024xf32, #tpu.memory_space<vmem>> -> memref<16x1024xf32, #tpu.memory_space<vmem>>
    tpu.wait_dma2 semaphore(%dma_wait3A_123 : memref<!tpu.dma_semaphore, #tpu.memory_space<semaphore_mem>>) src(%dma_wait3A_131 : memref<16x1024xf32, #tpu.memory_space<vmem>>) dst(%dma_wait3A_127 : memref<16x1024xf32, #tpu.memory_space<hbm>>)
    return
  }
}

</mosaic_0001>

<sc_bundles>
// kernel: kernel.3.cloned.1.call-start
scs
__scs_entry_jumppad:
0x0: {  	(pc) =	sbr.rel $0x88, $3  }
0x1: {  	(tag) =	ssettag $0x0;
	lr =	simm.s32 $0x1  }
0x2: {  	[smem:$0x3F9E] =	sst lr;
	_ =	strace $0xD0000000  }
0x3: {  	_ = 	snop  }
0x4: {  	_ = 	snop  }
0x5: {  	_ = 	snop  }
0x6: {  	_ = 	snop  }
0x7: {  	_ = 	snop  }
__scs_overlays_trampoline_lowered:
0x8: {  	[smem:$0x3FAD] =	sst s0  }
0x9: {  	[smem:$0x3FAE] =	sst s1  }
0xa: {  	[smem:$0x3FAF] =	sst s2  }
0xb: {  	[smem:$0x3FB0] =	sst s3  }
0xc: {  	[smem:$0x3FB1] =	sst s4  }
0xd: {  	[smem:$0x3FB2] =	sst s5  }
0xe: {  	[smem:$0x3FB3] =	sst s6  }
0xf: {  	[smem:$0x3FB4] =	sst s7  }
0x10: {  	[smem:$0x3FB5] =	sst s8  }
0x11: {  	[smem:$0x3FB6] =	sst s9;
	s0 =	simm.s32 @!p0 $0x0  }
0x12: {  	s1 =	sld [smem:$0x3F9C];
	s0 =	simm.s32 @p0 $0x1  }
0x13: {  	[smem:$0x3FB7] =	sst s0;
	s0 =	simm.s32 @!p1 $0x0  }
0x14: {  	s2 =	sld [smem:$0x3F9B];
	s0 =	simm.s32 @p1 $0x1  }
0x15: {  	[smem:$0x3FB8] =	sst s0;
	s0 =	simm.s32 @!p2 $0x0  }
0x16: {  	s3 =	sld [smem:$0x3FDB];
	s0 =	simm.s32 @p2 $0x1  }
0x17: {  	s4 =	simm.s32 $0x1BF5;
	[smem:$0x3FBA] =	sst s0  }
0x18: {  	s0 =	sld [smem:$0x3F9D];
	_ =	swait.ge [sflag:s4], $0x0  }
0x19: {  	s7 =	sld [smem:$0x3F9E]  }
0x1a: {  	s8 =	sadd.s32 $0xFFFFE003, lr  }
0x1b: {  	s9 =	sadd.s32 $0xFFFFFEF7, lr;
	s5 =	simm.s32 $0xFFFFFFFF;
	p2 =	slt.u32 s8, $0xFFFFF086  }
0x1c: {  	p1 =	slt.u32 s9, $0xF7A;
	s5 =	simm.s32 @!p2 $0x0  }
0x1d: {  	s5 =	simm.s32 @p1 $0x1;
	p0 =	seq.s32 s7, s2  }
0x1e: {  	s7 =	smul.u32 @!p0 $0xF7A, s2;
	p2 =	seq.s32 @!p0 s5, $0x0  }
0x1f: {  	s9 =	smul.u32 $0xF7A, s1;
	s8 =	simm.s32 @!p0 $0x1BF5;
	p2 =	por !p2, p0  }
0x20: {  	[sflag:s8] =	ssyncset.s32 @!p0 $0xFFFFF086;
	s6 =	sadd.s32 @!p0 s3, s7;
	s7 =	simm.s32 @!p0 $0x108  }
0x21: {  	s3 =	sadd.s32 s3, s9;
	s6 =	sadd.s32 @!p0 $0x88, s6;
	s7 =	simm.s32 @p2 $0x1082  }
0x22: {  	[simem:s7], [sflag:s8] =	dma.local @!p0 [hbm:s6], $0xF7A  }
0x23: {  	s9 =	sor.u32 $0xD0000000, s2;
	s6 =	simm.s32 $0x108;
	_ =	swait.ge @!p0 [sflag:s8], $0x0  }
0x24: {  	s3 =	sadd.s32 $0x88, s3;
	s6 =	simm.s32 @!p1 $0x1082;
	[sflag:s4] =	ssyncset.s32 $0xFFFFF086  }
0x25: {  	[simem:s6], [sflag:s4] =	dma.local [hbm:s3], $0xF7A  }
0x26: {  	[smem:$0x3F9E] =	sst s1;
	(tag) =	ssettag s2;
	_ =	strace s9  }
0x27: {  	s1 =	sld [smem:$0x3FAE]  }
0x28: {  	s2 =	sld [smem:$0x3FAF]  }
0x29: {  	s4 =	sld [smem:$0x3FB1]  }
0x2a: {  	p0 =	seq.s32 s5, $0x0;
	s5 =	sld [smem:$0x3FB2]  }
0x2b: {  	s6 =	sld [smem:$0x3FB3]  }
0x2c: {  	s7 =	sld [smem:$0x3FB4]  }
0x2d: {  	s3 =	simm.s32 $0x108;
	s8 =	sld [smem:$0x3FB5]  }
0x2e: {  	s3 =	simm.s32 @!p0 $0x1082;
	s9 =	sld [smem:$0x3FB6]  }
0x2f: {  	lr =	sadd.s32 s0, s3;
	s0 =	sld [smem:$0x3FAD]  }
0x30: {  	s3 =	sld [smem:$0x3FB0]  }
0x31: {  	[smem:$0x3FB9] =	sst s10  }
0x32: {  	s10 =	sld [smem:$0x3FB7];
	_ =	sdelay $0x3  }
0x33: {  	p0 =	seq.s32 s10, $0x1;
	s10 =	sld [smem:$0x3FB9];
	_ =	sdelay $0x3  }
0x34: {  	[smem:$0x3FB9] =	sst s10  }
0x35: {  	s10 =	sld [smem:$0x3FB8];
	_ =	sdelay $0x3  }
0x36: {  	p1 =	seq.s32 s10, $0x1;
	s10 =	sld [smem:$0x3FB9];
	_ =	sdelay $0x3  }
0x37: {  	[smem:$0x3FB9] =	sst s10  }
0x38: {  	s10 =	sld [smem:$0x3FBA]  }
0x39: {  	_ = 	snop;
	(pc) =	sbr.ind lr, $3  }
0x3a: {  	_ = 	snop  }
0x3b: {  	_ = 	snop  }
0x3c: {  	p2 =	seq.s32 s10, $0x1;
	s10 =	sld [smem:$0x3FB9]  }
0x3d: {  	_ =	shalt  }
0x3e: {  	_ =	shalt  }
0x3f: {  	_ =	shalt  }
0x40: {  	_ =	shalt  }
0x41: {  	_ =	shalt  }
0x42: {  	_ =	shalt  }
0x43: {  	_ =	shalt  }
0x44: {  	_ =	shalt  }
0x45: {  	_ =	shalt  }
0x46: {  	_ =	shalt  }
0x47: {  	_ =	shalt  }
0x48: {  	_ =	shalt  }
0x49: {  	_ =	shalt  }
0x4a: {  	_ =	shalt  }
0x4b: {  	_ =	shalt  }
0x4c: {  	_ =	shalt  }
0x4d: {  	_ =	shalt  }
0x4e: {  	_ =	shalt  }
0x4f: {  	_ =	shalt  }
0x50: {  	_ =	shalt  }
0x51: {  	_ =	shalt  }
0x52: {  	_ =	shalt  }
0x53: {  	_ =	shalt  }
0x54: {  	_ =	shalt  }
0x55: {  	_ =	shalt  }
0x56: {  	_ =	shalt  }
0x57: {  	_ =	shalt  }
0x58: {  	_ =	shalt  }
0x59: {  	_ =	shalt  }
0x5a: {  	_ =	shalt  }
0x5b: {  	_ =	shalt  }
0x5c: {  	_ =	shalt  }
0x5d: {  	_ =	shalt  }
0x5e: {  	_ =	shalt  }
0x5f: {  	_ =	shalt  }
0x60: {  	_ =	shalt  }
0x61: {  	_ =	shalt  }
0x62: {  	_ =	shalt  }
0x63: {  	_ =	shalt  }
0x64: {  	_ =	shalt  }
0x65: {  	_ =	shalt  }
0x66: {  	_ =	shalt  }
0x67: {  	_ =	shalt  }
0x68: {  	_ =	shalt  }
0x69: {  	_ =	shalt  }
0x6a: {  	_ =	shalt  }
0x6b: {  	_ =	shalt  }
0x6c: {  	_ =	shalt  }
0x6d: {  	_ =	shalt  }
0x6e: {  	_ =	shalt  }
0x6f: {  	_ =	shalt  }
0x70: {  	_ =	shalt  }
0x71: {  	_ =	shalt  }
0x72: {  	_ =	shalt  }
0x73: {  	_ =	shalt  }
0x74: {  	_ =	shalt  }
0x75: {  	_ =	shalt  }
0x76: {  	_ =	shalt  }
0x77: {  	_ =	shalt  }
0x78: {  	_ =	shalt  }
0x79: {  	_ =	shalt  }
0x7a: {  	_ =	shalt  }
0x7b: {  	_ =	shalt  }
0x7c: {  	_ =	shalt  }
0x7d: {  	_ =	shalt  }
0x7e: {  	_ =	shalt  }
0x7f: {  	_ =	shalt  }
0x80: {  	_ =	shalt  }
0x81: {  	_ =	shalt  }
0x82: {  	_ =	shalt  }
0x83: {  	_ =	shalt  }
0x84: {  	_ =	shalt  }
0x85: {  	_ =	shalt  }
0x86: {  	_ =	shalt  }
0x87: {  	_ =	shalt  }
.Lfunc_end0:
.L_simem_size_0:
called_computation_lowered:
.L_overlay_start_0:
0x88: {  	s2 =	sld [smem:$0x3FD9]  }
0x89: {  	s3 =	sld [smem:$0x3FFE];
	_ =	sdelay $0x1  }
0x8a: {  	s1 =	srdreg.scid  }
0x8b: {  	s0 =	sand.u32 $0x1, s1  }
0x8c: {  	s14 =	sshll.u32 s0, $0xA;
	s2 =	sadd.s32 s3, s2  }
0x8d: {  	s2 =	sadd.s32 s2, s14  }
0x8e: {  	[smem:$0x3FC5] =	sst s2  }
0x8f: {  	_ = 	snop  }
0x90: {  	s2 =	sld [smem:$0x3FD0];
	_ =	sdelay $0x2  }
0x91: {  	s4 =	simm.s32 $0xA;
	s5 =	simm.s32 $0x10;
	s15 =	sld [smem:$0x3FC7]  }
0x92: {  	[smem:s5], [sflag:s4] =	dma.local [hbm:s2], $0x1  }
0x93: {  	_ =	swait.eq [sflag:s4], $0x1  }
0x94: {  	[sflag:s4] =	ssyncset.done $0x0  }
0x95: {  	s16 =	sld [smem:$0x10];
	[sflag:s4] =	ssyncadd.s32 $0xFFFFFFFF  }
0x96: {  	s17 =	sld [smem:$0x11];
	(tm) =	ssettm $0x1  }
0x97: {  	s18 =	sld [smem:$0x3FFB];
	_ =	sdelay $0x3  }
0x98: {  	_ =	strace s18  }
0x99: {  	s5 =	sld [smem:$0x3FFC];
	_ =	sdelay $0x3  }
0x9a: {  	_ =	strace s5  }
0x9b: {  	s5 =	sld [smem:$0x3FFD];
	_ =	sdelay $0x3  }
0x9c: {  	_ =	strace s5  }
0x9d: {  	_ =	strace $0x8FFFFFFF  }
0x9e: {  	s19 =	sld [smem:$0x3FDB];
	_ =	sdelay $0x1  }
0x9f: {  	s6 =	simm.s32 $_scs_section_size  }
0xa0: {  	s7 =	simm.s32 $_size__tile_overlayer_lowered;
	s8 =	simm.s32 $_tile_overlayer_lowered  }
0xa1: {  	s22 =	simm.s32 $0x1BFF;
	s21 =	sshll.u32 s8, $0x1;
	s5 =	sadd.s32 s6, s19  }
0xa2: {  	s9 =	simm.s32 $0x0;
	s20 =	sshll.u32 s7, $0x1;
	s7 =	sadd.s32 s21, s5  }
0xa3: {  	[timem:s9], [sflag:s22] =	dma.local [hbm:s7], s20  }
0xa4: {  	_ =	swait.ge [sflag:s22], s20  }
0xa5: {  	s6 =	ssub.s32 $0x0, s20;
	[sflag:s22] =	ssyncset.done $0x0  }
0xa6: {  	[sflag:s22] =	ssyncadd.s32 s6;
	_ =	sdelay $0x1  }
0xa7: {  	s23 =	simm.s32 $0x1B8B  }
0xa8: {  	_ =	swait.ge [sflag:s23], $0x1  }
0xa9: {  	[sflag:s23] =	ssyncset.done $0x0  }
0xaa: {  	s25 =	simm.s32 $0x1B8E;
	s24 =	sld [smem:$0x3FFE];
	[sflag:s23] =	ssyncadd.s32 $0xFFFFFFFF  }
0xab: {  	s26 =	simm.s32 $execute0_lowered;
	[smem:$0x3FD2] =	sst s25  }
0xac: {  	s7 =	sshll.u32 s26, $0x1;
	_ =	strace $0x80000046;
	[dreg:$0x1] =	wrdreg $0xFFFFFFFF  }
0xad: {  	s28 =	simm.s32 $_size_execute0_lowered;
	s5 =	sadd.s32 s5, s7;
	[dreg:$0x0] =	wrdreg $0x0  }
0xae: {  	s7 =	sshll.u32 s28, $0x1;
	[dreg:$0x2] =	wrdreg s5  }
0xaf: {  	[dreg:$0x3] =	wrdreg s7  }
0xb0: {  	[dreg:$0x4] =	wrdreg $0xC0  }
0xb1: {  	_ =	task [dreg:s9], $0x5FFFF  }
0xb2: {  	[dreg:$0x1] =	wrdreg $0xFFFFFFFF  }
0xb3: {  	[dreg:$0x0] =	wrdreg $0x60  }
0xb4: {  	[dreg:$0x2] =	wrdreg s24  }
0xb5: {  	[dreg:$0x3] =	wrdreg s15  }
0xb6: {  	[dreg:$0x4] =	wrdreg s16  }
0xb7: {  	[dreg:$0x5] =	wrdreg s17  }
0xb8: {  	[dreg:$0x6] =	wrdreg $0x9  }
0xb9: {  	_ =	task.clear_ibuf [dreg:s9], $0x7FFFF;
	_ =	strace $0x90000046  }
0xba: {  	s29 =	simm.s32 $0x9;
	_ =	strace $0x80000048  }
0xbb: {  	_ =	swait.ge [sflag:s29], $0x1  }
0xbc: {  	[sflag:s29] =	ssyncadd.s32 $0xFFFFFFFF  }
0xbd: {  	_ =	strace $0x90000048  }
0xbe: {  	_ =	sfence  }
0xbf: {  	s30 =	sld [smem:$0x0];
	_ =	sdelay $0x2  }
0xc0: {  	s31 =	sshll.u32 s1, $0xD;
	s1 =	sshrl.u32 s1, $0x2  }
0xc1: {  	s3 =	sand.u32 $0x4000, s31;
	s1 =	sadd.s32 s1, s30  }
0xc2: {  	s0 =	sor.u32 s3, s0;
	s1 =	sshll.u32 s1, $0x11  }
0xc3: {  	s0 =	sor.u32 s1, s0  }
0xc4: {  	s0 =	sadd.s32 $0x8F2B, s0  }
0xc5: {  	[sflag:s0] =	ssyncadd.remote.s32 $0x1  }
0xc6: {  	_ =	sfence.sel $0xFFFF  }
0xc7: {  	[dreg:$0x0] =	wrdreg $0xFFFFFFFF;
	(pc) =	sbr.abs _section_cstart, $3  }
0xc8: {  	[dreg:$0x1] =	wrdreg $0xFFFFFFFF  }
0xc9: {  	_ =	task.clear_ibuf [dreg:s9], $0x2FFFF;
	_ =	strace $0x9FFFFFFF  }
0xca: {  	(tm) =	ssettm $0x7FFFFFFF  }
0xcb: {  	_ =	shalt  }
tec
execute0_lowered:
.L_overlay_start_1:
0x0: {  	(tag) =	ssettag $0x1  }
0x1: {  	s0 =	rddreg [dreg:$0x0]  }
0x2: {  	s5 =	rddreg [dreg:$0x1];
	s8 =	simm.s32 $0x0;
	s1 =	srdreg.scid  }
0x3: {  	s3 =	stileid.u32;
	[smem:$0x7FF] =	sst s8  }
0x4: {  	s1 =	sand.u32 $0x1, s1;
	s2 =	sadd.s32 $0x600, s0;
	s3 =	sshll.u32 s3, $0x7  }
0x5: {  	s6 =	sadd.s32 $0xA00, s0;
	s0 =	sadd.s32 $0xE00, s0;
	s9 =	sadd.s32 $0x100, s5  }
0x6: {  	_ =	strace $0x80000047;
	s4 =	sshll.u32 s1, $0x6;
	[dreg:$0x6] =	wrdreg s0  }
0x7: {  	s10 =	sadd.s32 $0x200, s5;
	[dreg:$0xf] =	wrdreg s9;
	s3 =	sor.u32 s4, s3  }
0x8: {  	s1 =	ssub.s32 $0x2, s1;
	[dreg:$0x5] =	wrdreg s3;
	s3 =	sshrl.u32 s3, $0x3  }
0x9: {  	[dreg:$0x10] =	wrdreg s10;
	s22 =	sshrl.u32 s1, $0x1;
	s23 =	sadd.s32 s2, s3  }
0xa: {  	s0 =	ssub.s32 s1, s22;
	s25 =	sadd.s32 s6, s3;
	[dreg:$0x7] =	wrdreg s23  }
0xb: {  	s24 =	sor.u32 $0x100, s3;
	s0 =	smax.u32 s0, $0x1;
	[dreg:$0x8] =	wrdreg s25  }
0xc: {  	s26 =	sadd.s32 s2, s24;
	[dreg:$0x12] =	wrdreg s0  }
0xd: {  	s28 =	sor.u32 $0x200, s3;
	s1 =	sadd.s32 s6, s24;
	[dreg:$0x9] =	wrdreg s26  }
0xe: {  	s29 =	sadd.s32 s2, s28;
	[dreg:$0xa] =	wrdreg s1  }
0xf: {  	s30 =	sor.u32 $0x300, s3;
	s31 =	sadd.s32 s6, s28;
	[dreg:$0xb] =	wrdreg s29  }
0x10: {  	s2 =	sadd.s32 s2, s30;
	[dreg:$0xc] =	wrdreg s31  }
0x11: {  	v2 =	vlaneseq.u32;
	[dreg:$0xd] =	wrdreg s2;
	s1 =	sadd.s32 s6, s30  }
0x12: {  	vm0 =	vmmov $0xffff;
	v1 =	vshrl.u32 v2, $0x3;
	[dreg:$0xe] =	wrdreg s1;
	s1 =	sadd.s32 $0x300, s5  }
0x13: {  	v0 =	vand.u32 $0x7, v2;
	v2 =	vor.u32 $0x8, v2;
	v1 =	vmul.u32 $0x8, v1;
	s2 =	simm.s32 $0x0;
	[dreg:$0x11] =	wrdreg s1  }
.LBB2_1:
0x14: {  	[dreg:$0x13] =	wrdreg s2  }
0x15: {  	s0 =	rddreg [dreg:$0x7];
	s25 =	simm.s32 $0xD  }
0x16: {  	[tilespmem:s8], [sflag:$0xD] =	stream.linear.gather [hbm4b:s0+s8], $0x40, $0x38;
	[tilespmem:$0x1C200] =	vst v63  }
0x17: {  	_ =	swait.ge [sflag:s25], $0x40  }
0x18: {  	[sflag:s25] =	ssyncset.done $0x0  }
0x19: {  	s3 =	simm.s32 $0x100;
	s26 =	rddreg [dreg:$0x8];
	[sflag:s25] =	ssyncadd.s32 $0xFFFFFFC0  }
0x1a: {  	[tilespmem:s3], [sflag:$0xD] =	stream.linear.gather [hbm4b:s26+s8], $0x40, $0x38;
	[tilespmem:$0x1C200] =	vst v63  }
0x1b: {  	_ =	swait.ge [sflag:s25], $0x40  }
0x1c: {  	[sflag:s25] =	ssyncset.done $0x0  }
0x1d: {  	s29 =	simm.s32 $0x40;
	s28 =	rddreg [dreg:$0x9];
	[sflag:s25] =	ssyncadd.s32 $0xFFFFFFC0  }
0x1e: {  	[tilespmem:s29], [sflag:$0xD] =	stream.linear.gather [hbm4b:s28+s8], $0x40, $0x38;
	[tilespmem:$0x1C200] =	vst v63  }
0x1f: {  	_ =	swait.ge [sflag:s25], $0x40  }
0x20: {  	[sflag:s25] =	ssyncset.done $0x0  }
0x21: {  	s31 =	simm.s32 $0x140;
	s30 =	rddreg [dreg:$0xa];
	[sflag:s25] =	ssyncadd.s32 $0xFFFFFFC0  }
0x22: {  	[tilespmem:s31], [sflag:$0xD] =	stream.linear.gather [hbm4b:s30+s8], $0x40, $0x38;
	[tilespmem:$0x1C200] =	vst v63  }
0x23: {  	_ =	swait.ge [sflag:s25], $0x40  }
0x24: {  	[sflag:s25] =	ssyncset.done $0x0  }
0x25: {  	s4 =	simm.s32 $0x80;
	s3 =	rddreg [dreg:$0xb];
	[sflag:s25] =	ssyncadd.s32 $0xFFFFFFC0  }
0x26: {  	[tilespmem:s4], [sflag:$0xD] =	stream.linear.gather [hbm4b:s3+s8], $0x40, $0x38;
	[tilespmem:$0x1C200] =	vst v63  }
0x27: {  	_ =	swait.ge [sflag:s25], $0x40  }
0x28: {  	[sflag:s25] =	ssyncset.done $0x0  }
0x29: {  	s7 =	simm.s32 $0x180;
	s6 =	rddreg [dreg:$0xc];
	[sflag:s25] =	ssyncadd.s32 $0xFFFFFFC0  }
0x2a: {  	[tilespmem:s7], [sflag:$0xD] =	stream.linear.gather [hbm4b:s6+s8], $0x40, $0x38;
	[tilespmem:$0x1C200] =	vst v63  }
0x2b: {  	_ =	swait.ge [sflag:s25], $0x40  }
0x2c: {  	[sflag:s25] =	ssyncset.done $0x0  }
0x2d: {  	s12 =	simm.s32 $0xC0;
	s11 =	rddreg [dreg:$0xd];
	[sflag:s25] =	ssyncadd.s32 $0xFFFFFFC0  }
0x2e: {  	[tilespmem:s12], [sflag:$0xD] =	stream.linear.gather [hbm4b:s11+s8], $0x40, $0x38;
	[tilespmem:$0x1C200] =	vst v63  }
0x2f: {  	_ =	swait.ge [sflag:s25], $0x40  }
0x30: {  	[sflag:s25] =	ssyncset.done $0x0  }
0x31: {  	s14 =	simm.s32 $0x1C0;
	s13 =	rddreg [dreg:$0xe];
	[sflag:s25] =	ssyncadd.s32 $0xFFFFFFC0  }
0x32: {  	[tilespmem:s14], [sflag:$0xD] =	stream.linear.gather [hbm4b:s13+s8], $0x40, $0x38;
	[tilespmem:$0x1C200] =	vst v63  }
0x33: {  	_ =	swait.ge [sflag:s25], $0x40  }
0x34: {  	[sflag:s25] =	ssyncset.done $0x0  }
0x35: {  	[sflag:s25] =	ssyncadd.s32 $0xFFFFFFC0  }
0x36: {  	v3 =	vld [tilespmem:$0x0];
	_ =	sdelay $0x4  }
0x37: {  	v4 =	vshll.u32 v3, $0x3  }
0x38: {  	v3 =	vand.u32 $0x7, v3;
	v4 =	vand.u32 $0xFFFFFFC0, v4  }
0x39: {  	v3 =	vor.u32 v3, v4  }
0x3a: {  	v4 =	vperm.xlane v3, v0;
	_ =	sdelay $0x1  }
0x3b: {  	v4 =	vadd.s32 v1, v4;
	_ =	sdelay $0x3  }
0x3c: {  	s15 =	simm.s32 $0x200  }
0x3d: {  	[tilespmem:s15], [sflag:$0x1] =	stream.indirect_vreg.gather [hbm4b:s5+s8], $0x80, v4, vm0, $0xb8;
	[tilespmem:$0x1C200] =	vst v63  }
0x3e: {  	s16 =	simm.s32 $0xA00;
	v3 =	vperm.xlane v3, v2  }
0x3f: {  	[tilespmem:s16], [sflag:$0x1] =	stream.indirect_vreg.gather [hbm4b:s9+s8], $0x80, v4, vm0, $0xb8;
	[tilespmem:$0x1C200] =	vst v63  }
0x40: {  	s17 =	simm.s32 $0x1200;
	v3 =	vadd.s32 v1, v3  }
0x41: {  	[tilespmem:s17], [sflag:$0x1] =	stream.indirect_vreg.gather [hbm4b:s10+s8], $0x80, v4, vm0, $0xb8;
	[tilespmem:$0x1C200] =	vst v63  }
0x42: {  	s18 =	simm.s32 $0x1A00  }
0x43: {  	[tilespmem:s18], [sflag:$0x1] =	stream.indirect_vreg.gather [hbm4b:s1+s8], $0x80, v4, vm0, $0xb8;
	[tilespmem:$0x1C200] =	vst v63  }
0x44: {  	s19 =	simm.s32 $0x2200  }
0x45: {  	[tilespmem:s19], [sflag:$0x1] =	stream.indirect_vreg.gather [hbm4b:s5+s8], $0x80, v3, vm0, $0xb8;
	[tilespmem:$0x1C200] =	vst v63  }
0x46: {  	s20 =	simm.s32 $0x2A00  }
0x47: {  	[tilespmem:s20], [sflag:$0x1] =	stream.indirect_vreg.gather [hbm4b:s9+s8], $0x80, v3, vm0, $0xb8;
	[tilespmem:$0x1C200] =	vst v63  }
0x48: {  	s21 =	simm.s32 $0x3200  }
0x49: {  	[tilespmem:s21], [sflag:$0x1] =	stream.indirect_vreg.gather [hbm4b:s10+s8], $0x80, v3, vm0, $0xb8;
	[tilespmem:$0x1C200] =	vst v63  }
0x4a: {  	s22 =	simm.s32 $0x3A00  }
0x4b: {  	[tilespmem:s22], [sflag:$0x1] =	stream.indirect_vreg.gather [hbm4b:s1+s8], $0x80, v3, vm0, $0xb8;
	[tilespmem:$0x1C200] =	vst v63  }
0x4c: {  	v3 =	vld [tilespmem:$0x100];
	_ =	sdelay $0x4  }
0x4d: {  	v63 =	vshll.u32 v3, $0x3  }
0x4e: {  	v3 =	vand.u32 $0x7, v3;
	v4 =	vand.u32 $0xFFFFFFC0, v63  }
0x4f: {  	v3 =	vor.u32 v3, v4  }
0x50: {  	v4 =	vperm.xlane v3, v0;
	_ =	sdelay $0x1  }
0x51: {  	v4 =	vadd.s32 v1, v4;
	_ =	sdelay $0x3  }
0x52: {  	s23 =	simm.s32 $0xC200  }
0x53: {  	[tilespmem:s23], [sflag:$0x4] =	stream.indirect_vreg.gather [hbm4b:s5+s8], $0x80, v4, vm0, $0xb8;
	[tilespmem:$0x1C200] =	vst v63  }
0x54: {  	s24 =	simm.s32 $0xCA00;
	v3 =	vperm.xlane v3, v2  }
0x55: {  	[tilespmem:s24], [sflag:$0x4] =	stream.indirect_vreg.gather [hbm4b:s9+s8], $0x80, v4, vm0, $0xb8;
	[tilespmem:$0x1C200] =	vst v63  }
0x56: {  	s25 =	simm.s32 $0xD200;
	v3 =	vadd.s32 v1, v3  }
0x57: {  	[tilespmem:s25], [sflag:$0x4] =	stream.indirect_vreg.gather [hbm4b:s10+s8], $0x80, v4, vm0, $0xb8;
	[tilespmem:$0x1C200] =	vst v63  }
0x58: {  	s26 =	simm.s32 $0xDA00  }
0x59: {  	[tilespmem:s26], [sflag:$0x4] =	stream.indirect_vreg.gather [hbm4b:s1+s8], $0x80, v4, vm0, $0xb8;
	[tilespmem:$0x1C200] =	vst v63  }
0x5a: {  	s28 =	simm.s32 $0xE200  }
0x5b: {  	[tilespmem:s28], [sflag:$0x4] =	stream.indirect_vreg.gather [hbm4b:s5+s8], $0x80, v3, vm0, $0xb8;
	[tilespmem:$0x1C200] =	vst v63  }
0x5c: {  	s29 =	simm.s32 $0xEA00  }
0x5d: {  	[tilespmem:s29], [sflag:$0x4] =	stream.indirect_vreg.gather [hbm4b:s9+s8], $0x80, v3, vm0, $0xb8;
	[tilespmem:$0x1C200] =	vst v63  }
0x5e: {  	s30 =	simm.s32 $0xF200  }
0x5f: {  	[tilespmem:s30], [sflag:$0x4] =	stream.indirect_vreg.gather [hbm4b:s10+s8], $0x80, v3, vm0, $0xb8;
	[tilespmem:$0x1C200] =	vst v63  }
0x60: {  	s0 =	simm.s32 $0x0;
	s31 =	simm.s32 $0xFA00  }
0x61: {  	[tilespmem:s31], [sflag:$0x4] =	stream.indirect_vreg.gather [hbm4b:s1+s8], $0x80, v3, vm0, $0xb8;
	[tilespmem:$0x1C200] =	vst v63  }
.LBB2_2:
0x62: {  	s3 =	sshll.u32 s0, $0x2;
	s6 =	sand.u32 $0x3, s0;
	s4 =	rddreg [dreg:$0x5]  }
0x63: {  	s1 =	smul.u32 $0xAB, s0;
	s3 =	sand.u32 $0x30, s3;
	[dreg:$0x14] =	wrdreg s6  }
0x64: {  	p0 =	sne.s32 s6, $0x0;
	s3 =	sor.u32 s4, s3;
	s4 =	rddreg [dreg:$0x6]  }
0x65: {  	s2 =	sadd.s32 $0xAB, s1;
	[dreg:$0x15] =	wrdreg s3;
	s3 =	sshll.u32 @!p0 s3, $0x7  }
0x66: {  	s6 =	simm.s32 @!p0 $0x18200;
	s3 =	sadd.s32 @!p0 s4, s3;
	s4 =	simm.s32 @!p0 $0x0  }
0x67: {  	[tilespmem:s6], [sflag:$0xD] =	stream.linear.gather @!p0 [hbm4b:s3+s4], $0x4000, $0x38;
	[tilespmem:$0x1C200] =	vst v63  }
0x68: {  	s2 =	sshrl.u32 s2, $0x9;
	s3 =	simm.s32 @!p0 $0xD  }
0x69: {  	s2 =	sand.u32 $0x7F, s2;
	_ =	swait.ge @!p0 [sflag:s3], $0x4000  }
0x6a: {  	p1 =	slt.u32 s0, $0x2;
	s2 =	smul.u32 $0x3, s2;
	[sflag:s3] =	ssyncset.done @!p0 $0x0  }
0x6b: {  	s25 =	sadd.s32 $0x1, s0;
	[sflag:s3] =	ssyncadd.s32 @!p0 $0xFFFFC000;
	p0 =	seq.s32 @!p1 s0, $0xF  }
0x6c: {  	s2 =	ssub.s32 s25, s2;
	p0 =	por p1, !p0  }
.Ltmp0:
0x6d: {  	s2 =	sand.u32 $0xFF, s2;
	(pc) =	sbr.rel @p0 .LBB2_3-.Ltmp0, $4  }
0x6e: {  	s3 =	sadd.s32 @!p1 $0x7, s2  }
0x6f: {  	_ =	swait.ge @!p1 [sflag:s3], $0x4000  }
0x70: {  	[sflag:s3] =	ssyncset.done @!p1 $0x0  }
0x71: {  	[sflag:s3] =	ssyncadd.s32 @!p1 $0xFFFFC000  }
.Ltmp1:
0x72: {  	(pc) =	sbr.rel .LBB2_4-.Ltmp1, $4  }
0x73: {  	s2 =	sadd.s32 $0xA, s2  }
0x74: {  	_ =	swait.ge [sflag:s2], $0x4000  }
0x75: {  	[sflag:s2] =	ssyncset.done $0x0  }
0x76: {  	[sflag:s2] =	ssyncadd.s32 $0xFFFFC000  }
.LBB2_3:
0x77: {  	s3 =	sshll.u32 s25, $0x6;
	s4 =	sshll.u32 s25, $0x2  }
0x78: {  	s3 =	sand.u32 $0xC0, s3;
	s4 =	sand.u32 $0x70, s4  }
0x79: {  	s4 =	sadd.s32 s4, s3  }
0x7a: {  	v3 =	vld [tilespmem:s4+$0x0];
	_ =	sdelay $0x4  }
0x7b: {  	v4 =	vshll.u32 v3, $0x3  }
0x7c: {  	v3 =	vand.u32 $0x7, v3;
	v4 =	vand.u32 $0xFFFFFFC0, v4  }
0x7d: {  	v3 =	vor.u32 v3, v4  }
0x7e: {  	v4 =	vperm.xlane v3, v0;
	_ =	sdelay $0x1  }
0x7f: {  	v4 =	vadd.s32 v1, v4;
	_ =	sdelay $0x1  }
0x80: {  	s14 =	sshll.u32 s2, $0x10  }
0x81: {  	s3 =	sshrl.u32 s14, $0x2  }
0x82: {  	s7 =	sadd.s32 $0x1, s2;
	s6 =	sor.u32 $0x200, s3  }
0x83: {  	[tilespmem:s6], [sflag:s7] =	stream.indirect_vreg.gather [hbm4b:s5+s8], $0x80, v4, vm0, $0xb8;
	[tilespmem:$0x1C200] =	vst v63  }
0x84: {  	s15 =	sor.u32 $0xA00, s3;
	v3 =	vperm.xlane v3, v2  }
0x85: {  	[tilespmem:s15], [sflag:s7] =	stream.indirect_vreg.gather [hbm4b:s9+s8], $0x80, v4, vm0, $0xb8;
	[tilespmem:$0x1C200] =	vst v63  }
0x86: {  	s16 =	sor.u32 $0x1200, s3;
	v3 =	vadd.s32 v1, v3  }
0x87: {  	[tilespmem:s16], [sflag:s7] =	stream.indirect_vreg.gather [hbm4b:s10+s8], $0x80, v4, vm0, $0xb8;
	[tilespmem:$0x1C200] =	vst v63  }
0x88: {  	s11 =	rddreg [dreg:$0x11];
	s17 =	sor.u32 $0x1A00, s3  }
0x89: {  	[tilespmem:s17], [sflag:s7] =	stream.indirect_vreg.gather [hbm4b:s11+s8], $0x80, v4, vm0, $0xb8;
	[tilespmem:$0x1C200] =	vst v63  }
0x8a: {  	s18 =	sor.u32 $0x2200, s3  }
0x8b: {  	[tilespmem:s18], [sflag:s7] =	stream.indirect_vreg.gather [hbm4b:s5+s8], $0x80, v3, vm0, $0xb8;
	[tilespmem:$0x1C200] =	vst v63  }
0x8c: {  	s19 =	sor.u32 $0x2A00, s3  }
0x8d: {  	[tilespmem:s19], [sflag:s7] =	stream.indirect_vreg.gather [hbm4b:s9+s8], $0x80, v3, vm0, $0xb8;
	[tilespmem:$0x1C200] =	vst v63  }
0x8e: {  	p0 =	sgt.u32 s0, $0x1;
	s20 =	sor.u32 $0x3200, s3  }
0x8f: {  	[tilespmem:s20], [sflag:s7] =	stream.indirect_vreg.gather [hbm4b:s10+s8], $0x80, v3, vm0, $0xb8;
	[tilespmem:$0x1C200] =	vst v63  }
0x90: {  	s21 =	sor.u32 $0x3A00, s3;
	s6 =	sadd.s32 @p0 $0xA, s2  }
0x91: {  	[tilespmem:s21], [sflag:s7] =	stream.indirect_vreg.gather [hbm4b:s11+s8], $0x80, v3, vm0, $0xb8;
	[tilespmem:$0x1C200] =	vst v63  }
0x92: {  	_ =	swait.ge @p0 [sflag:s6], $0x4000  }
0x93: {  	[sflag:s6] =	ssyncset.done @p0 $0x0  }
0x94: {  	[sflag:s6] =	ssyncadd.s32 @p0 $0xFFFFC000  }
0x95: {  	v3 =	vld [tilespmem:s4+$0x100];
	_ =	sdelay $0x4  }
0x96: {  	v63 =	vshll.u32 v3, $0x3  }
0x97: {  	v3 =	vand.u32 $0x7, v3;
	v4 =	vand.u32 $0xFFFFFFC0, v63  }
0x98: {  	v3 =	vor.u32 v3, v4  }
0x99: {  	v4 =	vperm.xlane v3, v0;
	_ =	sdelay $0x1  }
0x9a: {  	v4 =	vadd.s32 v1, v4;
	_ =	sdelay $0x3  }
0x9b: {  	s23 =	sadd.s32 $0x4, s2;
	s22 =	sadd.s32 $0xC200, s3  }
0x9c: {  	[tilespmem:s22], [sflag:s23] =	stream.indirect_vreg.gather [hbm4b:s5+s8], $0x80, v4, vm0, $0xb8;
	[tilespmem:$0x1C200] =	vst v63  }
0x9d: {  	s24 =	sadd.s32 $0xCA00, s3;
	v3 =	vperm.xlane v3, v2  }
0x9e: {  	[tilespmem:s24], [sflag:s23] =	stream.indirect_vreg.gather [hbm4b:s9+s8], $0x80, v4, vm0, $0xb8;
	[tilespmem:$0x1C200] =	vst v63  }
0x9f: {  	s26 =	sadd.s32 $0xD200, s3;
	v3 =	vadd.s32 v1, v3  }
0xa0: {  	[tilespmem:s26], [sflag:s23] =	stream.indirect_vreg.gather [hbm4b:s10+s8], $0x80, v4, vm0, $0xb8;
	[tilespmem:$0x1C200] =	vst v63  }
0xa1: {  	s28 =	sadd.s32 $0xDA00, s3  }
0xa2: {  	[tilespmem:s28], [sflag:s23] =	stream.indirect_vreg.gather [hbm4b:s11+s8], $0x80, v4, vm0, $0xb8;
	[tilespmem:$0x1C200] =	vst v63  }
0xa3: {  	s29 =	sadd.s32 $0xE200, s3  }
0xa4: {  	[tilespmem:s29], [sflag:s23] =	stream.indirect_vreg.gather [hbm4b:s5+s8], $0x80, v3, vm0, $0xb8;
	[tilespmem:$0x1C200] =	vst v63  }
0xa5: {  	s30 =	sadd.s32 $0xEA00, s3  }
0xa6: {  	[tilespmem:s30], [sflag:s23] =	stream.indirect_vreg.gather [hbm4b:s9+s8], $0x80, v3, vm0, $0xb8;
	[tilespmem:$0x1C200] =	vst v63  }
0xa7: {  	s31 =	sadd.s32 $0xF200, s3  }
0xa8: {  	[tilespmem:s31], [sflag:s23] =	stream.indirect_vreg.gather [hbm4b:s10+s8], $0x80, v3, vm0, $0xb8;
	[tilespmem:$0x1C200] =	vst v63  }
0xa9: {  	s3 =	sadd.s32 $0xFA00, s3  }
0xaa: {  	[tilespmem:s3], [sflag:s23] =	stream.indirect_vreg.gather [hbm4b:s11+s8], $0x80, v3, vm0, $0xb8;
	[tilespmem:$0x1C200] =	vst v63  }
.LBB2_4:
0xab: {  	s1 =	sshrl.u32 s1, $0x9  }
0xac: {  	s1 =	sand.u32 $0x7F, s1  }
0xad: {  	s1 =	smul.u32 $0x3, s1;
	_ =	sdelay $0x1  }
0xae: {  	s0 =	ssub.s32 s0, s1  }
0xaf: {  	s29 =	sand.u32 $0xFF, s0  }
0xb0: {  	s0 =	sadd.s32 $0x1, s29  }
0xb1: {  	_ =	swait.ge [sflag:s0], $0x4000  }
0xb2: {  	[sflag:s0] =	ssyncset.done $0x0  }
0xb3: {  	s8 =	simm.s32 $0x0;
	s15 =	sadd.s32 $0x4, s29;
	[sflag:s0] =	ssyncadd.s32 $0xFFFFC000  }
0xb4: {  	s16 =	sand.u32 $0x2000, s8;
	s3 =	sand.u32 $0x300, s8;
	_ =	swait.ge [sflag:s15], $0x4000  }
0xb5: {  	s4 =	sor.u32 $0x18200, s16;
	s6 =	sor.u32 $0x80, s3;
	[sflag:s15] =	ssyncset.done $0x0  }
0xb6: {  	s2 =	sadd.s32 s6, s4;
	[sflag:s15] =	ssyncadd.s32 $0xFFFFC000  }
0xb7: {  	v3 =	vld [tilespmem:s2+$0x0];
	_ =	sdelay $0x1  }
0xb8: {  	s30 =	sshll.u32 s29, $0xE  }
0xb9: {  	s17 =	sor.u32 s30, s16  }
0xba: {  	s31 =	sor.u32 s6, s17  }
0xbb: {  	[tilespmem:s31+$0x200] =	vst.add.f32.msk $0xffff, v3  }
0xbc: {  	[tilespmem:s31+$0xC200] =	vst.add.f32.msk $0xffff, v3  }
0xbd: {  	v3 =	vld [tilespmem:s2+$0x10];
	_ =	sdelay $0x4  }
0xbe: {  	[tilespmem:s31+$0x210] =	vst.add.f32.msk $0xffff, v3  }
0xbf: {  	[tilespmem:s31+$0xC210] =	vst.add.f32.msk $0xffff, v3  }
0xc0: {  	v3 =	vld [tilespmem:s2+$0x20];
	_ =	sdelay $0x4  }
0xc1: {  	[tilespmem:s31+$0x220] =	vst.add.f32.msk $0xffff, v3  }
0xc2: {  	[tilespmem:s31+$0xC220] =	vst.add.f32.msk $0xffff, v3  }
0xc3: {  	v3 =	vld [tilespmem:s2+$0x30];
	_ =	sdelay $0x4  }
0xc4: {  	[tilespmem:s31+$0x230] =	vst.add.f32.msk $0xffff, v3  }
0xc5: {  	[tilespmem:s31+$0xC230] =	vst.add.f32.msk $0xffff, v3  }
0xc6: {  	v3 =	vld [tilespmem:s2+$0x40];
	_ =	sdelay $0x4  }
0xc7: {  	[tilespmem:s31+$0x240] =	vst.add.f32.msk $0xffff, v3  }
0xc8: {  	[tilespmem:s31+$0xC240] =	vst.add.f32.msk $0xffff, v3  }
0xc9: {  	v3 =	vld [tilespmem:s2+$0x50];
	_ =	sdelay $0x1  }
0xca: {  	s18 =	sadd.s32 s3, s4  }
0xcb: {  	v4 =	vld [tilespmem:s18+$0x0];
	_ =	sdelay $0x1  }
0xcc: {  	[tilespmem:s31+$0x250] =	vst.add.f32.msk $0xffff, v3  }
0xcd: {  	[tilespmem:s31+$0xC250] =	vst.add.f32.msk $0xffff, v3  }
0xce: {  	s0 =	sor.u32 s3, s17;
	v3 =	vld [tilespmem:s2+$0x60]  }
0xcf: {  	[tilespmem:s0+$0x200] =	vst.add.f32.msk $0xffff, v4  }
0xd0: {  	[tilespmem:s0+$0xC200] =	vst.add.f32.msk $0xffff, v4  }
0xd1: {  	v4 =	vld [tilespmem:s18+$0x10];
	_ =	sdelay $0x1  }
0xd2: {  	[tilespmem:s31+$0x260] =	vst.add.f32.msk $0xffff, v3  }
0xd3: {  	[tilespmem:s31+$0xC260] =	vst.add.f32.msk $0xffff, v3  }
0xd4: {  	v3 =	vld [tilespmem:s2+$0x70]  }
0xd5: {  	[tilespmem:s0+$0x210] =	vst.add.f32.msk $0xffff, v4  }
0xd6: {  	[tilespmem:s0+$0xC210] =	vst.add.f32.msk $0xffff, v4  }
0xd7: {  	v4 =	vld [tilespmem:s18+$0x20];
	_ =	sdelay $0x1  }
0xd8: {  	[tilespmem:s31+$0x270] =	vst.add.f32.msk $0xffff, v3  }
0xd9: {  	[tilespmem:s31+$0xC270] =	vst.add.f32.msk $0xffff, v3  }
0xda: {  	v3 =	vld [tilespmem:s2+$0x400]  }
0xdb: {  	[tilespmem:s0+$0x220] =	vst.add.f32.msk $0xffff, v4  }
0xdc: {  	[tilespmem:s0+$0xC220] =	vst.add.f32.msk $0xffff, v4  }
0xdd: {  	v4 =	vld [tilespmem:s18+$0x30];
	_ =	sdelay $0x1  }
0xde: {  	[tilespmem:s31+$0x600] =	vst.add.f32.msk $0xffff, v3  }
0xdf: {  	[tilespmem:s31+$0xC600] =	vst.add.f32.msk $0xffff, v3  }
0xe0: {  	v3 =	vld [tilespmem:s2+$0x410]  }
0xe1: {  	[tilespmem:s0+$0x230] =	vst.add.f32.msk $0xffff, v4  }
0xe2: {  	[tilespmem:s0+$0xC230] =	vst.add.f32.msk $0xffff, v4  }
0xe3: {  	v4 =	vld [tilespmem:s18+$0x40];
	_ =	sdelay $0x1  }
0xe4: {  	[tilespmem:s31+$0x610] =	vst.add.f32.msk $0xffff, v3  }
0xe5: {  	[tilespmem:s31+$0xC610] =	vst.add.f32.msk $0xffff, v3  }
0xe6: {  	v3 =	vld [tilespmem:s2+$0x420]  }
0xe7: {  	[tilespmem:s0+$0x240] =	vst.add.f32.msk $0xffff, v4  }
0xe8: {  	[tilespmem:s0+$0xC240] =	vst.add.f32.msk $0xffff, v4  }
0xe9: {  	v4 =	vld [tilespmem:s18+$0x50];
	_ =	sdelay $0x1  }
0xea: {  	[tilespmem:s31+$0x620] =	vst.add.f32.msk $0xffff, v3  }
0xeb: {  	[tilespmem:s31+$0xC620] =	vst.add.f32.msk $0xffff, v3  }
0xec: {  	v3 =	vld [tilespmem:s2+$0x430]  }
0xed: {  	[tilespmem:s0+$0x250] =	vst.add.f32.msk $0xffff, v4  }
0xee: {  	[tilespmem:s0+$0xC250] =	vst.add.f32.msk $0xffff, v4  }
0xef: {  	v4 =	vld [tilespmem:s18+$0x60];
	_ =	sdelay $0x1  }
0xf0: {  	[tilespmem:s31+$0x630] =	vst.add.f32.msk $0xffff, v3  }
0xf1: {  	[tilespmem:s31+$0xC630] =	vst.add.f32.msk $0xffff, v3  }
0xf2: {  	v3 =	vld [tilespmem:s2+$0x440]  }
0xf3: {  	[tilespmem:s0+$0x260] =	vst.add.f32.msk $0xffff, v4  }
0xf4: {  	[tilespmem:s0+$0xC260] =	vst.add.f32.msk $0xffff, v4  }
0xf5: {  	v4 =	vld [tilespmem:s18+$0x70];
	_ =	sdelay $0x1  }
0xf6: {  	[tilespmem:s31+$0x640] =	vst.add.f32.msk $0xffff, v3  }
0xf7: {  	[tilespmem:s31+$0xC640] =	vst.add.f32.msk $0xffff, v3  }
0xf8: {  	v3 =	vld [tilespmem:s2+$0x450]  }
0xf9: {  	[tilespmem:s0+$0x270] =	vst.add.f32.msk $0xffff, v4  }
0xfa: {  	[tilespmem:s0+$0xC270] =	vst.add.f32.msk $0xffff, v4  }
0xfb: {  	v4 =	vld [tilespmem:s18+$0x400];
	_ =	sdelay $0x1  }
0xfc: {  	[tilespmem:s31+$0x650] =	vst.add.f32.msk $0xffff, v3  }
0xfd: {  	[tilespmem:s31+$0xC650] =	vst.add.f32.msk $0xffff, v3  }
0xfe: {  	v3 =	vld [tilespmem:s2+$0x460]  }
0xff: {  	[tilespmem:s0+$0x600] =	vst.add.f32.msk $0xffff, v4  }
0x100: {  	[tilespmem:s0+$0xC600] =	vst.add.f32.msk $0xffff, v4  }
0x101: {  	v4 =	vld [tilespmem:s18+$0x410];
	_ =	sdelay $0x1  }
0x102: {  	[tilespmem:s31+$0x660] =	vst.add.f32.msk $0xffff, v3  }
0x103: {  	[tilespmem:s31+$0xC660] =	vst.add.f32.msk $0xffff, v3  }
0x104: {  	v3 =	vld [tilespmem:s2+$0x470]  }
0x105: {  	[tilespmem:s0+$0x610] =	vst.add.f32.msk $0xffff, v4  }
0x106: {  	[tilespmem:s0+$0xC610] =	vst.add.f32.msk $0xffff, v4  }
0x107: {  	v4 =	vld [tilespmem:s18+$0x420];
	_ =	sdelay $0x1  }
0x108: {  	[tilespmem:s31+$0x670] =	vst.add.f32.msk $0xffff, v3  }
0x109: {  	[tilespmem:s31+$0xC670] =	vst.add.f32.msk $0xffff, v3  }
0x10a: {  	v3 =	vld [tilespmem:s2+$0x800]  }
0x10b: {  	[tilespmem:s0+$0x620] =	vst.add.f32.msk $0xffff, v4  }
0x10c: {  	[tilespmem:s0+$0xC620] =	vst.add.f32.msk $0xffff, v4  }
0x10d: {  	v4 =	vld [tilespmem:s18+$0x430];
	_ =	sdelay $0x1  }
0x10e: {  	[tilespmem:s31+$0xA00] =	vst.add.f32.msk $0xffff, v3  }
0x10f: {  	[tilespmem:s31+$0xCA00] =	vst.add.f32.msk $0xffff, v3  }
0x110: {  	v3 =	vld [tilespmem:s2+$0x810]  }
0x111: {  	[tilespmem:s0+$0x630] =	vst.add.f32.msk $0xffff, v4  }
0x112: {  	[tilespmem:s0+$0xC630] =	vst.add.f32.msk $0xffff, v4  }
0x113: {  	v4 =	vld [tilespmem:s18+$0x440];
	_ =	sdelay $0x1  }
0x114: {  	[tilespmem:s31+$0xA10] =	vst.add.f32.msk $0xffff, v3  }
0x115: {  	[tilespmem:s31+$0xCA10] =	vst.add.f32.msk $0xffff, v3  }
0x116: {  	v3 =	vld [tilespmem:s2+$0x820]  }
0x117: {  	[tilespmem:s0+$0x640] =	vst.add.f32.msk $0xffff, v4  }
0x118: {  	[tilespmem:s0+$0xC640] =	vst.add.f32.msk $0xffff, v4  }
0x119: {  	v4 =	vld [tilespmem:s18+$0x450];
	_ =	sdelay $0x1  }
0x11a: {  	[tilespmem:s31+$0xA20] =	vst.add.f32.msk $0xffff, v3  }
0x11b: {  	[tilespmem:s31+$0xCA20] =	vst.add.f32.msk $0xffff, v3  }
0x11c: {  	v3 =	vld [tilespmem:s2+$0x830]  }
0x11d: {  	[tilespmem:s0+$0x650] =	vst.add.f32.msk $0xffff, v4  }
0x11e: {  	[tilespmem:s0+$0xC650] =	vst.add.f32.msk $0xffff, v4  }
0x11f: {  	v4 =	vld [tilespmem:s18+$0x460];
	_ =	sdelay $0x1  }
0x120: {  	[tilespmem:s31+$0xA30] =	vst.add.f32.msk $0xffff, v3  }
0x121: {  	[tilespmem:s31+$0xCA30] =	vst.add.f32.msk $0xffff, v3  }
0x122: {  	v3 =	vld [tilespmem:s2+$0x840]  }
0x123: {  	[tilespmem:s0+$0x660] =	vst.add.f32.msk $0xffff, v4  }
0x124: {  	[tilespmem:s0+$0xC660] =	vst.add.f32.msk $0xffff, v4  }
0x125: {  	v4 =	vld [tilespmem:s18+$0x470];
	_ =	sdelay $0x1  }
0x126: {  	[tilespmem:s31+$0xA40] =	vst.add.f32.msk $0xffff, v3  }
0x127: {  	[tilespmem:s31+$0xCA40] =	vst.add.f32.msk $0xffff, v3  }
0x128: {  	v3 =	vld [tilespmem:s2+$0x850]  }
0x129: {  	[tilespmem:s0+$0x670] =	vst.add.f32.msk $0xffff, v4  }
0x12a: {  	[tilespmem:s0+$0xC670] =	vst.add.f32.msk $0xffff, v4  }
0x12b: {  	v4 =	vld [tilespmem:s18+$0x800];
	_ =	sdelay $0x1  }
0x12c: {  	[tilespmem:s31+$0xA50] =	vst.add.f32.msk $0xffff, v3  }
0x12d: {  	[tilespmem:s31+$0xCA50] =	vst.add.f32.msk $0xffff, v3  }
0x12e: {  	v3 =	vld [tilespmem:s2+$0x860]  }
0x12f: {  	[tilespmem:s0+$0xA00] =	vst.add.f32.msk $0xffff, v4  }
0x130: {  	[tilespmem:s0+$0xCA00] =	vst.add.f32.msk $0xffff, v4  }
0x131: {  	v4 =	vld [tilespmem:s18+$0x810];
	_ =	sdelay $0x1  }
0x132: {  	[tilespmem:s31+$0xA60] =	vst.add.f32.msk $0xffff, v3  }
0x133: {  	[tilespmem:s31+$0xCA60] =	vst.add.f32.msk $0xffff, v3  }
0x134: {  	v3 =	vld [tilespmem:s2+$0x870]  }
0x135: {  	[tilespmem:s0+$0xA10] =	vst.add.f32.msk $0xffff, v4  }
0x136: {  	[tilespmem:s0+$0xCA10] =	vst.add.f32.msk $0xffff, v4  }
0x137: {  	v4 =	vld [tilespmem:s18+$0x820];
	_ =	sdelay $0x1  }
0x138: {  	[tilespmem:s31+$0xA70] =	vst.add.f32.msk $0xffff, v3  }
0x139: {  	[tilespmem:s31+$0xCA70] =	vst.add.f32.msk $0xffff, v3  }
0x13a: {  	v3 =	vld [tilespmem:s2+$0xC00]  }
0x13b: {  	[tilespmem:s0+$0xA20] =	vst.add.f32.msk $0xffff, v4  }
0x13c: {  	[tilespmem:s0+$0xCA20] =	vst.add.f32.msk $0xffff, v4  }
0x13d: {  	v4 =	vld [tilespmem:s18+$0x830];
	_ =	sdelay $0x1  }
0x13e: {  	[tilespmem:s31+$0xE00] =	vst.add.f32.msk $0xffff, v3  }
0x13f: {  	[tilespmem:s31+$0xCE00] =	vst.add.f32.msk $0xffff, v3  }
0x140: {  	v3 =	vld [tilespmem:s2+$0xC10]  }
0x141: {  	[tilespmem:s0+$0xA30] =	vst.add.f32.msk $0xffff, v4  }
0x142: {  	[tilespmem:s0+$0xCA30] =	vst.add.f32.msk $0xffff, v4  }
0x143: {  	v4 =	vld [tilespmem:s18+$0x840];
	_ =	sdelay $0x1  }
0x144: {  	[tilespmem:s31+$0xE10] =	vst.add.f32.msk $0xffff, v3  }
0x145: {  	[tilespmem:s31+$0xCE10] =	vst.add.f32.msk $0xffff, v3  }
0x146: {  	v3 =	vld [tilespmem:s2+$0xC20]  }
0x147: {  	[tilespmem:s0+$0xA40] =	vst.add.f32.msk $0xffff, v4  }
0x148: {  	[tilespmem:s0+$0xCA40] =	vst.add.f32.msk $0xffff, v4  }
0x149: {  	v4 =	vld [tilespmem:s18+$0x850];
	_ =	sdelay $0x1  }
0x14a: {  	[tilespmem:s31+$0xE20] =	vst.add.f32.msk $0xffff, v3  }
0x14b: {  	[tilespmem:s31+$0xCE20] =	vst.add.f32.msk $0xffff, v3  }
0x14c: {  	v3 =	vld [tilespmem:s2+$0xC30]  }
0x14d: {  	[tilespmem:s0+$0xA50] =	vst.add.f32.msk $0xffff, v4  }
0x14e: {  	[tilespmem:s0+$0xCA50] =	vst.add.f32.msk $0xffff, v4  }
0x14f: {  	v4 =	vld [tilespmem:s18+$0x860];
	_ =	sdelay $0x1  }
0x150: {  	[tilespmem:s31+$0xE30] =	vst.add.f32.msk $0xffff, v3  }
0x151: {  	[tilespmem:s31+$0xCE30] =	vst.add.f32.msk $0xffff, v3  }
0x152: {  	v3 =	vld [tilespmem:s2+$0xC40]  }
0x153: {  	[tilespmem:s0+$0xA60] =	vst.add.f32.msk $0xffff, v4  }
0x154: {  	[tilespmem:s0+$0xCA60] =	vst.add.f32.msk $0xffff, v4  }
0x155: {  	v4 =	vld [tilespmem:s18+$0x870];
	_ =	sdelay $0x1  }
0x156: {  	[tilespmem:s31+$0xE40] =	vst.add.f32.msk $0xffff, v3  }
0x157: {  	[tilespmem:s31+$0xCE40] =	vst.add.f32.msk $0xffff, v3  }
0x158: {  	v3 =	vld [tilespmem:s2+$0xC50]  }
0x159: {  	[tilespmem:s0+$0xA70] =	vst.add.f32.msk $0xffff, v4  }
0x15a: {  	[tilespmem:s0+$0xCA70] =	vst.add.f32.msk $0xffff, v4  }
0x15b: {  	v4 =	vld [tilespmem:s18+$0xC00];
	_ =	sdelay $0x1  }
0x15c: {  	[tilespmem:s31+$0xE50] =	vst.add.f32.msk $0xffff, v3  }
0x15d: {  	[tilespmem:s31+$0xCE50] =	vst.add.f32.msk $0xffff, v3  }
0x15e: {  	v3 =	vld [tilespmem:s2+$0xC60]  }
0x15f: {  	[tilespmem:s0+$0xE00] =	vst.add.f32.msk $0xffff, v4  }
0x160: {  	[tilespmem:s0+$0xCE00] =	vst.add.f32.msk $0xffff, v4  }
0x161: {  	v4 =	vld [tilespmem:s18+$0xC10];
	_ =	sdelay $0x1  }
0x162: {  	[tilespmem:s31+$0xE60] =	vst.add.f32.msk $0xffff, v3  }
0x163: {  	[tilespmem:s31+$0xCE60] =	vst.add.f32.msk $0xffff, v3  }
0x164: {  	v3 =	vld [tilespmem:s2+$0xC70]  }
0x165: {  	[tilespmem:s0+$0xE10] =	vst.add.f32.msk $0xffff, v4  }
0x166: {  	[tilespmem:s0+$0xCE10] =	vst.add.f32.msk $0xffff, v4  }
0x167: {  	v4 =	vld [tilespmem:s18+$0xC20];
	_ =	sdelay $0x1  }
0x168: {  	[tilespmem:s31+$0xE70] =	vst.add.f32.msk $0xffff, v3  }
0x169: {  	[tilespmem:s31+$0xCE70] =	vst.add.f32.msk $0xffff, v3  }
0x16a: {  	v3 =	vld [tilespmem:s2+$0x1000]  }
0x16b: {  	[tilespmem:s0+$0xE20] =	vst.add.f32.msk $0xffff, v4  }
0x16c: {  	[tilespmem:s0+$0xCE20] =	vst.add.f32.msk $0xffff, v4  }
0x16d: {  	v4 =	vld [tilespmem:s18+$0xC30];
	_ =	sdelay $0x1  }
0x16e: {  	[tilespmem:s31+$0x1200] =	vst.add.f32.msk $0xffff, v3  }
0x16f: {  	[tilespmem:s31+$0xD200] =	vst.add.f32.msk $0xffff, v3  }
0x170: {  	v3 =	vld [tilespmem:s2+$0x1010]  }
0x171: {  	[tilespmem:s0+$0xE30] =	vst.add.f32.msk $0xffff, v4  }
0x172: {  	[tilespmem:s0+$0xCE30] =	vst.add.f32.msk $0xffff, v4  }
0x173: {  	v4 =	vld [tilespmem:s18+$0xC40];
	_ =	sdelay $0x1  }
0x174: {  	[tilespmem:s31+$0x1210] =	vst.add.f32.msk $0xffff, v3  }
0x175: {  	[tilespmem:s31+$0xD210] =	vst.add.f32.msk $0xffff, v3  }
0x176: {  	v3 =	vld [tilespmem:s2+$0x1020]  }
0x177: {  	[tilespmem:s0+$0xE40] =	vst.add.f32.msk $0xffff, v4  }
0x178: {  	[tilespmem:s0+$0xCE40] =	vst.add.f32.msk $0xffff, v4  }
0x179: {  	v4 =	vld [tilespmem:s18+$0xC50];
	_ =	sdelay $0x1  }
0x17a: {  	[tilespmem:s31+$0x1220] =	vst.add.f32.msk $0xffff, v3  }
0x17b: {  	[tilespmem:s31+$0xD220] =	vst.add.f32.msk $0xffff, v3  }
0x17c: {  	v3 =	vld [tilespmem:s2+$0x1030]  }
0x17d: {  	[tilespmem:s0+$0xE50] =	vst.add.f32.msk $0xffff, v4  }
0x17e: {  	[tilespmem:s0+$0xCE50] =	vst.add.f32.msk $0xffff, v4  }
0x17f: {  	v4 =	vld [tilespmem:s18+$0xC60];
	_ =	sdelay $0x1  }
0x180: {  	[tilespmem:s31+$0x1230] =	vst.add.f32.msk $0xffff, v3  }
0x181: {  	[tilespmem:s31+$0xD230] =	vst.add.f32.msk $0xffff, v3  }
0x182: {  	v3 =	vld [tilespmem:s2+$0x1040]  }
0x183: {  	[tilespmem:s0+$0xE60] =	vst.add.f32.msk $0xffff, v4  }
0x184: {  	[tilespmem:s0+$0xCE60] =	vst.add.f32.msk $0xffff, v4  }
0x185: {  	v4 =	vld [tilespmem:s18+$0xC70];
	_ =	sdelay $0x1  }
0x186: {  	[tilespmem:s31+$0x1240] =	vst.add.f32.msk $0xffff, v3  }
0x187: {  	[tilespmem:s31+$0xD240] =	vst.add.f32.msk $0xffff, v3  }
0x188: {  	v3 =	vld [tilespmem:s2+$0x1050]  }
0x189: {  	[tilespmem:s0+$0xE70] =	vst.add.f32.msk $0xffff, v4  }
0x18a: {  	[tilespmem:s0+$0xCE70] =	vst.add.f32.msk $0xffff, v4  }
0x18b: {  	v4 =	vld [tilespmem:s18+$0x1000];
	_ =	sdelay $0x1  }
0x18c: {  	[tilespmem:s31+$0x1250] =	vst.add.f32.msk $0xffff, v3  }
0x18d: {  	[tilespmem:s31+$0xD250] =	vst.add.f32.msk $0xffff, v3  }
0x18e: {  	v3 =	vld [tilespmem:s2+$0x1060]  }
0x18f: {  	[tilespmem:s0+$0x1200] =	vst.add.f32.msk $0xffff, v4  }
0x190: {  	[tilespmem:s0+$0xD200] =	vst.add.f32.msk $0xffff, v4  }
0x191: {  	v4 =	vld [tilespmem:s18+$0x1010];
	_ =	sdelay $0x1  }
0x192: {  	[tilespmem:s31+$0x1260] =	vst.add.f32.msk $0xffff, v3  }
0x193: {  	[tilespmem:s31+$0xD260] =	vst.add.f32.msk $0xffff, v3  }
0x194: {  	v3 =	vld [tilespmem:s2+$0x1070]  }
0x195: {  	[tilespmem:s0+$0x1210] =	vst.add.f32.msk $0xffff, v4  }
0x196: {  	[tilespmem:s0+$0xD210] =	vst.add.f32.msk $0xffff, v4  }
0x197: {  	v4 =	vld [tilespmem:s18+$0x1020];
	_ =	sdelay $0x1  }
0x198: {  	[tilespmem:s31+$0x1270] =	vst.add.f32.msk $0xffff, v3  }
0x199: {  	[tilespmem:s31+$0xD270] =	vst.add.f32.msk $0xffff, v3  }
0x19a: {  	v3 =	vld [tilespmem:s2+$0x1400]  }
0x19b: {  	[tilespmem:s0+$0x1220] =	vst.add.f32.msk $0xffff, v4  }
0x19c: {  	[tilespmem:s0+$0xD220] =	vst.add.f32.msk $0xffff, v4  }
0x19d: {  	v4 =	vld [tilespmem:s18+$0x1030];
	_ =	sdelay $0x1  }
0x19e: {  	[tilespmem:s31+$0x1600] =	vst.add.f32.msk $0xffff, v3  }
0x19f: {  	[tilespmem:s31+$0xD600] =	vst.add.f32.msk $0xffff, v3  }
0x1a0: {  	v3 =	vld [tilespmem:s2+$0x1410]  }
0x1a1: {  	[tilespmem:s0+$0x1230] =	vst.add.f32.msk $0xffff, v4  }
0x1a2: {  	[tilespmem:s0+$0xD230] =	vst.add.f32.msk $0xffff, v4  }
0x1a3: {  	v4 =	vld [tilespmem:s18+$0x1040];
	_ =	sdelay $0x1  }
0x1a4: {  	[tilespmem:s31+$0x1610] =	vst.add.f32.msk $0xffff, v3  }
0x1a5: {  	[tilespmem:s31+$0xD610] =	vst.add.f32.msk $0xffff, v3  }
0x1a6: {  	v3 =	vld [tilespmem:s2+$0x1420]  }
0x1a7: {  	[tilespmem:s0+$0x1240] =	vst.add.f32.msk $0xffff, v4  }
0x1a8: {  	[tilespmem:s0+$0xD240] =	vst.add.f32.msk $0xffff, v4  }
0x1a9: {  	v4 =	vld [tilespmem:s18+$0x1050];
	_ =	sdelay $0x1  }
0x1aa: {  	[tilespmem:s31+$0x1620] =	vst.add.f32.msk $0xffff, v3  }
0x1ab: {  	[tilespmem:s31+$0xD620] =	vst.add.f32.msk $0xffff, v3  }
0x1ac: {  	v3 =	vld [tilespmem:s2+$0x1430]  }
0x1ad: {  	[tilespmem:s0+$0x1250] =	vst.add.f32.msk $0xffff, v4  }
0x1ae: {  	[tilespmem:s0+$0xD250] =	vst.add.f32.msk $0xffff, v4  }
0x1af: {  	v4 =	vld [tilespmem:s18+$0x1060];
	_ =	sdelay $0x1  }
0x1b0: {  	[tilespmem:s31+$0x1630] =	vst.add.f32.msk $0xffff, v3  }
0x1b1: {  	[tilespmem:s31+$0xD630] =	vst.add.f32.msk $0xffff, v3  }
0x1b2: {  	v3 =	vld [tilespmem:s2+$0x1440]  }
0x1b3: {  	[tilespmem:s0+$0x1260] =	vst.add.f32.msk $0xffff, v4  }
0x1b4: {  	[tilespmem:s0+$0xD260] =	vst.add.f32.msk $0xffff, v4  }
0x1b5: {  	v4 =	vld [tilespmem:s18+$0x1070];
	_ =	sdelay $0x1  }
0x1b6: {  	[tilespmem:s31+$0x1640] =	vst.add.f32.msk $0xffff, v3  }
0x1b7: {  	[tilespmem:s31+$0xD640] =	vst.add.f32.msk $0xffff, v3  }
0x1b8: {  	v3 =	vld [tilespmem:s2+$0x1450]  }
0x1b9: {  	[tilespmem:s0+$0x1270] =	vst.add.f32.msk $0xffff, v4  }
0x1ba: {  	[tilespmem:s0+$0xD270] =	vst.add.f32.msk $0xffff, v4  }
0x1bb: {  	v4 =	vld [tilespmem:s18+$0x1400];
	_ =	sdelay $0x1  }
0x1bc: {  	[tilespmem:s31+$0x1650] =	vst.add.f32.msk $0xffff, v3  }
0x1bd: {  	[tilespmem:s31+$0xD650] =	vst.add.f32.msk $0xffff, v3  }
0x1be: {  	v3 =	vld [tilespmem:s2+$0x1460]  }
0x1bf: {  	[tilespmem:s0+$0x1600] =	vst.add.f32.msk $0xffff, v4  }
0x1c0: {  	[tilespmem:s0+$0xD600] =	vst.add.f32.msk $0xffff, v4  }
0x1c1: {  	v4 =	vld [tilespmem:s18+$0x1410];
	_ =	sdelay $0x1  }
0x1c2: {  	[tilespmem:s31+$0x1660] =	vst.add.f32.msk $0xffff, v3  }
0x1c3: {  	[tilespmem:s31+$0xD660] =	vst.add.f32.msk $0xffff, v3  }
0x1c4: {  	v3 =	vld [tilespmem:s2+$0x1470]  }
0x1c5: {  	[tilespmem:s0+$0x1610] =	vst.add.f32.msk $0xffff, v4  }
0x1c6: {  	s19 =	sand.u32 $0x3, s8;
	[tilespmem:s0+$0xD610] =	vst.add.f32.msk $0xffff, v4  }
0x1c7: {  	v4 =	vld [tilespmem:s18+$0x1420];
	s2 =	sshll.u32 s19, $0x8  }
0x1c8: {  	s9 =	sadd.s32 $0x0, s2  }
0x1c9: {  	s16 =	sadd.s32 $0x80, s9;
	[tilespmem:s31+$0x1670] =	vst.add.f32.msk $0xffff, v3  }
0x1ca: {  	s20 =	sor.u32 $0x1800, s16;
	[tilespmem:s31+$0xD670] =	vst.add.f32.msk $0xffff, v3  }
0x1cb: {  	v3 =	vld [tilespmem:s20+$0x18200]  }
0x1cc: {  	[tilespmem:s0+$0x1620] =	vst.add.f32.msk $0xffff, v4  }
0x1cd: {  	[tilespmem:s0+$0xD620] =	vst.add.f32.msk $0xffff, v4  }
0x1ce: {  	v4 =	vld [tilespmem:s18+$0x1430];
	_ =	sdelay $0x1  }
0x1cf: {  	[tilespmem:s31+$0x1A00] =	vst.add.f32.msk $0xffff, v3  }
0x1d0: {  	s21 =	sor.u32 $0x1810, s16;
	[tilespmem:s31+$0xDA00] =	vst.add.f32.msk $0xffff, v3  }
0x1d1: {  	v3 =	vld [tilespmem:s21+$0x18200]  }
0x1d2: {  	[tilespmem:s0+$0x1630] =	vst.add.f32.msk $0xffff, v4  }
0x1d3: {  	[tilespmem:s0+$0xD630] =	vst.add.f32.msk $0xffff, v4  }
0x1d4: {  	v4 =	vld [tilespmem:s18+$0x1440];
	_ =	sdelay $0x1  }
0x1d5: {  	[tilespmem:s31+$0x1A10] =	vst.add.f32.msk $0xffff, v3  }
0x1d6: {  	s22 =	sor.u32 $0x1820, s16;
	[tilespmem:s31+$0xDA10] =	vst.add.f32.msk $0xffff, v3  }
0x1d7: {  	v3 =	vld [tilespmem:s22+$0x18200]  }
0x1d8: {  	[tilespmem:s0+$0x1640] =	vst.add.f32.msk $0xffff, v4  }
0x1d9: {  	[tilespmem:s0+$0xD640] =	vst.add.f32.msk $0xffff, v4  }
0x1da: {  	v4 =	vld [tilespmem:s18+$0x1450];
	_ =	sdelay $0x1  }
0x1db: {  	[tilespmem:s31+$0x1A20] =	vst.add.f32.msk $0xffff, v3  }
0x1dc: {  	s23 =	sor.u32 $0x1830, s16;
	[tilespmem:s31+$0xDA20] =	vst.add.f32.msk $0xffff, v3  }
0x1dd: {  	v3 =	vld [tilespmem:s23+$0x18200]  }
0x1de: {  	[tilespmem:s0+$0x1650] =	vst.add.f32.msk $0xffff, v4  }
0x1df: {  	[tilespmem:s0+$0xD650] =	vst.add.f32.msk $0xffff, v4  }
0x1e0: {  	v4 =	vld [tilespmem:s18+$0x1460];
	_ =	sdelay $0x1  }
0x1e1: {  	[tilespmem:s31+$0x1A30] =	vst.add.f32.msk $0xffff, v3  }
0x1e2: {  	s24 =	sor.u32 $0x1840, s16;
	[tilespmem:s31+$0xDA30] =	vst.add.f32.msk $0xffff, v3  }
0x1e3: {  	v3 =	vld [tilespmem:s24+$0x18200]  }
0x1e4: {  	[tilespmem:s0+$0x1660] =	vst.add.f32.msk $0xffff, v4  }
0x1e5: {  	[tilespmem:s0+$0xD660] =	vst.add.f32.msk $0xffff, v4  }
0x1e6: {  	v4 =	vld [tilespmem:s18+$0x1470];
	_ =	sdelay $0x1  }
0x1e7: {  	[tilespmem:s31+$0x1A40] =	vst.add.f32.msk $0xffff, v3  }
0x1e8: {  	s26 =	sor.u32 $0x1850, s16;
	[tilespmem:s31+$0xDA40] =	vst.add.f32.msk $0xffff, v3  }
0x1e9: {  	v3 =	vld [tilespmem:s26+$0x18200]  }
0x1ea: {  	s11 =	simm.s32 $0x0;
	s14 =	simm.s32 $0x800;
	[tilespmem:s0+$0x1670] =	vst.add.f32.msk $0xffff, v4  }
0x1eb: {  	s28 =	sor.u32 $0x1800, s9;
	s18 =	sor.u32 $0x1820, s9;
	s17 =	sor.u32 $0x1830, s9;
	[tilespmem:s0+$0xD670] =	vst.add.f32.msk $0xffff, v4  }
0x1ec: {  	s1 =	sor.u32 $0x1840, s9;
	s6 =	sor.u32 $0x1850, s9;
	s7 =	sor.u32 $0x1860, s9;
	v4 =	vld [tilespmem:s28+$0x18200]  }
0x1ed: {  	s3 =	sor.u32 $0x1870, s9;
	s2 =	sor.u32 $0x1C00, s9;
	s4 =	sor.u32 $0x1C40, s9  }
0x1ee: {  	s13 =	sor.u32 $0x1C50, s9;
	s10 =	sor.u32 $0x1C60, s9;
	s12 =	sor.u32 $0x1860, s16;
	[tilespmem:s31+$0x1A50] =	vst.add.f32.msk $0xffff, v3  }
0x1ef: {  	s20 =	sor.u32 $0x1C10, s9;
	s22 =	sor.u32 $0x1C30, s9;
	s23 =	sor.u32 $0x1C20, s9;
	[tilespmem:s31+$0xDA50] =	vst.add.f32.msk $0xffff, v3  }
0x1f0: {  	s26 =	sor.u32 $0x1810, s9;
	s9 =	sor.u32 $0x1C70, s9;
	v3 =	vld [tilespmem:s12+$0x18200];
	s12 =	simm.s32 $0x100  }
.LBB2_5:
0x1f1: {  	s15 =	sand.u32 $0x2000, s14;
	s21 =	sand.u32 $0x300, s12;
	[tilespmem:s0+$0x1A00] =	vst.add.f32.msk $0xffff, v4  }
0x1f2: {  	s24 =	sor.u32 $0x18200, s15;
	s28 =	sor.u32 $0x80, s21;
	[tilespmem:s0+$0xDA00] =	vst.add.f32.msk $0xffff, v4  }
0x1f3: {  	s19 =	sadd.s32 s21, s24;
	s24 =	sadd.s32 s28, s24;
	v4 =	vld [tilespmem:s26+$0x18200]  }
0x1f4: {  	v5 =	vld [tilespmem:s24+$0x0]  }
0x1f5: {  	[tilespmem:s31+$0x1A60] =	vst.add.f32.msk $0xffff, v3  }
0x1f6: {  	s26 =	sor.u32 $0x1870, s16;
	[tilespmem:s31+$0xDA60] =	vst.add.f32.msk $0xffff, v3  }
0x1f7: {  	s15 =	sor.u32 s30, s15;
	v3 =	vld [tilespmem:s26+$0x18200]  }
0x1f8: {  	s21 =	sor.u32 s21, s15;
	s15 =	sor.u32 s28, s15;
	v6 =	vld [tilespmem:s19+$0x0]  }
0x1f9: {  	[tilespmem:s15+$0x200] =	vst.add.f32.msk $0xffff, v5  }
0x1fa: {  	[tilespmem:s15+$0xC200] =	vst.add.f32.msk $0xffff, v5  }
0x1fb: {  	v5 =	vld [tilespmem:s24+$0x10]  }
0x1fc: {  	[tilespmem:s31+$0x1A70] =	vst.add.f32.msk $0xffff, v3  }
0x1fd: {  	s26 =	sor.u32 $0x1C00, s16;
	[tilespmem:s31+$0xDA70] =	vst.add.f32.msk $0xffff, v3  }
0x1fe: {  	v3 =	vld [tilespmem:s26+$0x18200]  }
0x1ff: {  	[tilespmem:s21+$0x200] =	vst.add.f32.msk $0xffff, v6  }
0x200: {  	[tilespmem:s15+$0x210] =	vst.add.f32.msk $0xffff, v5  }
0x201: {  	[tilespmem:s15+$0xC210] =	vst.add.f32.msk $0xffff, v5  }
0x202: {  	v5 =	vld [tilespmem:s24+$0x20]  }
0x203: {  	[tilespmem:s31+$0x1E00] =	vst.add.f32.msk $0xffff, v3  }
0x204: {  	s26 =	sor.u32 $0x1C10, s16;
	[tilespmem:s31+$0xDE00] =	vst.add.f32.msk $0xffff, v3  }
0x205: {  	v3 =	vld [tilespmem:s26+$0x18200]  }
0x206: {  	[tilespmem:s21+$0xC200] =	vst.add.f32.msk $0xffff, v6  }
0x207: {  	[tilespmem:s15+$0x220] =	vst.add.f32.msk $0xffff, v5  }
0x208: {  	[tilespmem:s15+$0xC220] =	vst.add.f32.msk $0xffff, v5  }
0x209: {  	v5 =	vld [tilespmem:s24+$0x30]  }
0x20a: {  	[tilespmem:s31+$0x1E10] =	vst.add.f32.msk $0xffff, v3  }
0x20b: {  	s26 =	sor.u32 $0x1C20, s16;
	[tilespmem:s31+$0xDE10] =	vst.add.f32.msk $0xffff, v3  }
0x20c: {  	v3 =	vld [tilespmem:s26+$0x18200]  }
0x20d: {  	v6 =	vld [tilespmem:s19+$0x10]  }
0x20e: {  	[tilespmem:s15+$0x230] =	vst.add.f32.msk $0xffff, v5  }
0x20f: {  	[tilespmem:s15+$0xC230] =	vst.add.f32.msk $0xffff, v5  }
0x210: {  	v5 =	vld [tilespmem:s24+$0x40]  }
0x211: {  	[tilespmem:s31+$0x1E20] =	vst.add.f32.msk $0xffff, v3  }
0x212: {  	s26 =	sor.u32 $0x1C30, s16;
	[tilespmem:s31+$0xDE20] =	vst.add.f32.msk $0xffff, v3  }
0x213: {  	v3 =	vld [tilespmem:s26+$0x18200]  }
0x214: {  	[tilespmem:s21+$0x210] =	vst.add.f32.msk $0xffff, v6  }
0x215: {  	[tilespmem:s15+$0x240] =	vst.add.f32.msk $0xffff, v5  }
0x216: {  	[tilespmem:s15+$0xC240] =	vst.add.f32.msk $0xffff, v5  }
0x217: {  	v5 =	vld [tilespmem:s24+$0x50]  }
0x218: {  	[tilespmem:s31+$0x1E30] =	vst.add.f32.msk $0xffff, v3  }
0x219: {  	s26 =	sor.u32 $0x1C40, s16;
	[tilespmem:s31+$0xDE30] =	vst.add.f32.msk $0xffff, v3  }
0x21a: {  	v3 =	vld [tilespmem:s26+$0x18200]  }
0x21b: {  	[tilespmem:s21+$0xC210] =	vst.add.f32.msk $0xffff, v6  }
0x21c: {  	[tilespmem:s15+$0x250] =	vst.add.f32.msk $0xffff, v5  }
0x21d: {  	[tilespmem:s15+$0xC250] =	vst.add.f32.msk $0xffff, v5  }
0x21e: {  	v5 =	vld [tilespmem:s24+$0x60]  }
0x21f: {  	[tilespmem:s31+$0x1E40] =	vst.add.f32.msk $0xffff, v3  }
0x220: {  	s26 =	sor.u32 $0x1C50, s16;
	[tilespmem:s31+$0xDE40] =	vst.add.f32.msk $0xffff, v3  }
0x221: {  	v3 =	vld [tilespmem:s26+$0x18200]  }
0x222: {  	v6 =	vld [tilespmem:s19+$0x20]  }
0x223: {  	[tilespmem:s15+$0x260] =	vst.add.f32.msk $0xffff, v5  }
0x224: {  	[tilespmem:s15+$0xC260] =	vst.add.f32.msk $0xffff, v5  }
0x225: {  	v5 =	vld [tilespmem:s24+$0x70]  }
0x226: {  	[tilespmem:s31+$0x1E50] =	vst.add.f32.msk $0xffff, v3  }
0x227: {  	s26 =	sor.u32 $0x1C60, s16;
	[tilespmem:s31+$0xDE50] =	vst.add.f32.msk $0xffff, v3  }
0x228: {  	v3 =	vld [tilespmem:s26+$0x18200]  }
0x229: {  	[tilespmem:s21+$0x220] =	vst.add.f32.msk $0xffff, v6  }
0x22a: {  	[tilespmem:s15+$0x270] =	vst.add.f32.msk $0xffff, v5  }
0x22b: {  	[tilespmem:s15+$0xC270] =	vst.add.f32.msk $0xffff, v5  }
0x22c: {  	v5 =	vld [tilespmem:s24+$0x400]  }
0x22d: {  	[tilespmem:s31+$0x1E60] =	vst.add.f32.msk $0xffff, v3  }
0x22e: {  	s16 =	sor.u32 $0x1C70, s16;
	[tilespmem:s31+$0xDE60] =	vst.add.f32.msk $0xffff, v3  }
0x22f: {  	v3 =	vld [tilespmem:s16+$0x18200]  }
0x230: {  	[tilespmem:s21+$0xC220] =	vst.add.f32.msk $0xffff, v6  }
0x231: {  	v6 =	vld [tilespmem:s19+$0x30]  }
0x232: {  	s11 =	sadd.s32 $0x2, s11;
	[tilespmem:s15+$0x600] =	vst.add.f32.msk $0xffff, v5  }
0x233: {  	p0 =	slt.u32 s11, $0xE;
	[tilespmem:s15+$0xC600] =	vst.add.f32.msk $0xffff, v5  }
0x234: {  	[tilespmem:s31+$0xDE70] =	vst.add.f32.msk $0xffff, v3  }
0x235: {  	v5 =	vld [tilespmem:s24+$0x410]  }
0x236: {  	[tilespmem:s21+$0x230] =	vst.add.f32.msk $0xffff, v6  }
0x237: {  	[tilespmem:s21+$0xC230] =	vst.add.f32.msk $0xffff, v6  }
0x238: {  	v6 =	vld [tilespmem:s19+$0x40]  }
0x239: {  	[tilespmem:s0+$0x1A10] =	vst.add.f32.msk $0xffff, v4  }
0x23a: {  	[tilespmem:s15+$0x610] =	vst.add.f32.msk $0xffff, v5  }
0x23b: {  	[tilespmem:s15+$0xC610] =	vst.add.f32.msk $0xffff, v5  }
0x23c: {  	v5 =	vld [tilespmem:s24+$0x420]  }
0x23d: {  	[tilespmem:s21+$0x240] =	vst.add.f32.msk $0xffff, v6  }
0x23e: {  	[tilespmem:s21+$0xC240] =	vst.add.f32.msk $0xffff, v6  }
0x23f: {  	v6 =	vld [tilespmem:s19+$0x50]  }
0x240: {  	[tilespmem:s0+$0xDA10] =	vst.add.f32.msk $0xffff, v4  }
0x241: {  	[tilespmem:s15+$0x620] =	vst.add.f32.msk $0xffff, v5  }
0x242: {  	[tilespmem:s15+$0xC620] =	vst.add.f32.msk $0xffff, v5  }
0x243: {  	v4 =	vld [tilespmem:s24+$0x430]  }
0x244: {  	[tilespmem:s21+$0x250] =	vst.add.f32.msk $0xffff, v6  }
0x245: {  	[tilespmem:s21+$0xC250] =	vst.add.f32.msk $0xffff, v6  }
0x246: {  	v5 =	vld [tilespmem:s19+$0x60]  }
0x247: {  	v6 =	vld [tilespmem:s18+$0x18200]  }
0x248: {  	[tilespmem:s15+$0x630] =	vst.add.f32.msk $0xffff, v4  }
0x249: {  	[tilespmem:s15+$0xC630] =	vst.add.f32.msk $0xffff, v4  }
0x24a: {  	v4 =	vld [tilespmem:s24+$0x440]  }
0x24b: {  	[tilespmem:s21+$0x260] =	vst.add.f32.msk $0xffff, v5  }
0x24c: {  	[tilespmem:s21+$0xC260] =	vst.add.f32.msk $0xffff, v5  }
0x24d: {  	v5 =	vld [tilespmem:s19+$0x70]  }
0x24e: {  	[tilespmem:s0+$0x1A20] =	vst.add.f32.msk $0xffff, v6  }
0x24f: {  	[tilespmem:s15+$0x640] =	vst.add.f32.msk $0xffff, v4  }
0x250: {  	[tilespmem:s15+$0xC640] =	vst.add.f32.msk $0xffff, v4  }
0x251: {  	v4 =	vld [tilespmem:s24+$0x450]  }
0x252: {  	[tilespmem:s21+$0x270] =	vst.add.f32.msk $0xffff, v5  }
0x253: {  	[tilespmem:s21+$0xC270] =	vst.add.f32.msk $0xffff, v5  }
0x254: {  	v5 =	vld [tilespmem:s19+$0x400]  }
0x255: {  	[tilespmem:s0+$0xDA20] =	vst.add.f32.msk $0xffff, v6  }
0x256: {  	[tilespmem:s15+$0x650] =	vst.add.f32.msk $0xffff, v4  }
0x257: {  	[tilespmem:s15+$0xC650] =	vst.add.f32.msk $0xffff, v4  }
0x258: {  	v4 =	vld [tilespmem:s24+$0x460]  }
0x259: {  	[tilespmem:s21+$0x600] =	vst.add.f32.msk $0xffff, v5  }
0x25a: {  	[tilespmem:s21+$0xC600] =	vst.add.f32.msk $0xffff, v5  }
0x25b: {  	v5 =	vld [tilespmem:s19+$0x410]  }
0x25c: {  	v6 =	vld [tilespmem:s17+$0x18200]  }
0x25d: {  	[tilespmem:s15+$0x660] =	vst.add.f32.msk $0xffff, v4  }
0x25e: {  	[tilespmem:s15+$0xC660] =	vst.add.f32.msk $0xffff, v4  }
0x25f: {  	v4 =	vld [tilespmem:s24+$0x470]  }
0x260: {  	[tilespmem:s21+$0x610] =	vst.add.f32.msk $0xffff, v5  }
0x261: {  	[tilespmem:s21+$0xC610] =	vst.add.f32.msk $0xffff, v5  }
0x262: {  	v5 =	vld [tilespmem:s19+$0x420]  }
0x263: {  	[tilespmem:s0+$0x1A30] =	vst.add.f32.msk $0xffff, v6  }
0x264: {  	[tilespmem:s15+$0x670] =	vst.add.f32.msk $0xffff, v4  }
0x265: {  	[tilespmem:s15+$0xC670] =	vst.add.f32.msk $0xffff, v4  }
0x266: {  	v4 =	vld [tilespmem:s24+$0x800]  }
0x267: {  	[tilespmem:s21+$0x620] =	vst.add.f32.msk $0xffff, v5  }
0x268: {  	[tilespmem:s21+$0xC620] =	vst.add.f32.msk $0xffff, v5  }
0x269: {  	v5 =	vld [tilespmem:s19+$0x430]  }
0x26a: {  	[tilespmem:s0+$0xDA30] =	vst.add.f32.msk $0xffff, v6  }
0x26b: {  	[tilespmem:s15+$0xA00] =	vst.add.f32.msk $0xffff, v4  }
0x26c: {  	[tilespmem:s15+$0xCA00] =	vst.add.f32.msk $0xffff, v4  }
0x26d: {  	v4 =	vld [tilespmem:s24+$0x810]  }
0x26e: {  	[tilespmem:s21+$0x630] =	vst.add.f32.msk $0xffff, v5  }
0x26f: {  	[tilespmem:s21+$0xC630] =	vst.add.f32.msk $0xffff, v5  }
0x270: {  	v5 =	vld [tilespmem:s19+$0x440]  }
0x271: {  	v6 =	vld [tilespmem:s1+$0x18200]  }
0x272: {  	[tilespmem:s15+$0xA10] =	vst.add.f32.msk $0xffff, v4  }
0x273: {  	[tilespmem:s15+$0xCA10] =	vst.add.f32.msk $0xffff, v4  }
0x274: {  	v4 =	vld [tilespmem:s24+$0x820]  }
0x275: {  	[tilespmem:s21+$0x640] =	vst.add.f32.msk $0xffff, v5  }
0x276: {  	[tilespmem:s21+$0xC640] =	vst.add.f32.msk $0xffff, v5  }
0x277: {  	v5 =	vld [tilespmem:s19+$0x450]  }
0x278: {  	[tilespmem:s0+$0x1A40] =	vst.add.f32.msk $0xffff, v6  }
0x279: {  	[tilespmem:s15+$0xA20] =	vst.add.f32.msk $0xffff, v4  }
0x27a: {  	[tilespmem:s15+$0xCA20] =	vst.add.f32.msk $0xffff, v4  }
0x27b: {  	v4 =	vld [tilespmem:s24+$0x830]  }
0x27c: {  	[tilespmem:s21+$0x650] =	vst.add.f32.msk $0xffff, v5  }
0x27d: {  	[tilespmem:s21+$0xC650] =	vst.add.f32.msk $0xffff, v5  }
0x27e: {  	v5 =	vld [tilespmem:s19+$0x460]  }
0x27f: {  	[tilespmem:s0+$0xDA40] =	vst.add.f32.msk $0xffff, v6  }
0x280: {  	[tilespmem:s15+$0xA30] =	vst.add.f32.msk $0xffff, v4  }
0x281: {  	[tilespmem:s15+$0xCA30] =	vst.add.f32.msk $0xffff, v4  }
0x282: {  	v4 =	vld [tilespmem:s24+$0x840]  }
0x283: {  	[tilespmem:s21+$0x660] =	vst.add.f32.msk $0xffff, v5  }
0x284: {  	[tilespmem:s21+$0xC660] =	vst.add.f32.msk $0xffff, v5  }
0x285: {  	v5 =	vld [tilespmem:s19+$0x470]  }
0x286: {  	v6 =	vld [tilespmem:s6+$0x18200]  }
0x287: {  	[tilespmem:s15+$0xA40] =	vst.add.f32.msk $0xffff, v4  }
0x288: {  	[tilespmem:s15+$0xCA40] =	vst.add.f32.msk $0xffff, v4  }
0x289: {  	v4 =	vld [tilespmem:s24+$0x850]  }
0x28a: {  	[tilespmem:s21+$0x670] =	vst.add.f32.msk $0xffff, v5  }
0x28b: {  	[tilespmem:s21+$0xC670] =	vst.add.f32.msk $0xffff, v5  }
0x28c: {  	v5 =	vld [tilespmem:s19+$0x800]  }
0x28d: {  	[tilespmem:s0+$0x1A50] =	vst.add.f32.msk $0xffff, v6  }
0x28e: {  	[tilespmem:s15+$0xA50] =	vst.add.f32.msk $0xffff, v4  }
0x28f: {  	[tilespmem:s15+$0xCA50] =	vst.add.f32.msk $0xffff, v4  }
0x290: {  	v4 =	vld [tilespmem:s24+$0x860]  }
0x291: {  	[tilespmem:s21+$0xA00] =	vst.add.f32.msk $0xffff, v5  }
0x292: {  	[tilespmem:s21+$0xCA00] =	vst.add.f32.msk $0xffff, v5  }
0x293: {  	v5 =	vld [tilespmem:s19+$0x810]  }
0x294: {  	[tilespmem:s0+$0xDA50] =	vst.add.f32.msk $0xffff, v6  }
0x295: {  	[tilespmem:s15+$0xA60] =	vst.add.f32.msk $0xffff, v4  }
0x296: {  	[tilespmem:s15+$0xCA60] =	vst.add.f32.msk $0xffff, v4  }
0x297: {  	v4 =	vld [tilespmem:s24+$0x870]  }
0x298: {  	[tilespmem:s21+$0xA10] =	vst.add.f32.msk $0xffff, v5  }
0x299: {  	[tilespmem:s21+$0xCA10] =	vst.add.f32.msk $0xffff, v5  }
0x29a: {  	v5 =	vld [tilespmem:s19+$0x820]  }
0x29b: {  	v6 =	vld [tilespmem:s7+$0x18200]  }
0x29c: {  	[tilespmem:s15+$0xA70] =	vst.add.f32.msk $0xffff, v4  }
0x29d: {  	[tilespmem:s15+$0xCA70] =	vst.add.f32.msk $0xffff, v4  }
0x29e: {  	v4 =	vld [tilespmem:s24+$0xC00]  }
0x29f: {  	[tilespmem:s21+$0xA20] =	vst.add.f32.msk $0xffff, v5  }
0x2a0: {  	[tilespmem:s21+$0xCA20] =	vst.add.f32.msk $0xffff, v5  }
0x2a1: {  	v5 =	vld [tilespmem:s19+$0x830]  }
0x2a2: {  	[tilespmem:s0+$0x1A60] =	vst.add.f32.msk $0xffff, v6  }
0x2a3: {  	[tilespmem:s15+$0xE00] =	vst.add.f32.msk $0xffff, v4  }
0x2a4: {  	[tilespmem:s15+$0xCE00] =	vst.add.f32.msk $0xffff, v4  }
0x2a5: {  	v4 =	vld [tilespmem:s24+$0xC10]  }
0x2a6: {  	[tilespmem:s21+$0xA30] =	vst.add.f32.msk $0xffff, v5  }
0x2a7: {  	[tilespmem:s21+$0xCA30] =	vst.add.f32.msk $0xffff, v5  }
0x2a8: {  	v5 =	vld [tilespmem:s19+$0x840]  }
0x2a9: {  	[tilespmem:s0+$0xDA60] =	vst.add.f32.msk $0xffff, v6  }
0x2aa: {  	[tilespmem:s15+$0xE10] =	vst.add.f32.msk $0xffff, v4  }
0x2ab: {  	[tilespmem:s15+$0xCE10] =	vst.add.f32.msk $0xffff, v4  }
0x2ac: {  	v4 =	vld [tilespmem:s24+$0xC20]  }
0x2ad: {  	[tilespmem:s21+$0xA40] =	vst.add.f32.msk $0xffff, v5  }
0x2ae: {  	[tilespmem:s21+$0xCA40] =	vst.add.f32.msk $0xffff, v5  }
0x2af: {  	v5 =	vld [tilespmem:s19+$0x850]  }
0x2b0: {  	v6 =	vld [tilespmem:s3+$0x18200]  }
0x2b1: {  	[tilespmem:s15+$0xE20] =	vst.add.f32.msk $0xffff, v4  }
0x2b2: {  	[tilespmem:s15+$0xCE20] =	vst.add.f32.msk $0xffff, v4  }
0x2b3: {  	v4 =	vld [tilespmem:s24+$0xC30]  }
0x2b4: {  	[tilespmem:s21+$0xA50] =	vst.add.f32.msk $0xffff, v5  }
0x2b5: {  	[tilespmem:s21+$0xCA50] =	vst.add.f32.msk $0xffff, v5  }
0x2b6: {  	v5 =	vld [tilespmem:s19+$0x860]  }
0x2b7: {  	[tilespmem:s0+$0x1A70] =	vst.add.f32.msk $0xffff, v6  }
0x2b8: {  	[tilespmem:s15+$0xE30] =	vst.add.f32.msk $0xffff, v4  }
0x2b9: {  	[tilespmem:s15+$0xCE30] =	vst.add.f32.msk $0xffff, v4  }
0x2ba: {  	v4 =	vld [tilespmem:s24+$0xC40]  }
0x2bb: {  	[tilespmem:s21+$0xA60] =	vst.add.f32.msk $0xffff, v5  }
0x2bc: {  	[tilespmem:s21+$0xCA60] =	vst.add.f32.msk $0xffff, v5  }
0x2bd: {  	v5 =	vld [tilespmem:s19+$0x870]  }
0x2be: {  	[tilespmem:s0+$0xDA70] =	vst.add.f32.msk $0xffff, v6  }
0x2bf: {  	[tilespmem:s15+$0xE40] =	vst.add.f32.msk $0xffff, v4  }
0x2c0: {  	[tilespmem:s15+$0xCE40] =	vst.add.f32.msk $0xffff, v4  }
0x2c1: {  	v4 =	vld [tilespmem:s24+$0xC50]  }
0x2c2: {  	[tilespmem:s21+$0xA70] =	vst.add.f32.msk $0xffff, v5  }
0x2c3: {  	[tilespmem:s21+$0xCA70] =	vst.add.f32.msk $0xffff, v5  }
0x2c4: {  	v5 =	vld [tilespmem:s19+$0xC00]  }
0x2c5: {  	v6 =	vld [tilespmem:s2+$0x18200]  }
0x2c6: {  	[tilespmem:s15+$0xE50] =	vst.add.f32.msk $0xffff, v4  }
0x2c7: {  	[tilespmem:s15+$0xCE50] =	vst.add.f32.msk $0xffff, v4  }
0x2c8: {  	v4 =	vld [tilespmem:s24+$0xC60]  }
0x2c9: {  	[tilespmem:s21+$0xE00] =	vst.add.f32.msk $0xffff, v5  }
0x2ca: {  	[tilespmem:s21+$0xCE00] =	vst.add.f32.msk $0xffff, v5  }
0x2cb: {  	v5 =	vld [tilespmem:s19+$0xC10]  }
0x2cc: {  	[tilespmem:s0+$0x1E00] =	vst.add.f32.msk $0xffff, v6  }
0x2cd: {  	[tilespmem:s15+$0xE60] =	vst.add.f32.msk $0xffff, v4  }
0x2ce: {  	[tilespmem:s15+$0xCE60] =	vst.add.f32.msk $0xffff, v4  }
0x2cf: {  	v4 =	vld [tilespmem:s24+$0xC70]  }
0x2d0: {  	[tilespmem:s21+$0xE10] =	vst.add.f32.msk $0xffff, v5  }
0x2d1: {  	[tilespmem:s21+$0xCE10] =	vst.add.f32.msk $0xffff, v5  }
0x2d2: {  	v5 =	vld [tilespmem:s19+$0xC20]  }
0x2d3: {  	[tilespmem:s0+$0xDE00] =	vst.add.f32.msk $0xffff, v6  }
0x2d4: {  	[tilespmem:s15+$0xE70] =	vst.add.f32.msk $0xffff, v4  }
0x2d5: {  	[tilespmem:s15+$0xCE70] =	vst.add.f32.msk $0xffff, v4  }
0x2d6: {  	v4 =	vld [tilespmem:s24+$0x1000]  }
0x2d7: {  	[tilespmem:s21+$0xE20] =	vst.add.f32.msk $0xffff, v5  }
0x2d8: {  	[tilespmem:s21+$0xCE20] =	vst.add.f32.msk $0xffff, v5  }
0x2d9: {  	v5 =	vld [tilespmem:s19+$0xC30]  }
0x2da: {  	v6 =	vld [tilespmem:s20+$0x18200]  }
0x2db: {  	[tilespmem:s15+$0x1200] =	vst.add.f32.msk $0xffff, v4  }
0x2dc: {  	[tilespmem:s15+$0xD200] =	vst.add.f32.msk $0xffff, v4  }
0x2dd: {  	v4 =	vld [tilespmem:s24+$0x1010]  }
0x2de: {  	[tilespmem:s21+$0xE30] =	vst.add.f32.msk $0xffff, v5  }
0x2df: {  	[tilespmem:s21+$0xCE30] =	vst.add.f32.msk $0xffff, v5  }
0x2e0: {  	v5 =	vld [tilespmem:s19+$0xC40]  }
0x2e1: {  	[tilespmem:s0+$0x1E10] =	vst.add.f32.msk $0xffff, v6  }
0x2e2: {  	[tilespmem:s15+$0x1210] =	vst.add.f32.msk $0xffff, v4  }
0x2e3: {  	[tilespmem:s15+$0xD210] =	vst.add.f32.msk $0xffff, v4  }
0x2e4: {  	v4 =	vld [tilespmem:s24+$0x1020]  }
0x2e5: {  	[tilespmem:s21+$0xE40] =	vst.add.f32.msk $0xffff, v5  }
0x2e6: {  	[tilespmem:s21+$0xCE40] =	vst.add.f32.msk $0xffff, v5  }
0x2e7: {  	v5 =	vld [tilespmem:s19+$0xC50]  }
0x2e8: {  	[tilespmem:s0+$0xDE10] =	vst.add.f32.msk $0xffff, v6  }
0x2e9: {  	[tilespmem:s15+$0x1220] =	vst.add.f32.msk $0xffff, v4  }
0x2ea: {  	[tilespmem:s15+$0xD220] =	vst.add.f32.msk $0xffff, v4  }
0x2eb: {  	v4 =	vld [tilespmem:s24+$0x1030]  }
0x2ec: {  	[tilespmem:s21+$0xE50] =	vst.add.f32.msk $0xffff, v5  }
0x2ed: {  	[tilespmem:s21+$0xCE50] =	vst.add.f32.msk $0xffff, v5  }
0x2ee: {  	v5 =	vld [tilespmem:s19+$0xC60]  }
0x2ef: {  	v6 =	vld [tilespmem:s23+$0x18200]  }
0x2f0: {  	[tilespmem:s15+$0x1230] =	vst.add.f32.msk $0xffff, v4  }
0x2f1: {  	[tilespmem:s15+$0xD230] =	vst.add.f32.msk $0xffff, v4  }
0x2f2: {  	v4 =	vld [tilespmem:s24+$0x1040]  }
0x2f3: {  	[tilespmem:s21+$0xE60] =	vst.add.f32.msk $0xffff, v5  }
0x2f4: {  	[tilespmem:s21+$0xCE60] =	vst.add.f32.msk $0xffff, v5  }
0x2f5: {  	v5 =	vld [tilespmem:s19+$0xC70]  }
0x2f6: {  	[tilespmem:s0+$0x1E20] =	vst.add.f32.msk $0xffff, v6  }
0x2f7: {  	[tilespmem:s15+$0x1240] =	vst.add.f32.msk $0xffff, v4  }
0x2f8: {  	[tilespmem:s15+$0xD240] =	vst.add.f32.msk $0xffff, v4  }
0x2f9: {  	v4 =	vld [tilespmem:s24+$0x1050]  }
0x2fa: {  	[tilespmem:s21+$0xE70] =	vst.add.f32.msk $0xffff, v5  }
0x2fb: {  	[tilespmem:s21+$0xCE70] =	vst.add.f32.msk $0xffff, v5  }
0x2fc: {  	v5 =	vld [tilespmem:s19+$0x1000]  }
0x2fd: {  	[tilespmem:s0+$0xDE20] =	vst.add.f32.msk $0xffff, v6  }
0x2fe: {  	[tilespmem:s15+$0x1250] =	vst.add.f32.msk $0xffff, v4  }
0x2ff: {  	[tilespmem:s15+$0xD250] =	vst.add.f32.msk $0xffff, v4  }
0x300: {  	v4 =	vld [tilespmem:s24+$0x1060]  }
0x301: {  	[tilespmem:s21+$0x1200] =	vst.add.f32.msk $0xffff, v5  }
0x302: {  	[tilespmem:s21+$0xD200] =	vst.add.f32.msk $0xffff, v5  }
0x303: {  	v5 =	vld [tilespmem:s19+$0x1010]  }
0x304: {  	v6 =	vld [tilespmem:s22+$0x18200]  }
0x305: {  	[tilespmem:s15+$0x1260] =	vst.add.f32.msk $0xffff, v4  }
0x306: {  	[tilespmem:s15+$0xD260] =	vst.add.f32.msk $0xffff, v4  }
0x307: {  	v4 =	vld [tilespmem:s24+$0x1070]  }
0x308: {  	[tilespmem:s21+$0x1210] =	vst.add.f32.msk $0xffff, v5  }
0x309: {  	[tilespmem:s21+$0xD210] =	vst.add.f32.msk $0xffff, v5  }
0x30a: {  	v5 =	vld [tilespmem:s19+$0x1020]  }
0x30b: {  	[tilespmem:s0+$0x1E30] =	vst.add.f32.msk $0xffff, v6  }
0x30c: {  	[tilespmem:s15+$0x1270] =	vst.add.f32.msk $0xffff, v4  }
0x30d: {  	[tilespmem:s15+$0xD270] =	vst.add.f32.msk $0xffff, v4  }
0x30e: {  	v4 =	vld [tilespmem:s24+$0x1400]  }
0x30f: {  	[tilespmem:s21+$0x1220] =	vst.add.f32.msk $0xffff, v5  }
0x310: {  	[tilespmem:s21+$0xD220] =	vst.add.f32.msk $0xffff, v5  }
0x311: {  	v5 =	vld [tilespmem:s19+$0x1030]  }
0x312: {  	[tilespmem:s0+$0xDE30] =	vst.add.f32.msk $0xffff, v6  }
0x313: {  	[tilespmem:s15+$0x1600] =	vst.add.f32.msk $0xffff, v4  }
0x314: {  	[tilespmem:s15+$0xD600] =	vst.add.f32.msk $0xffff, v4  }
0x315: {  	v4 =	vld [tilespmem:s24+$0x1410]  }
0x316: {  	[tilespmem:s21+$0x1230] =	vst.add.f32.msk $0xffff, v5  }
0x317: {  	[tilespmem:s21+$0xD230] =	vst.add.f32.msk $0xffff, v5  }
0x318: {  	v5 =	vld [tilespmem:s19+$0x1040]  }
0x319: {  	v6 =	vld [tilespmem:s4+$0x18200]  }
0x31a: {  	[tilespmem:s15+$0x1610] =	vst.add.f32.msk $0xffff, v4  }
0x31b: {  	[tilespmem:s15+$0xD610] =	vst.add.f32.msk $0xffff, v4  }
0x31c: {  	v4 =	vld [tilespmem:s24+$0x1420]  }
0x31d: {  	[tilespmem:s21+$0x1240] =	vst.add.f32.msk $0xffff, v5  }
0x31e: {  	[tilespmem:s21+$0xD240] =	vst.add.f32.msk $0xffff, v5  }
0x31f: {  	v5 =	vld [tilespmem:s19+$0x1050]  }
0x320: {  	[tilespmem:s0+$0x1E40] =	vst.add.f32.msk $0xffff, v6  }
0x321: {  	[tilespmem:s15+$0x1620] =	vst.add.f32.msk $0xffff, v4  }
0x322: {  	[tilespmem:s15+$0xD620] =	vst.add.f32.msk $0xffff, v4  }
0x323: {  	v4 =	vld [tilespmem:s24+$0x1430]  }
0x324: {  	[tilespmem:s21+$0x1250] =	vst.add.f32.msk $0xffff, v5  }
0x325: {  	[tilespmem:s21+$0xD250] =	vst.add.f32.msk $0xffff, v5  }
0x326: {  	v5 =	vld [tilespmem:s19+$0x1060]  }
0x327: {  	[tilespmem:s0+$0xDE40] =	vst.add.f32.msk $0xffff, v6  }
0x328: {  	[tilespmem:s15+$0x1630] =	vst.add.f32.msk $0xffff, v4  }
0x329: {  	[tilespmem:s15+$0xD630] =	vst.add.f32.msk $0xffff, v4  }
0x32a: {  	v4 =	vld [tilespmem:s24+$0x1440]  }
0x32b: {  	[tilespmem:s21+$0x1260] =	vst.add.f32.msk $0xffff, v5  }
0x32c: {  	[tilespmem:s21+$0xD260] =	vst.add.f32.msk $0xffff, v5  }
0x32d: {  	v5 =	vld [tilespmem:s19+$0x1070]  }
0x32e: {  	v6 =	vld [tilespmem:s13+$0x18200]  }
0x32f: {  	[tilespmem:s15+$0x1640] =	vst.add.f32.msk $0xffff, v4  }
0x330: {  	[tilespmem:s15+$0xD640] =	vst.add.f32.msk $0xffff, v4  }
0x331: {  	v4 =	vld [tilespmem:s24+$0x1450]  }
0x332: {  	[tilespmem:s21+$0x1270] =	vst.add.f32.msk $0xffff, v5  }
0x333: {  	[tilespmem:s21+$0xD270] =	vst.add.f32.msk $0xffff, v5  }
0x334: {  	v5 =	vld [tilespmem:s19+$0x1400]  }
0x335: {  	[tilespmem:s0+$0x1E50] =	vst.add.f32.msk $0xffff, v6  }
0x336: {  	[tilespmem:s15+$0x1650] =	vst.add.f32.msk $0xffff, v4  }
0x337: {  	[tilespmem:s15+$0xD650] =	vst.add.f32.msk $0xffff, v4  }
0x338: {  	v4 =	vld [tilespmem:s24+$0x1460]  }
0x339: {  	[tilespmem:s21+$0x1600] =	vst.add.f32.msk $0xffff, v5  }
0x33a: {  	[tilespmem:s21+$0xD600] =	vst.add.f32.msk $0xffff, v5  }
0x33b: {  	v5 =	vld [tilespmem:s19+$0x1410]  }
0x33c: {  	[tilespmem:s0+$0xDE50] =	vst.add.f32.msk $0xffff, v6  }
0x33d: {  	[tilespmem:s15+$0x1660] =	vst.add.f32.msk $0xffff, v4  }
0x33e: {  	[tilespmem:s15+$0xD660] =	vst.add.f32.msk $0xffff, v4  }
0x33f: {  	v4 =	vld [tilespmem:s24+$0x1470]  }
0x340: {  	s8 =	sadd.s32 $0x1, s8;
	[tilespmem:s21+$0x1610] =	vst.add.f32.msk $0xffff, v5  }
0x341: {  	s1 =	sand.u32 $0x3, s8;
	[tilespmem:s21+$0xD610] =	vst.add.f32.msk $0xffff, v5  }
0x342: {  	s1 =	sshll.u32 s1, $0x8;
	v5 =	vld [tilespmem:s19+$0x1420]  }
0x343: {  	s28 =	sadd.s32 s1, s14;
	v6 =	vld [tilespmem:s10+$0x18200]  }
0x344: {  	s26 =	sor.u32 $0x1810, s28;
	s16 =	sadd.s32 $0x80, s28;
	s24 =	sor.u32 $0x1800, s28;
	[tilespmem:s15+$0x1670] =	vst.add.f32.msk $0xffff, v4  }
0x345: {  	s18 =	sor.u32 $0x1820, s28;
	s17 =	sor.u32 $0x1830, s28;
	s2 =	sor.u32 $0x1800, s16;
	[tilespmem:s15+$0xD670] =	vst.add.f32.msk $0xffff, v4  }
0x346: {  	s1 =	sor.u32 $0x1840, s28;
	s6 =	sor.u32 $0x1850, s28;
	s7 =	sor.u32 $0x1860, s28;
	v4 =	vld [tilespmem:s2+$0x18200]  }
0x347: {  	s3 =	sor.u32 $0x1870, s28;
	s20 =	sor.u32 $0x1C10, s28;
	s2 =	sor.u32 $0x1C00, s28;
	[tilespmem:s21+$0x1620] =	vst.add.f32.msk $0xffff, v5  }
0x348: {  	s23 =	sor.u32 $0x1C20, s28;
	s22 =	sor.u32 $0x1C30, s28;
	s4 =	sor.u32 $0x1C40, s28;
	[tilespmem:s21+$0xD620] =	vst.add.f32.msk $0xffff, v5  }
0x349: {  	s13 =	sor.u32 $0x1C50, s28;
	s10 =	sor.u32 $0x1C60, s28;
	s28 =	sor.u32 $0x1C70, s28;
	v5 =	vld [tilespmem:s19+$0x1430]  }
0x34a: {  	[tilespmem:s0+$0x1E60] =	vst.add.f32.msk $0xffff, v6  }
0x34b: {  	[tilespmem:s15+$0x1A00] =	vst.add.f32.msk $0xffff, v4  }
0x34c: {  	s5 =	sor.u32 $0x1810, s16;
	[tilespmem:s15+$0xDA00] =	vst.add.f32.msk $0xffff, v4  }
0x34d: {  	v4 =	vld [tilespmem:s5+$0x18200]  }
0x34e: {  	[tilespmem:s21+$0x1630] =	vst.add.f32.msk $0xffff, v5  }
0x34f: {  	[tilespmem:s21+$0xD630] =	vst.add.f32.msk $0xffff, v5  }
0x350: {  	v5 =	vld [tilespmem:s19+$0x1440]  }
0x351: {  	[tilespmem:s0+$0xDE60] =	vst.add.f32.msk $0xffff, v6  }
0x352: {  	[tilespmem:s15+$0x1A10] =	vst.add.f32.msk $0xffff, v4  }
0x353: {  	s5 =	sor.u32 $0x1820, s16;
	[tilespmem:s15+$0xDA10] =	vst.add.f32.msk $0xffff, v4  }
0x354: {  	v4 =	vld [tilespmem:s5+$0x18200]  }
0x355: {  	[tilespmem:s21+$0x1640] =	vst.add.f32.msk $0xffff, v5  }
0x356: {  	[tilespmem:s21+$0xD640] =	vst.add.f32.msk $0xffff, v5  }
0x357: {  	v5 =	vld [tilespmem:s19+$0x1450]  }
0x358: {  	v6 =	vld [tilespmem:s9+$0x18200];
	s9 =	smov.u32 s28  }
0x359: {  	[tilespmem:s15+$0x1A20] =	vst.add.f32.msk $0xffff, v4  }
0x35a: {  	s5 =	sor.u32 $0x1830, s16;
	[tilespmem:s15+$0xDA20] =	vst.add.f32.msk $0xffff, v4  }
0x35b: {  	v4 =	vld [tilespmem:s5+$0x18200]  }
0x35c: {  	[tilespmem:s21+$0x1650] =	vst.add.f32.msk $0xffff, v5  }
0x35d: {  	[tilespmem:s21+$0xD650] =	vst.add.f32.msk $0xffff, v5  }
0x35e: {  	v5 =	vld [tilespmem:s19+$0x1460]  }
0x35f: {  	[tilespmem:s0+$0x1E70] =	vst.add.f32.msk $0xffff, v6  }
0x360: {  	[tilespmem:s15+$0x1A30] =	vst.add.f32.msk $0xffff, v4  }
0x361: {  	s5 =	sor.u32 $0x1840, s16;
	[tilespmem:s15+$0xDA30] =	vst.add.f32.msk $0xffff, v4  }
0x362: {  	v4 =	vld [tilespmem:s5+$0x18200]  }
0x363: {  	[tilespmem:s21+$0x1660] =	vst.add.f32.msk $0xffff, v5  }
0x364: {  	[tilespmem:s21+$0xD660] =	vst.add.f32.msk $0xffff, v5  }
0x365: {  	v5 =	vld [tilespmem:s19+$0x1470]  }
0x366: {  	[tilespmem:s0+$0xDE70] =	vst.add.f32.msk $0xffff, v6;
	s0 =	smov.u32 s21  }
0x367: {  	[tilespmem:s15+$0x1A40] =	vst.add.f32.msk $0xffff, v4  }
0x368: {  	s5 =	sor.u32 $0x1850, s16;
	[tilespmem:s15+$0xDA40] =	vst.add.f32.msk $0xffff, v4  }
0x369: {  	v6 =	vld [tilespmem:s5+$0x18200]  }
0x36a: {  	[tilespmem:s0+$0x1670] =	vst.add.f32.msk $0xffff, v5  }
0x36b: {  	[tilespmem:s0+$0xD670] =	vst.add.f32.msk $0xffff, v5  }
.Ltmp2:
0x36c: {  	v4 =	vld [tilespmem:s24+$0x18200];
	(pc) =	sbr.rel @p0 .LBB2_5-.Ltmp2, $4  }
0x36d: {  	[tilespmem:s31+$0x1E70] =	vst.add.f32.msk $0xffff, v3;
	s31 =	smov.u32 s15  }
0x36e: {  	[tilespmem:s31+$0x1A50] =	vst.add.f32.msk $0xffff, v6  }
0x36f: {  	s5 =	sor.u32 $0x1860, s16;
	[tilespmem:s31+$0xDA50] =	vst.add.f32.msk $0xffff, v6  }
0x370: {  	s12 =	sadd.s32 $0x100, s12;
	s14 =	sadd.s32 $0x800, s14;
	v3 =	vld [tilespmem:s5+$0x18200]  }
0x371: {  	[tilespmem:s0+$0x1A00] =	vst.add.f32.msk $0xffff, v4  }
0x372: {  	[tilespmem:s0+$0xDA00] =	vst.add.f32.msk $0xffff, v4  }
0x373: {  	v4 =	vld [tilespmem:s26+$0x18200];
	_ =	sdelay $0x4  }
0x374: {  	[tilespmem:s0+$0x1A10] =	vst.add.f32.msk $0xffff, v4  }
0x375: {  	[tilespmem:s0+$0xDA10] =	vst.add.f32.msk $0xffff, v4  }
0x376: {  	v4 =	vld [tilespmem:s18+$0x18200];
	_ =	sdelay $0x4  }
0x377: {  	[tilespmem:s0+$0x1A20] =	vst.add.f32.msk $0xffff, v4  }
0x378: {  	[tilespmem:s0+$0xDA20] =	vst.add.f32.msk $0xffff, v4  }
0x379: {  	v4 =	vld [tilespmem:s17+$0x18200];
	_ =	sdelay $0x4  }
0x37a: {  	[tilespmem:s0+$0x1A30] =	vst.add.f32.msk $0xffff, v4  }
0x37b: {  	[tilespmem:s0+$0xDA30] =	vst.add.f32.msk $0xffff, v4  }
0x37c: {  	v4 =	vld [tilespmem:s1+$0x18200];
	_ =	sdelay $0x4  }
0x37d: {  	[tilespmem:s0+$0x1A40] =	vst.add.f32.msk $0xffff, v4  }
0x37e: {  	[tilespmem:s0+$0xDA40] =	vst.add.f32.msk $0xffff, v4  }
0x37f: {  	v4 =	vld [tilespmem:s6+$0x18200];
	_ =	sdelay $0x4  }
0x380: {  	[tilespmem:s0+$0x1A50] =	vst.add.f32.msk $0xffff, v4  }
0x381: {  	[tilespmem:s0+$0xDA50] =	vst.add.f32.msk $0xffff, v4  }
0x382: {  	v4 =	vld [tilespmem:s7+$0x18200];
	_ =	sdelay $0x1  }
0x383: {  	[tilespmem:s31+$0x1A60] =	vst.add.f32.msk $0xffff, v3  }
0x384: {  	[tilespmem:s31+$0xDA60] =	vst.add.f32.msk $0xffff, v3;
	s7 =	sor.u32 $0x1870, s16  }
0x385: {  	v3 =	vld [tilespmem:s7+$0x18200]  }
0x386: {  	[tilespmem:s0+$0x1A60] =	vst.add.f32.msk $0xffff, v4  }
0x387: {  	[tilespmem:s0+$0xDA60] =	vst.add.f32.msk $0xffff, v4  }
0x388: {  	v4 =	vld [tilespmem:s3+$0x18200];
	_ =	sdelay $0x1  }
0x389: {  	[tilespmem:s31+$0x1A70] =	vst.add.f32.msk $0xffff, v3  }
0x38a: {  	s8 =	sor.u32 $0x1C00, s16;
	[tilespmem:s31+$0xDA70] =	vst.add.f32.msk $0xffff, v3  }
0x38b: {  	v3 =	vld [tilespmem:s8+$0x18200]  }
0x38c: {  	[tilespmem:s0+$0x1A70] =	vst.add.f32.msk $0xffff, v4  }
0x38d: {  	[tilespmem:s0+$0xDA70] =	vst.add.f32.msk $0xffff, v4  }
0x38e: {  	v4 =	vld [tilespmem:s2+$0x18200];
	_ =	sdelay $0x1  }
0x38f: {  	[tilespmem:s31+$0x1E00] =	vst.add.f32.msk $0xffff, v3  }
0x390: {  	s11 =	sor.u32 $0x1C10, s16;
	[tilespmem:s31+$0xDE00] =	vst.add.f32.msk $0xffff, v3  }
0x391: {  	v3 =	vld [tilespmem:s11+$0x18200]  }
0x392: {  	[tilespmem:s0+$0x1E00] =	vst.add.f32.msk $0xffff, v4  }
0x393: {  	[tilespmem:s0+$0xDE00] =	vst.add.f32.msk $0xffff, v4  }
0x394: {  	v4 =	vld [tilespmem:s20+$0x18200];
	_ =	sdelay $0x1  }
0x395: {  	[tilespmem:s31+$0x1E10] =	vst.add.f32.msk $0xffff, v3  }
0x396: {  	s12 =	sor.u32 $0x1C20, s16;
	[tilespmem:s31+$0xDE10] =	vst.add.f32.msk $0xffff, v3  }
0x397: {  	v3 =	vld [tilespmem:s12+$0x18200]  }
0x398: {  	[tilespmem:s0+$0x1E10] =	vst.add.f32.msk $0xffff, v4  }
0x399: {  	[tilespmem:s0+$0xDE10] =	vst.add.f32.msk $0xffff, v4  }
0x39a: {  	v4 =	vld [tilespmem:s23+$0x18200];
	_ =	sdelay $0x1  }
0x39b: {  	[tilespmem:s31+$0x1E20] =	vst.add.f32.msk $0xffff, v3  }
0x39c: {  	s14 =	sor.u32 $0x1C30, s16;
	[tilespmem:s31+$0xDE20] =	vst.add.f32.msk $0xffff, v3  }
0x39d: {  	v3 =	vld [tilespmem:s14+$0x18200]  }
0x39e: {  	[tilespmem:s0+$0x1E20] =	vst.add.f32.msk $0xffff, v4  }
0x39f: {  	[tilespmem:s0+$0xDE20] =	vst.add.f32.msk $0xffff, v4  }
0x3a0: {  	v4 =	vld [tilespmem:s22+$0x18200];
	_ =	sdelay $0x1  }
0x3a1: {  	[tilespmem:s31+$0x1E30] =	vst.add.f32.msk $0xffff, v3  }
0x3a2: {  	s15 =	sor.u32 $0x1C40, s16;
	[tilespmem:s31+$0xDE30] =	vst.add.f32.msk $0xffff, v3  }
0x3a3: {  	v3 =	vld [tilespmem:s15+$0x18200]  }
0x3a4: {  	[tilespmem:s0+$0x1E30] =	vst.add.f32.msk $0xffff, v4  }
0x3a5: {  	[tilespmem:s0+$0xDE30] =	vst.add.f32.msk $0xffff, v4  }
0x3a6: {  	v4 =	vld [tilespmem:s4+$0x18200];
	_ =	sdelay $0x1  }
0x3a7: {  	[tilespmem:s31+$0x1E40] =	vst.add.f32.msk $0xffff, v3  }
0x3a8: {  	s17 =	sor.u32 $0x1C50, s16;
	[tilespmem:s31+$0xDE40] =	vst.add.f32.msk $0xffff, v3  }
0x3a9: {  	v3 =	vld [tilespmem:s17+$0x18200]  }
0x3aa: {  	[tilespmem:s0+$0x1E40] =	vst.add.f32.msk $0xffff, v4  }
0x3ab: {  	[tilespmem:s0+$0xDE40] =	vst.add.f32.msk $0xffff, v4  }
0x3ac: {  	v4 =	vld [tilespmem:s13+$0x18200];
	_ =	sdelay $0x1  }
0x3ad: {  	[tilespmem:s31+$0x1E50] =	vst.add.f32.msk $0xffff, v3  }
0x3ae: {  	s18 =	sor.u32 $0x1C60, s16;
	[tilespmem:s31+$0xDE50] =	vst.add.f32.msk $0xffff, v3  }
0x3af: {  	v3 =	vld [tilespmem:s18+$0x18200]  }
0x3b0: {  	[tilespmem:s0+$0x1E50] =	vst.add.f32.msk $0xffff, v4  }
0x3b1: {  	[tilespmem:s0+$0xDE50] =	vst.add.f32.msk $0xffff, v4  }
0x3b2: {  	v4 =	vld [tilespmem:s10+$0x18200];
	_ =	sdelay $0x1  }
0x3b3: {  	[tilespmem:s31+$0x1E60] =	vst.add.f32.msk $0xffff, v3  }
0x3b4: {  	s19 =	sor.u32 $0x1C70, s16;
	[tilespmem:s31+$0xDE60] =	vst.add.f32.msk $0xffff, v3  }
0x3b5: {  	v3 =	vld [tilespmem:s19+$0x18200]  }
0x3b6: {  	[tilespmem:s0+$0x1E60] =	vst.add.f32.msk $0xffff, v4  }
0x3b7: {  	[tilespmem:s0+$0xDE60] =	vst.add.f32.msk $0xffff, v4  }
0x3b8: {  	v4 =	vld [tilespmem:s9+$0x18200];
	_ =	sdelay $0x3  }
0x3b9: {  	[tilespmem:s31+$0xDE70] =	vst.add.f32.msk $0xffff, v3  }
0x3ba: {  	s5 =	rddreg [dreg:$0x1];
	[tilespmem:s0+$0x1E70] =	vst.add.f32.msk $0xffff, v4  }
0x3bb: {  	s24 =	sadd.s32 $0x7, s29;
	s20 =	rddreg [dreg:$0x14]  }
0x3bc: {  	s28 =	sadd.s32 $0xC200, s30;
	p0 =	sne.s32 s25, $0x10;
	s21 =	rddreg [dreg:$0x15]  }
0x3bd: {  	s26 =	rddreg [dreg:$0x2];
	s1 =	sshll.u32 s20, $0x12;
	s2 =	sshll.u32 s21, $0x7  }
0x3be: {  	s8 =	simm.s32 $0x0;
	s23 =	sadd.s32 $0x200, s30;
	[tilespmem:s0+$0xDE70] =	vst.add.f32.msk $0xffff, v4;
	s22 =	sor.u32 s1, s2  }
.Ltmp3:
0x3bf: {  	[tilespmem:s31+$0x1E70] =	vst.add.f32.msk $0xffff, v3;
	s31 =	rddreg [dreg:$0x3];
	s3 =	sadd.s32 s26, s22;
	(pc) =	sbr.rel @p0 .LBB2_2-.Ltmp3, $4  }
0x3c0: {  	[hbm4b:s3+s8] =	stream.linear.scatter [tilespmem:s23], [sflag:s24], $0x4000, $0x38;
	[tilespmem:$0x1C200] =	vst v63  }
0x3c1: {  	s30 =	sadd.s32 $0xA, s29;
	s9 =	rddreg [dreg:$0xf];
	s0 =	sadd.s32 s31, s22  }
0x3c2: {  	[hbm4b:s0+s8] =	stream.linear.scatter [tilespmem:s28], [sflag:s30], $0x4000, $0x38;
	[tilespmem:$0x1C200] =	vst v63  }
0x3c3: {  	s10 =	rddreg [dreg:$0x10];
	s0 =	smov.u32 s25  }
0x3c4: {  	s0 =	simm.s32 $0x9  }
0x3c5: {  	_ =	swait.ge [sflag:s0], $0x4000  }
0x3c6: {  	[sflag:s0] =	ssyncset.done $0x0  }
0x3c7: {  	s29 =	simm.s32 $0xC;
	[sflag:s0] =	ssyncadd.s32 $0xFFFFC000  }
0x3c8: {  	_ =	swait.ge [sflag:s29], $0x4000  }
0x3c9: {  	[sflag:s29] =	ssyncset.done $0x0  }
0x3ca: {  	s30 =	simm.s32 $0x7;
	[sflag:s29] =	ssyncadd.s32 $0xFFFFC000  }
0x3cb: {  	_ =	swait.ge [sflag:s30], $0x4000  }
0x3cc: {  	[sflag:s30] =	ssyncset.done $0x0  }
0x3cd: {  	s1 =	simm.s32 $0xA;
	[sflag:s30] =	ssyncadd.s32 $0xFFFFC000  }
0x3ce: {  	_ =	swait.ge [sflag:s1], $0x4000  }
0x3cf: {  	s2 =	rddreg [dreg:$0x13]  }
0x3d0: {  	s31 =	rddreg [dreg:$0x12];
	s2 =	sadd.s32 $0x1, s2  }
0x3d1: {  	p0 =	sne.s32 s2, s31  }
.Ltmp4:
0x3d2: {  	_ = 	snop;
	(pc) =	sbr.rel @p0 .LBB2_1-.Ltmp4, $3  }
0x3d3: {  	_ =	sdelay $0x1  }
0x3d4: {  	[sflag:s1] =	ssyncset.done $0x0  }
0x3d5: {  	[sflag:s1] =	ssyncadd.s32 $0xFFFFC000;
	s1 =	rddreg [dreg:$0x11]  }
0x3d6: {  	_ =	sfence.sel $0x180000  }
0x3d7: {  	[bflag:$0x0] =	sbarrier.arrive $0xFFFF  }
0x3d8: {  	_ =	strace $0x90000047  }
0x3d9: {  	s0 =	stileid.u32;
	[bflag:$0x2] =	sbarrier.arrive $0xFFFF  }
0x3da: {  	p0 =	sne.s32 s0, $0x0;
	s0 =	rddreg [dreg:$0x4]  }
0x3db: {  	s0 =	sadd.s32 @!p0 $0x100000, s0  }
0x3dc: {  	[sflag:s0] =	ssyncadd.tile.s32 @!p0 $0x1;
	_ =	shalt  }
.Lfunc_end2:
_tile_overlayer_lowered:
.L_overlay_start_2:
0x3dd: {  	(tag) =	ssettag $0x2  }
0x3de: {  	s0 =	rddreg [dreg:$0x0];
	s2 =	stileid.u32  }
0x3df: {  	s1 =	rddreg [dreg:$0x1];
	p0 =	sne.s32 s2, $0x0  }
0x3e0: {  	s3 =	rddreg [dreg:$0x2];
	[bflag:$0x3] =	sbarrier.arrive $0xFFFF;
	s2 =	simm.s32 @!p0 $0x1C0D  }
0x3e1: {  	[timem:s3], [sflag:s2] =	dma.local @!p0 [hbm:s0], s1  }
0x3e2: {  	s0 =	simm.s32 @!p0 $0xD  }
0x3e3: {  	_ =	swait.ge @!p0 [sflag:s0], s1  }
0x3e4: {  	s1 =	ssub.s32 @!p0 $0x0, s1;
	[sflag:s0] =	ssyncset.done @!p0 $0x0  }
0x3e5: {  	[sflag:s0] =	ssyncadd.s32 @!p0 s1  }
0x3e6: {  	[bflag:$0x3] =	sbarrier.arrive $0xFFFF  }
0x3e7: {  	_ =	shalt  }

</sc_bundles>
